<compile_context>
chip_gen: v7x
topology: tpu7x:2x2x1
jax: 0.10.2.dev20260603
libtpu: 0.0.44.dev20260713+nightly
codegen_flags: <defaults>
</compile_context>

<pallas_src>
import functools

import jax
import jax.numpy as jnp
from jax import lax
from jax.experimental import pallas as pl
from jax.experimental.pallas import tpu as pltpu
from jax.experimental.pallas import tpu_sc as plsc

_VOCAB = 1000000
_EMBED = 32
_BATCH = 16384
_C = 5

_NC = 2
_NS = 16
_NW = _NC * _NS
_BW = _BATCH // _NW
_CW = _BW * _C
_CHUNK = 128
_GB = 16


def _body(tgt_hbm, ctx_hbm, ttab_hbm, ctab_hbm, out_hbm,
          idx_t, idx_c, rows_t, rows_c, out_v, sem):
  wid = lax.axis_index("s") * _NC + lax.axis_index("c")

  pltpu.sync_copy(tgt_hbm.at[wid], idx_t)
  pltpu.sync_copy(ctx_hbm.at[wid], idx_c)

  copies = []
  for j in range(_BW // _CHUNK):
    copies.append(pltpu.async_copy(
        ttab_hbm.at[idx_t.at[j]],
        rows_t.at[pl.ds(j * _CHUNK, _CHUNK)], sem))
  for j in range(_CW // _CHUNK):
    copies.append(pltpu.async_copy(
        ctab_hbm.at[idx_c.at[j]],
        rows_c.at[pl.ds(j * _CHUNK, _CHUNK)], sem))
  for cp in copies:
    cp.wait()

  lanes = lax.iota(jnp.int32, 16)
  masks = [lanes == l for l in range(16)]

  def step(i, _):
    accs = [jnp.zeros((16,), jnp.float32) for _ in range(_C)]
    for k in range(_GB):
      b = i * _GB + k
      w0 = rows_t[b, pl.ds(0, 16)]
      w1 = rows_t[b, pl.ds(16, 16)]
      for c in range(_C):
        r = b * _C + c
        p = w0 * rows_c[r, pl.ds(0, 16)] + w1 * rows_c[r, pl.ds(16, 16)]
        s = jnp.sum(p)
        q = k * _C + c
        accs[q // 16] = jnp.where(masks[q % 16], s, accs[q // 16])
    base = i * (_GB * _C)
    for j in range(_C):
      out_v[pl.ds(base + j * 16, 16)] = accs[j]
    return ()

  lax.fori_loop(0, _BW // _GB, step, ())

  pltpu.sync_copy(out_v, out_hbm.at[wid])


@jax.jit
def _run(tgt3d, ctx3d, target_table, context_table):
  mesh = plsc.VectorSubcoreMesh(core_axis_name="c", subcore_axis_name="s")
  k = functools.partial(
      pl.kernel,
      mesh=mesh,
      compiler_params=pltpu.CompilerParams(
          use_tc_tiling_on_sc=False, needs_layout_passes=False),
      out_type=jax.ShapeDtypeStruct((_NW, _CW), jnp.float32),
      scratch_types=[
          pltpu.VMEM((_BW // _CHUNK, _CHUNK), jnp.int32),
          pltpu.VMEM((_CW // _CHUNK, _CHUNK), jnp.int32),
          pltpu.VMEM((_BW, _EMBED), jnp.float32),
          pltpu.VMEM((_CW, _EMBED), jnp.float32),
          pltpu.VMEM((_CW,), jnp.float32),
          pltpu.SemaphoreType.DMA,
      ],
  )(_body)
  return k(tgt3d, ctx3d, target_table, context_table)


def kernel(target, context, target_table, context_table):
  tgt3d = target.reshape(_NW, _BW // _CHUNK, _CHUNK)
  ctx3d = context.reshape(_NW, _CW // _CHUNK, _CHUNK)
  out = _run(tgt3d, ctx3d, target_table, context_table)
  return out.reshape(_BATCH, _C)

# --- scband reference (transcript-rebuilt; emitter-appended) ---
"""Pipeline reference for scband-word2-vec-7387343749529 (READ-ONLY COPY).

The authoritative reference and input builder live on the scoring server;
editing this copy changes nothing except your own understanding.
"""

import jax, jax.numpy as jnp
import numpy as np

VOCAB = 1000000
EMBED = 32
BATCH = 16384
NUM_NS = 4

def setup_inputs(seed: int = 0) -> dict:
    key = jax.random.key(seed)
    k1, k2, k3, k4 = jax.random.split(key, 4)
    target = jax.random.randint(k1, (BATCH, 1), 0, VOCAB, dtype=jnp.int64 if jax.config.jax_enable_x64 else jnp.int32).astype(jnp.int32)
    context = jax.random.randint(k2, (BATCH, NUM_NS + 1), 0, VOCAB, dtype=jnp.int64 if jax.config.jax_enable_x64 else jnp.int32).astype(jnp.int32)
    target_table = jax.random.normal(k3, (VOCAB, EMBED), dtype=jnp.float32) * 0.02
    context_table = jax.random.normal(k4, (VOCAB, EMBED), dtype=jnp.float32) * 0.02
    return {"target": target, "context": context, "target_table": target_table, "context_table": context_table}

def reference(target, context, target_table, context_table):
    # squeeze target [B,1] -> [B]
    tgt = jnp.squeeze(target, axis=1)
    # embedding lookups (gather)
    word_emb = jnp.take(target_table, tgt, axis=0)          # [B, E]
    context_emb = jnp.take(context_table, context, axis=0)  # [B, C, E]
    # dots = einsum('be,bce->bc')
    dots = jnp.einsum('be,bce->bc', word_emb, context_emb)
    return dots

if __name__ == "__main__":
    import jax
    _d = setup_inputs()
    print(jax.jit(kernel)(*tuple(_d.values())))

</pallas_src>

<mosaic_0001>
#map = affine_map<(d0, d1) -> (0, 0, 0)>
#map1 = affine_map<(d0, d1) -> (0, 0)>
module attributes {stable_mosaic.version = 14 : i64} {
  func.func @_body(%arg0: i32, %arg1: i32, %arg2: memref<32x4x128xi32, #tpu.memory_space<hbm>>, %arg3: memref<32x20x128xi32, #tpu.memory_space<hbm>>, %arg4: memref<1000000x32xf32, #tpu.memory_space<hbm>>, %arg5: memref<1000000x32xf32, #tpu.memory_space<hbm>>, %arg6: memref<32x2560xf32, #tpu.memory_space<hbm>>, %arg7: memref<4x128xi32, #tpu.memory_space<vmem>>, %arg8: memref<20x128xi32, #tpu.memory_space<vmem>>, %arg9: memref<512x32xf32, #tpu.memory_space<vmem>>, %arg10: memref<2560x32xf32, #tpu.memory_space<vmem>>, %arg11: memref<2560xf32, #tpu.memory_space<vmem>>, %arg12: memref<!tpu.dma_semaphore, #tpu.memory_space<semaphore_mem>>) attributes {dimension_semantics = [#tpu.dimension_semantics<core_parallel>, #tpu.dimension_semantics<subcore_parallel>], iteration_bounds = array<i64: 2, 16>, scalar_prefetch = 0 : i64, scratch_operands = 6 : i64, tpu.core_type = #tpu.core_type<sc_vector_subcore>, window_params = [{transform_indices = #map}, {transform_indices = #map}, {transform_indices = #map1}, {transform_indices = #map1}, {transform_indices = #map1}]} {
    %mul3A = arith.constant 2 : i32
    %mul3A_0 = arith.muli %arg1, %mul3A : i32
    %add3A = arith.addi %mul3A_0, %arg0 : i32
    "tpu.region"() ({
      %run_scoped3A = tpu.sem_alloc : memref<!tpu.dma_semaphore, #tpu.memory_space<semaphore_mem>>
      %dma_start3A_530 = arith.constant 0 : i32
      %dma_start3A_531 = arith.constant 0 : i32
      %dma_start3A_532 = tpu.memref_slice %arg2[%add3A, %dma_start3A_530, %dma_start3A_531] : memref<32x4x128xi32, #tpu.memory_space<hbm>> -> memref<1x4x128xi32, #tpu.memory_space<hbm>>
      %dma_start3A_533 = tpu.memref_squeeze %dma_start3A_532 : memref<1x4x128xi32, #tpu.memory_space<hbm>> -> memref<4x128xi32, #tpu.memory_space<hbm>>
      %dma_start3A_534 = arith.constant 0 : i32
      %dma_start3A_535 = arith.constant 0 : i32
      %dma_start3A_536 = tpu.memref_slice %arg2[%add3A, %dma_start3A_534, %dma_start3A_535] : memref<32x4x128xi32, #tpu.memory_space<hbm>> -> memref<1x4x128xi32, #tpu.memory_space<hbm>>
      %dma_start3A_537 = tpu.memref_squeeze %dma_start3A_536 : memref<1x4x128xi32, #tpu.memory_space<hbm>> -> memref<4x128xi32, #tpu.memory_space<hbm>>
      tpu.enqueue_dma source(%dma_start3A_537 : memref<4x128xi32, #tpu.memory_space<hbm>>) target(%arg7 : memref<4x128xi32, #tpu.memory_space<vmem>>) target_semaphore(%run_scoped3A : memref<!tpu.dma_semaphore, #tpu.memory_space<semaphore_mem>>)
      %dma_wait3A_538 = arith.constant 0 : i32
      %dma_wait3A_539 = arith.constant 0 : i32
      %dma_wait3A_540 = tpu.memref_slice %arg2[%add3A, %dma_wait3A_538, %dma_wait3A_539] : memref<32x4x128xi32, #tpu.memory_space<hbm>> -> memref<1x4x128xi32, #tpu.memory_space<hbm>>
      %dma_wait3A_541 = tpu.memref_squeeze %dma_wait3A_540 : memref<1x4x128xi32, #tpu.memory_space<hbm>> -> memref<4x128xi32, #tpu.memory_space<hbm>>
      %dma_wait3A_542 = arith.constant 0 : i32
      %dma_wait3A_543 = arith.constant 0 : i32
      %dma_wait3A_544 = tpu.memref_slice %arg2[%add3A, %dma_wait3A_542, %dma_wait3A_543] : memref<32x4x128xi32, #tpu.memory_space<hbm>> -> memref<1x4x128xi32, #tpu.memory_space<hbm>>
      %dma_wait3A_545 = tpu.memref_squeeze %dma_wait3A_544 : memref<1x4x128xi32, #tpu.memory_space<hbm>> -> memref<4x128xi32, #tpu.memory_space<hbm>>
      tpu.wait_dma2 semaphore(%run_scoped3A : memref<!tpu.dma_semaphore, #tpu.memory_space<semaphore_mem>>) src(%dma_wait3A_545 : memref<4x128xi32, #tpu.memory_space<hbm>>) dst(%arg7 : memref<4x128xi32, #tpu.memory_space<vmem>>)
      tpu.yield
    }) : () -> ()
    "tpu.region"() ({
      %run_scoped3A = tpu.sem_alloc : memref<!tpu.dma_semaphore, #tpu.memory_space<semaphore_mem>>
      %dma_start3A_530 = arith.constant 0 : i32
      %dma_start3A_531 = arith.constant 0 : i32
      %dma_start3A_532 = tpu.memref_slice %arg3[%add3A, %dma_start3A_530, %dma_start3A_531] : memref<32x20x128xi32, #tpu.memory_space<hbm>> -> memref<1x20x128xi32, #tpu.memory_space<hbm>>
      %dma_start3A_533 = tpu.memref_squeeze %dma_start3A_532 : memref<1x20x128xi32, #tpu.memory_space<hbm>> -> memref<20x128xi32, #tpu.memory_space<hbm>>
      %dma_start3A_534 = arith.constant 0 : i32
      %dma_start3A_535 = arith.constant 0 : i32
      %dma_start3A_536 = tpu.memref_slice %arg3[%add3A, %dma_start3A_534, %dma_start3A_535] : memref<32x20x128xi32, #tpu.memory_space<hbm>> -> memref<1x20x128xi32, #tpu.memory_space<hbm>>
      %dma_start3A_537 = tpu.memref_squeeze %dma_start3A_536 : memref<1x20x128xi32, #tpu.memory_space<hbm>> -> memref<20x128xi32, #tpu.memory_space<hbm>>
      tpu.enqueue_dma source(%dma_start3A_537 : memref<20x128xi32, #tpu.memory_space<hbm>>) target(%arg8 : memref<20x128xi32, #tpu.memory_space<vmem>>) target_semaphore(%run_scoped3A : memref<!tpu.dma_semaphore, #tpu.memory_space<semaphore_mem>>)
      %dma_wait3A_538 = arith.constant 0 : i32
      %dma_wait3A_539 = arith.constant 0 : i32
      %dma_wait3A_540 = tpu.memref_slice %arg3[%add3A, %dma_wait3A_538, %dma_wait3A_539] : memref<32x20x128xi32, #tpu.memory_space<hbm>> -> memref<1x20x128xi32, #tpu.memory_space<hbm>>
      %dma_wait3A_541 = tpu.memref_squeeze %dma_wait3A_540 : memref<1x20x128xi32, #tpu.memory_space<hbm>> -> memref<20x128xi32, #tpu.memory_space<hbm>>
      %dma_wait3A_542 = arith.constant 0 : i32
      %dma_wait3A_543 = arith.constant 0 : i32
      %dma_wait3A_544 = tpu.memref_slice %arg3[%add3A, %dma_wait3A_542, %dma_wait3A_543] : memref<32x20x128xi32, #tpu.memory_space<hbm>> -> memref<1x20x128xi32, #tpu.memory_space<hbm>>
      %dma_wait3A_545 = tpu.memref_squeeze %dma_wait3A_544 : memref<1x20x128xi32, #tpu.memory_space<hbm>> -> memref<20x128xi32, #tpu.memory_space<hbm>>
      tpu.wait_dma2 semaphore(%run_scoped3A : memref<!tpu.dma_semaphore, #tpu.memory_space<semaphore_mem>>) src(%dma_wait3A_545 : memref<20x128xi32, #tpu.memory_space<hbm>>) dst(%arg8 : memref<20x128xi32, #tpu.memory_space<vmem>>)
      tpu.yield
    }) : () -> ()
    %dma_start3A = arith.constant 0 : i32
    %dma_start3A_1 = arith.constant 0 : i32
    %dma_start3A_2 = arith.constant 0 : i32
    %dma_start3A_3 = tpu.memref_slice %arg9[%dma_start3A_1, %dma_start3A_2] : memref<512x32xf32, #tpu.memory_space<vmem>> -> memref<128x32xf32, #tpu.memory_space<vmem>>
    %dma_start3A_4 = arith.constant 0 : i32
    %dma_start3A_5 = tpu.memref_slice %arg7[%dma_start3A, %dma_start3A_4] : memref<4x128xi32, #tpu.memory_space<vmem>> -> memref<1x128xi32, #tpu.memory_space<vmem>>
    %dma_start3A_6 = tpu.memref_squeeze %dma_start3A_5 : memref<1x128xi32, #tpu.memory_space<vmem>> -> memref<128xi32, #tpu.memory_space<vmem>>
    %dma_start3A_7 = arith.constant 0 : i32
    %dma_start3A_8 = arith.constant 0 : i32
    %dma_start3A_9 = tpu.memref_slice %arg4[%dma_start3A_7, %dma_start3A_8] : memref<1000000x32xf32, #tpu.memory_space<hbm>> -> memref<1000000x32xf32, #tpu.memory_space<hbm>>
    tpu.enqueue_indirect_dma source(%dma_start3A_9 : memref<1000000x32xf32, #tpu.memory_space<hbm>>) target(%dma_start3A_3 : memref<128x32xf32, #tpu.memory_space<vmem>>) offsets(%dma_start3A_6 : memref<128xi32, #tpu.memory_space<vmem>>) semaphore(%arg12 : memref<!tpu.dma_semaphore, #tpu.memory_space<semaphore_mem>>)
    %dma_start3A_10 = arith.constant 1 : i32
    %dma_start3A_11 = arith.constant 128 : i32
    %dma_start3A_12 = arith.constant 0 : i32
    %dma_start3A_13 = tpu.memref_slice %arg9[%dma_start3A_11, %dma_start3A_12] : memref<512x32xf32, #tpu.memory_space<vmem>> -> memref<128x32xf32, #tpu.memory_space<vmem>>
    %dma_start3A_14 = arith.constant 0 : i32
    %dma_start3A_15 = tpu.memref_slice %arg7[%dma_start3A_10, %dma_start3A_14] : memref<4x128xi32, #tpu.memory_space<vmem>> -> memref<1x128xi32, #tpu.memory_space<vmem>>
    %dma_start3A_16 = tpu.memref_squeeze %dma_start3A_15 : memref<1x128xi32, #tpu.memory_space<vmem>> -> memref<128xi32, #tpu.memory_space<vmem>>
    %dma_start3A_17 = arith.constant 0 : i32
    %dma_start3A_18 = arith.constant 0 : i32
    %dma_start3A_19 = tpu.memref_slice %arg4[%dma_start3A_17, %dma_start3A_18] : memref<1000000x32xf32, #tpu.memory_space<hbm>> -> memref<1000000x32xf32, #tpu.memory_space<hbm>>
    tpu.enqueue_indirect_dma source(%dma_start3A_19 : memref<1000000x32xf32, #tpu.memory_space<hbm>>) target(%dma_start3A_13 : memref<128x32xf32, #tpu.memory_space<vmem>>) offsets(%dma_start3A_16 : memref<128xi32, #tpu.memory_space<vmem>>) semaphore(%arg12 : memref<!tpu.dma_semaphore, #tpu.memory_space<semaphore_mem>>)
    %dma_start3A_20 = arith.constant 2 : i32
    %dma_start3A_21 = arith.constant 256 : i32
    %dma_start3A_22 = arith.constant 0 : i32
    %dma_start3A_23 = tpu.memref_slice %arg9[%dma_start3A_21, %dma_start3A_22] : memref<512x32xf32, #tpu.memory_space<vmem>> -> memref<128x32xf32, #tpu.memory_space<vmem>>
    %dma_start3A_24 = arith.constant 0 : i32
    %dma_start3A_25 = tpu.memref_slice %arg7[%dma_start3A_20, %dma_start3A_24] : memref<4x128xi32, #tpu.memory_space<vmem>> -> memref<1x128xi32, #tpu.memory_space<vmem>>
    %dma_start3A_26 = tpu.memref_squeeze %dma_start3A_25 : memref<1x128xi32, #tpu.memory_space<vmem>> -> memref<128xi32, #tpu.memory_space<vmem>>
    %dma_start3A_27 = arith.constant 0 : i32
    %dma_start3A_28 = arith.constant 0 : i32
    %dma_start3A_29 = tpu.memref_slice %arg4[%dma_start3A_27, %dma_start3A_28] : memref<1000000x32xf32, #tpu.memory_space<hbm>> -> memref<1000000x32xf32, #tpu.memory_space<hbm>>
    tpu.enqueue_indirect_dma source(%dma_start3A_29 : memref<1000000x32xf32, #tpu.memory_space<hbm>>) target(%dma_start3A_23 : memref<128x32xf32, #tpu.memory_space<vmem>>) offsets(%dma_start3A_26 : memref<128xi32, #tpu.memory_space<vmem>>) semaphore(%arg12 : memref<!tpu.dma_semaphore, #tpu.memory_space<semaphore_mem>>)
    %dma_start3A_30 = arith.constant 3 : i32
    %dma_start3A_31 = arith.constant 384 : i32
    %dma_start3A_32 = arith.constant 0 : i32
    %dma_start3A_33 = tpu.memref_slice %arg9[%dma_start3A_31, %dma_start3A_32] : memref<512x32xf32, #tpu.memory_space<vmem>> -> memref<128x32xf32, #tpu.memory_space<vmem>>
    %dma_start3A_34 = arith.constant 0 : i32
    %dma_start3A_35 = tpu.memref_slice %arg7[%dma_start3A_30, %dma_start3A_34] : memref<4x128xi32, #tpu.memory_space<vmem>> -> memref<1x128xi32, #tpu.memory_space<vmem>>
    %dma_start3A_36 = tpu.memref_squeeze %dma_start3A_35 : memref<1x128xi32, #tpu.memory_space<vmem>> -> memref<128xi32, #tpu.memory_space<vmem>>
    %dma_start3A_37 = arith.constant 0 : i32
    %dma_start3A_38 = arith.constant 0 : i32
    %dma_start3A_39 = tpu.memref_slice %arg4[%dma_start3A_37, %dma_start3A_38] : memref<1000000x32xf32, #tpu.memory_space<hbm>> -> memref<1000000x32xf32, #tpu.memory_space<hbm>>
    tpu.enqueue_indirect_dma source(%dma_start3A_39 : memref<1000000x32xf32, #tpu.memory_space<hbm>>) target(%dma_start3A_33 : memref<128x32xf32, #tpu.memory_space<vmem>>) offsets(%dma_start3A_36 : memref<128xi32, #tpu.memory_space<vmem>>) semaphore(%arg12 : memref<!tpu.dma_semaphore, #tpu.memory_space<semaphore_mem>>)
    %dma_start3A_40 = arith.constant 0 : i32
    %dma_start3A_41 = arith.constant 0 : i32
    %dma_start3A_42 = arith.constant 0 : i32
    %dma_start3A_43 = tpu.memref_slice %arg10[%dma_start3A_41, %dma_start3A_42] : memref<2560x32xf32, #tpu.memory_space<vmem>> -> memref<128x32xf32, #tpu.memory_space<vmem>>
    %dma_start3A_44 = arith.constant 0 : i32
    %dma_start3A_45 = tpu.memref_slice %arg8[%dma_start3A_40, %dma_start3A_44] : memref<20x128xi32, #tpu.memory_space<vmem>> -> memref<1x128xi32, #tpu.memory_space<vmem>>
    %dma_start3A_46 = tpu.memref_squeeze %dma_start3A_45 : memref<1x128xi32, #tpu.memory_space<vmem>> -> memref<128xi32, #tpu.memory_space<vmem>>
    %dma_start3A_47 = arith.constant 0 : i32
    %dma_start3A_48 = arith.constant 0 : i32
    %dma_start3A_49 = tpu.memref_slice %arg5[%dma_start3A_47, %dma_start3A_48] : memref<1000000x32xf32, #tpu.memory_space<hbm>> -> memref<1000000x32xf32, #tpu.memory_space<hbm>>
    tpu.enqueue_indirect_dma source(%dma_start3A_49 : memref<1000000x32xf32, #tpu.memory_space<hbm>>) target(%dma_start3A_43 : memref<128x32xf32, #tpu.memory_space<vmem>>) offsets(%dma_start3A_46 : memref<128xi32, #tpu.memory_space<vmem>>) semaphore(%arg12 : memref<!tpu.dma_semaphore, #tpu.memory_space<semaphore_mem>>)
    %dma_start3A_50 = arith.constant 1 : i32
    %dma_start3A_51 = arith.constant 128 : i32
    %dma_start3A_52 = arith.constant 0 : i32
    %dma_start3A_53 = tpu.memref_slice %arg10[%dma_start3A_51, %dma_start3A_52] : memref<2560x32xf32, #tpu.memory_space<vmem>> -> memref<128x32xf32, #tpu.memory_space<vmem>>
    %dma_start3A_54 = arith.constant 0 : i32
    %dma_start3A_55 = tpu.memref_slice %arg8[%dma_start3A_50, %dma_start3A_54] : memref<20x128xi32, #tpu.memory_space<vmem>> -> memref<1x128xi32, #tpu.memory_space<vmem>>
    %dma_start3A_56 = tpu.memref_squeeze %dma_start3A_55 : memref<1x128xi32, #tpu.memory_space<vmem>> -> memref<128xi32, #tpu.memory_space<vmem>>
    %dma_start3A_57 = arith.constant 0 : i32
    %dma_start3A_58 = arith.constant 0 : i32
    %dma_start3A_59 = tpu.memref_slice %arg5[%dma_start3A_57, %dma_start3A_58] : memref<1000000x32xf32, #tpu.memory_space<hbm>> -> memref<1000000x32xf32, #tpu.memory_space<hbm>>
    tpu.enqueue_indirect_dma source(%dma_start3A_59 : memref<1000000x32xf32, #tpu.memory_space<hbm>>) target(%dma_start3A_53 : memref<128x32xf32, #tpu.memory_space<vmem>>) offsets(%dma_start3A_56 : memref<128xi32, #tpu.memory_space<vmem>>) semaphore(%arg12 : memref<!tpu.dma_semaphore, #tpu.memory_space<semaphore_mem>>)
    %dma_start3A_60 = arith.constant 2 : i32
    %dma_start3A_61 = arith.constant 256 : i32
    %dma_start3A_62 = arith.constant 0 : i32
    %dma_start3A_63 = tpu.memref_slice %arg10[%dma_start3A_61, %dma_start3A_62] : memref<2560x32xf32, #tpu.memory_space<vmem>> -> memref<128x32xf32, #tpu.memory_space<vmem>>
    %dma_start3A_64 = arith.constant 0 : i32
    %dma_start3A_65 = tpu.memref_slice %arg8[%dma_start3A_60, %dma_start3A_64] : memref<20x128xi32, #tpu.memory_space<vmem>> -> memref<1x128xi32, #tpu.memory_space<vmem>>
    %dma_start3A_66 = tpu.memref_squeeze %dma_start3A_65 : memref<1x128xi32, #tpu.memory_space<vmem>> -> memref<128xi32, #tpu.memory_space<vmem>>
    %dma_start3A_67 = arith.constant 0 : i32
    %dma_start3A_68 = arith.constant 0 : i32
    %dma_start3A_69 = tpu.memref_slice %arg5[%dma_start3A_67, %dma_start3A_68] : memref<1000000x32xf32, #tpu.memory_space<hbm>> -> memref<1000000x32xf32, #tpu.memory_space<hbm>>
    tpu.enqueue_indirect_dma source(%dma_start3A_69 : memref<1000000x32xf32, #tpu.memory_space<hbm>>) target(%dma_start3A_63 : memref<128x32xf32, #tpu.memory_space<vmem>>) offsets(%dma_start3A_66 : memref<128xi32, #tpu.memory_space<vmem>>) semaphore(%arg12 : memref<!tpu.dma_semaphore, #tpu.memory_space<semaphore_mem>>)
    %dma_start3A_70 = arith.constant 3 : i32
    %dma_start3A_71 = arith.constant 384 : i32
    %dma_start3A_72 = arith.constant 0 : i32
    %dma_start3A_73 = tpu.memref_slice %arg10[%dma_start3A_71, %dma_start3A_72] : memref<2560x32xf32, #tpu.memory_space<vmem>> -> memref<128x32xf32, #tpu.memory_space<vmem>>
    %dma_start3A_74 = arith.constant 0 : i32
    %dma_start3A_75 = tpu.memref_slice %arg8[%dma_start3A_70, %dma_start3A_74] : memref<20x128xi32, #tpu.memory_space<vmem>> -> memref<1x128xi32, #tpu.memory_space<vmem>>
    %dma_start3A_76 = tpu.memref_squeeze %dma_start3A_75 : memref<1x128xi32, #tpu.memory_space<vmem>> -> memref<128xi32, #tpu.memory_space<vmem>>
    %dma_start3A_77 = arith.constant 0 : i32
    %dma_start3A_78 = arith.constant 0 : i32
    %dma_start3A_79 = tpu.memref_slice %arg5[%dma_start3A_77, %dma_start3A_78] : memref<1000000x32xf32, #tpu.memory_space<hbm>> -> memref<1000000x32xf32, #tpu.memory_space<hbm>>
    tpu.enqueue_indirect_dma source(%dma_start3A_79 : memref<1000000x32xf32, #tpu.memory_space<hbm>>) target(%dma_start3A_73 : memref<128x32xf32, #tpu.memory_space<vmem>>) offsets(%dma_start3A_76 : memref<128xi32, #tpu.memory_space<vmem>>) semaphore(%arg12 : memref<!tpu.dma_semaphore, #tpu.memory_space<semaphore_mem>>)
    %dma_start3A_80 = arith.constant 4 : i32
    %dma_start3A_81 = arith.constant 512 : i32
    %dma_start3A_82 = arith.constant 0 : i32
    %dma_start3A_83 = tpu.memref_slice %arg10[%dma_start3A_81, %dma_start3A_82] : memref<2560x32xf32, #tpu.memory_space<vmem>> -> memref<128x32xf32, #tpu.memory_space<vmem>>
    %dma_start3A_84 = arith.constant 0 : i32
    %dma_start3A_85 = tpu.memref_slice %arg8[%dma_start3A_80, %dma_start3A_84] : memref<20x128xi32, #tpu.memory_space<vmem>> -> memref<1x128xi32, #tpu.memory_space<vmem>>
    %dma_start3A_86 = tpu.memref_squeeze %dma_start3A_85 : memref<1x128xi32, #tpu.memory_space<vmem>> -> memref<128xi32, #tpu.memory_space<vmem>>
    %dma_start3A_87 = arith.constant 0 : i32
    %dma_start3A_88 = arith.constant 0 : i32
    %dma_start3A_89 = tpu.memref_slice %arg5[%dma_start3A_87, %dma_start3A_88] : memref<1000000x32xf32, #tpu.memory_space<hbm>> -> memref<1000000x32xf32, #tpu.memory_space<hbm>>
    tpu.enqueue_indirect_dma source(%dma_start3A_89 : memref<1000000x32xf32, #tpu.memory_space<hbm>>) target(%dma_start3A_83 : memref<128x32xf32, #tpu.memory_space<vmem>>) offsets(%dma_start3A_86 : memref<128xi32, #tpu.memory_space<vmem>>) semaphore(%arg12 : memref<!tpu.dma_semaphore, #tpu.memory_space<semaphore_mem>>)
    %dma_start3A_90 = arith.constant 5 : i32
    %dma_start3A_91 = arith.constant 640 : i32
    %dma_start3A_92 = arith.constant 0 : i32
    %dma_start3A_93 = tpu.memref_slice %arg10[%dma_start3A_91, %dma_start3A_92] : memref<2560x32xf32, #tpu.memory_space<vmem>> -> memref<128x32xf32, #tpu.memory_space<vmem>>
    %dma_start3A_94 = arith.constant 0 : i32
    %dma_start3A_95 = tpu.memref_slice %arg8[%dma_start3A_90, %dma_start3A_94] : memref<20x128xi32, #tpu.memory_space<vmem>> -> memref<1x128xi32, #tpu.memory_space<vmem>>
    %dma_start3A_96 = tpu.memref_squeeze %dma_start3A_95 : memref<1x128xi32, #tpu.memory_space<vmem>> -> memref<128xi32, #tpu.memory_space<vmem>>
    %dma_start3A_97 = arith.constant 0 : i32
    %dma_start3A_98 = arith.constant 0 : i32
    %dma_start3A_99 = tpu.memref_slice %arg5[%dma_start3A_97, %dma_start3A_98] : memref<1000000x32xf32, #tpu.memory_space<hbm>> -> memref<1000000x32xf32, #tpu.memory_space<hbm>>
    tpu.enqueue_indirect_dma source(%dma_start3A_99 : memref<1000000x32xf32, #tpu.memory_space<hbm>>) target(%dma_start3A_93 : memref<128x32xf32, #tpu.memory_space<vmem>>) offsets(%dma_start3A_96 : memref<128xi32, #tpu.memory_space<vmem>>) semaphore(%arg12 : memref<!tpu.dma_semaphore, #tpu.memory_space<semaphore_mem>>)
    %dma_start3A_100 = arith.constant 6 : i32
    %dma_start3A_101 = arith.constant 768 : i32
    %dma_start3A_102 = arith.constant 0 : i32
    %dma_start3A_103 = tpu.memref_slice %arg10[%dma_start3A_101, %dma_start3A_102] : memref<2560x32xf32, #tpu.memory_space<vmem>> -> memref<128x32xf32, #tpu.memory_space<vmem>>
    %dma_start3A_104 = arith.constant 0 : i32
    %dma_start3A_105 = tpu.memref_slice %arg8[%dma_start3A_100, %dma_start3A_104] : memref<20x128xi32, #tpu.memory_space<vmem>> -> memref<1x128xi32, #tpu.memory_space<vmem>>
    %dma_start3A_106 = tpu.memref_squeeze %dma_start3A_105 : memref<1x128xi32, #tpu.memory_space<vmem>> -> memref<128xi32, #tpu.memory_space<vmem>>
    %dma_start3A_107 = arith.constant 0 : i32
    %dma_start3A_108 = arith.constant 0 : i32
    %dma_start3A_109 = tpu.memref_slice %arg5[%dma_start3A_107, %dma_start3A_108] : memref<1000000x32xf32, #tpu.memory_space<hbm>> -> memref<1000000x32xf32, #tpu.memory_space<hbm>>
    tpu.enqueue_indirect_dma source(%dma_start3A_109 : memref<1000000x32xf32, #tpu.memory_space<hbm>>) target(%dma_start3A_103 : memref<128x32xf32, #tpu.memory_space<vmem>>) offsets(%dma_start3A_106 : memref<128xi32, #tpu.memory_space<vmem>>) semaphore(%arg12 : memref<!tpu.dma_semaphore, #tpu.memory_space<semaphore_mem>>)
    %dma_start3A_110 = arith.constant 7 : i32
    %dma_start3A_111 = arith.constant 896 : i32
    %dma_start3A_112 = arith.constant 0 : i32
    %dma_start3A_113 = tpu.memref_slice %arg10[%dma_start3A_111, %dma_start3A_112] : memref<2560x32xf32, #tpu.memory_space<vmem>> -> memref<128x32xf32, #tpu.memory_space<vmem>>
    %dma_start3A_114 = arith.constant 0 : i32
    %dma_start3A_115 = tpu.memref_slice %arg8[%dma_start3A_110, %dma_start3A_114] : memref<20x128xi32, #tpu.memory_space<vmem>> -> memref<1x128xi32, #tpu.memory_space<vmem>>
    %dma_start3A_116 = tpu.memref_squeeze %dma_start3A_115 : memref<1x128xi32, #tpu.memory_space<vmem>> -> memref<128xi32, #tpu.memory_space<vmem>>
    %dma_start3A_117 = arith.constant 0 : i32
    %dma_start3A_118 = arith.constant 0 : i32
    %dma_start3A_119 = tpu.memref_slice %arg5[%dma_start3A_117, %dma_start3A_118] : memref<1000000x32xf32, #tpu.memory_space<hbm>> -> memref<1000000x32xf32, #tpu.memory_space<hbm>>
    tpu.enqueue_indirect_dma source(%dma_start3A_119 : memref<1000000x32xf32, #tpu.memory_space<hbm>>) target(%dma_start3A_113 : memref<128x32xf32, #tpu.memory_space<vmem>>) offsets(%dma_start3A_116 : memref<128xi32, #tpu.memory_space<vmem>>) semaphore(%arg12 : memref<!tpu.dma_semaphore, #tpu.memory_space<semaphore_mem>>)
    %dma_start3A_120 = arith.constant 8 : i32
    %dma_start3A_121 = arith.constant 1024 : i32
    %dma_start3A_122 = arith.constant 0 : i32
    %dma_start3A_123 = tpu.memref_slice %arg10[%dma_start3A_121, %dma_start3A_122] : memref<2560x32xf32, #tpu.memory_space<vmem>> -> memref<128x32xf32, #tpu.memory_space<vmem>>
    %dma_start3A_124 = arith.constant 0 : i32
    %dma_start3A_125 = tpu.memref_slice %arg8[%dma_start3A_120, %dma_start3A_124] : memref<20x128xi32, #tpu.memory_space<vmem>> -> memref<1x128xi32, #tpu.memory_space<vmem>>
    %dma_start3A_126 = tpu.memref_squeeze %dma_start3A_125 : memref<1x128xi32, #tpu.memory_space<vmem>> -> memref<128xi32, #tpu.memory_space<vmem>>
    %dma_start3A_127 = arith.constant 0 : i32
    %dma_start3A_128 = arith.constant 0 : i32
    %dma_start3A_129 = tpu.memref_slice %arg5[%dma_start3A_127, %dma_start3A_128] : memref<1000000x32xf32, #tpu.memory_space<hbm>> -> memref<1000000x32xf32, #tpu.memory_space<hbm>>
    tpu.enqueue_indirect_dma source(%dma_start3A_129 : memref<1000000x32xf32, #tpu.memory_space<hbm>>) target(%dma_start3A_123 : memref<128x32xf32, #tpu.memory_space<vmem>>) offsets(%dma_start3A_126 : memref<128xi32, #tpu.memory_space<vmem>>) semaphore(%arg12 : memref<!tpu.dma_semaphore, #tpu.memory_space<semaphore_mem>>)
    %dma_start3A_130 = arith.constant 9 : i32
    %dma_start3A_131 = arith.constant 1152 : i32
    %dma_start3A_132 = arith.constant 0 : i32
    %dma_start3A_133 = tpu.memref_slice %arg10[%dma_start3A_131, %dma_start3A_132] : memref<2560x32xf32, #tpu.memory_space<vmem>> -> memref<128x32xf32, #tpu.memory_space<vmem>>
    %dma_start3A_134 = arith.constant 0 : i32
    %dma_start3A_135 = tpu.memref_slice %arg8[%dma_start3A_130, %dma_start3A_134] : memref<20x128xi32, #tpu.memory_space<vmem>> -> memref<1x128xi32, #tpu.memory_space<vmem>>
    %dma_start3A_136 = tpu.memref_squeeze %dma_start3A_135 : memref<1x128xi32, #tpu.memory_space<vmem>> -> memref<128xi32, #tpu.memory_space<vmem>>
    %dma_start3A_137 = arith.constant 0 : i32
    %dma_start3A_138 = arith.constant 0 : i32
    %dma_start3A_139 = tpu.memref_slice %arg5[%dma_start3A_137, %dma_start3A_138] : memref<1000000x32xf32, #tpu.memory_space<hbm>> -> memref<1000000x32xf32, #tpu.memory_space<hbm>>
    tpu.enqueue_indirect_dma source(%dma_start3A_139 : memref<1000000x32xf32, #tpu.memory_space<hbm>>) target(%dma_start3A_133 : memref<128x32xf32, #tpu.memory_space<vmem>>) offsets(%dma_start3A_136 : memref<128xi32, #tpu.memory_space<vmem>>) semaphore(%arg12 : memref<!tpu.dma_semaphore, #tpu.memory_space<semaphore_mem>>)
    %dma_start3A_140 = arith.constant 10 : i32
    %dma_start3A_141 = arith.constant 1280 : i32
    %dma_start3A_142 = arith.constant 0 : i32
    %dma_start3A_143 = tpu.memref_slice %arg10[%dma_start3A_141, %dma_start3A_142] : memref<2560x32xf32, #tpu.memory_space<vmem>> -> memref<128x32xf32, #tpu.memory_space<vmem>>
    %dma_start3A_144 = arith.constant 0 : i32
    %dma_start3A_145 = tpu.memref_slice %arg8[%dma_start3A_140, %dma_start3A_144] : memref<20x128xi32, #tpu.memory_space<vmem>> -> memref<1x128xi32, #tpu.memory_space<vmem>>
    %dma_start3A_146 = tpu.memref_squeeze %dma_start3A_145 : memref<1x128xi32, #tpu.memory_space<vmem>> -> memref<128xi32, #tpu.memory_space<vmem>>
    %dma_start3A_147 = arith.constant 0 : i32
    %dma_start3A_148 = arith.constant 0 : i32
    %dma_start3A_149 = tpu.memref_slice %arg5[%dma_start3A_147, %dma_start3A_148] : memref<1000000x32xf32, #tpu.memory_space<hbm>> -> memref<1000000x32xf32, #tpu.memory_space<hbm>>
    tpu.enqueue_indirect_dma source(%dma_start3A_149 : memref<1000000x32xf32, #tpu.memory_space<hbm>>) target(%dma_start3A_143 : memref<128x32xf32, #tpu.memory_space<vmem>>) offsets(%dma_start3A_146 : memref<128xi32, #tpu.memory_space<vmem>>) semaphore(%arg12 : memref<!tpu.dma_semaphore, #tpu.memory_space<semaphore_mem>>)
    %dma_start3A_150 = arith.constant 11 : i32
    %dma_start3A_151 = arith.constant 1408 : i32
    %dma_start3A_152 = arith.constant 0 : i32
    %dma_start3A_153 = tpu.memref_slice %arg10[%dma_start3A_151, %dma_start3A_152] : memref<2560x32xf32, #tpu.memory_space<vmem>> -> memref<128x32xf32, #tpu.memory_space<vmem>>
    %dma_start3A_154 = arith.constant 0 : i32
    %dma_start3A_155 = tpu.memref_slice %arg8[%dma_start3A_150, %dma_start3A_154] : memref<20x128xi32, #tpu.memory_space<vmem>> -> memref<1x128xi32, #tpu.memory_space<vmem>>
    %dma_start3A_156 = tpu.memref_squeeze %dma_start3A_155 : memref<1x128xi32, #tpu.memory_space<vmem>> -> memref<128xi32, #tpu.memory_space<vmem>>
    %dma_start3A_157 = arith.constant 0 : i32
    %dma_start3A_158 = arith.constant 0 : i32
    %dma_start3A_159 = tpu.memref_slice %arg5[%dma_start3A_157, %dma_start3A_158] : memref<1000000x32xf32, #tpu.memory_space<hbm>> -> memref<1000000x32xf32, #tpu.memory_space<hbm>>
    tpu.enqueue_indirect_dma source(%dma_start3A_159 : memref<1000000x32xf32, #tpu.memory_space<hbm>>) target(%dma_start3A_153 : memref<128x32xf32, #tpu.memory_space<vmem>>) offsets(%dma_start3A_156 : memref<128xi32, #tpu.memory_space<vmem>>) semaphore(%arg12 : memref<!tpu.dma_semaphore, #tpu.memory_space<semaphore_mem>>)
    %dma_start3A_160 = arith.constant 12 : i32
    %dma_start3A_161 = arith.constant 1536 : i32
    %dma_start3A_162 = arith.constant 0 : i32
    %dma_start3A_163 = tpu.memref_slice %arg10[%dma_start3A_161, %dma_start3A_162] : memref<2560x32xf32, #tpu.memory_space<vmem>> -> memref<128x32xf32, #tpu.memory_space<vmem>>
    %dma_start3A_164 = arith.constant 0 : i32
    %dma_start3A_165 = tpu.memref_slice %arg8[%dma_start3A_160, %dma_start3A_164] : memref<20x128xi32, #tpu.memory_space<vmem>> -> memref<1x128xi32, #tpu.memory_space<vmem>>
    %dma_start3A_166 = tpu.memref_squeeze %dma_start3A_165 : memref<1x128xi32, #tpu.memory_space<vmem>> -> memref<128xi32, #tpu.memory_space<vmem>>
    %dma_start3A_167 = arith.constant 0 : i32
    %dma_start3A_168 = arith.constant 0 : i32
    %dma_start3A_169 = tpu.memref_slice %arg5[%dma_start3A_167, %dma_start3A_168] : memref<1000000x32xf32, #tpu.memory_space<hbm>> -> memref<1000000x32xf32, #tpu.memory_space<hbm>>
    tpu.enqueue_indirect_dma source(%dma_start3A_169 : memref<1000000x32xf32, #tpu.memory_space<hbm>>) target(%dma_start3A_163 : memref<128x32xf32, #tpu.memory_space<vmem>>) offsets(%dma_start3A_166 : memref<128xi32, #tpu.memory_space<vmem>>) semaphore(%arg12 : memref<!tpu.dma_semaphore, #tpu.memory_space<semaphore_mem>>)
    %dma_start3A_170 = arith.constant 13 : i32
    %dma_start3A_171 = arith.constant 1664 : i32
    %dma_start3A_172 = arith.constant 0 : i32
    %dma_start3A_173 = tpu.memref_slice %arg10[%dma_start3A_171, %dma_start3A_172] : memref<2560x32xf32, #tpu.memory_space<vmem>> -> memref<128x32xf32, #tpu.memory_space<vmem>>
    %dma_start3A_174 = arith.constant 0 : i32
    %dma_start3A_175 = tpu.memref_slice %arg8[%dma_start3A_170, %dma_start3A_174] : memref<20x128xi32, #tpu.memory_space<vmem>> -> memref<1x128xi32, #tpu.memory_space<vmem>>
    %dma_start3A_176 = tpu.memref_squeeze %dma_start3A_175 : memref<1x128xi32, #tpu.memory_space<vmem>> -> memref<128xi32, #tpu.memory_space<vmem>>
    %dma_start3A_177 = arith.constant 0 : i32
    %dma_start3A_178 = arith.constant 0 : i32
    %dma_start3A_179 = tpu.memref_slice %arg5[%dma_start3A_177, %dma_start3A_178] : memref<1000000x32xf32, #tpu.memory_space<hbm>> -> memref<1000000x32xf32, #tpu.memory_space<hbm>>
    tpu.enqueue_indirect_dma source(%dma_start3A_179 : memref<1000000x32xf32, #tpu.memory_space<hbm>>) target(%dma_start3A_173 : memref<128x32xf32, #tpu.memory_space<vmem>>) offsets(%dma_start3A_176 : memref<128xi32, #tpu.memory_space<vmem>>) semaphore(%arg12 : memref<!tpu.dma_semaphore, #tpu.memory_space<semaphore_mem>>)
    %dma_start3A_180 = arith.constant 14 : i32
    %dma_start3A_181 = arith.constant 1792 : i32
    %dma_start3A_182 = arith.constant 0 : i32
    %dma_start3A_183 = tpu.memref_slice %arg10[%dma_start3A_181, %dma_start3A_182] : memref<2560x32xf32, #tpu.memory_space<vmem>> -> memref<128x32xf32, #tpu.memory_space<vmem>>
    %dma_start3A_184 = arith.constant 0 : i32
    %dma_start3A_185 = tpu.memref_slice %arg8[%dma_start3A_180, %dma_start3A_184] : memref<20x128xi32, #tpu.memory_space<vmem>> -> memref<1x128xi32, #tpu.memory_space<vmem>>
    %dma_start3A_186 = tpu.memref_squeeze %dma_start3A_185 : memref<1x128xi32, #tpu.memory_space<vmem>> -> memref<128xi32, #tpu.memory_space<vmem>>
    %dma_start3A_187 = arith.constant 0 : i32
    %dma_start3A_188 = arith.constant 0 : i32
    %dma_start3A_189 = tpu.memref_slice %arg5[%dma_start3A_187, %dma_start3A_188] : memref<1000000x32xf32, #tpu.memory_space<hbm>> -> memref<1000000x32xf32, #tpu.memory_space<hbm>>
    tpu.enqueue_indirect_dma source(%dma_start3A_189 : memref<1000000x32xf32, #tpu.memory_space<hbm>>) target(%dma_start3A_183 : memref<128x32xf32, #tpu.memory_space<vmem>>) offsets(%dma_start3A_186 : memref<128xi32, #tpu.memory_space<vmem>>) semaphore(%arg12 : memref<!tpu.dma_semaphore, #tpu.memory_space<semaphore_mem>>)
    %dma_start3A_190 = arith.constant 15 : i32
    %dma_start3A_191 = arith.constant 1920 : i32
    %dma_start3A_192 = arith.constant 0 : i32
    %dma_start3A_193 = tpu.memref_slice %arg10[%dma_start3A_191, %dma_start3A_192] : memref<2560x32xf32, #tpu.memory_space<vmem>> -> memref<128x32xf32, #tpu.memory_space<vmem>>
    %dma_start3A_194 = arith.constant 0 : i32
    %dma_start3A_195 = tpu.memref_slice %arg8[%dma_start3A_190, %dma_start3A_194] : memref<20x128xi32, #tpu.memory_space<vmem>> -> memref<1x128xi32, #tpu.memory_space<vmem>>
    %dma_start3A_196 = tpu.memref_squeeze %dma_start3A_195 : memref<1x128xi32, #tpu.memory_space<vmem>> -> memref<128xi32, #tpu.memory_space<vmem>>
    %dma_start3A_197 = arith.constant 0 : i32
    %dma_start3A_198 = arith.constant 0 : i32
    %dma_start3A_199 = tpu.memref_slice %arg5[%dma_start3A_197, %dma_start3A_198] : memref<1000000x32xf32, #tpu.memory_space<hbm>> -> memref<1000000x32xf32, #tpu.memory_space<hbm>>
    tpu.enqueue_indirect_dma source(%dma_start3A_199 : memref<1000000x32xf32, #tpu.memory_space<hbm>>) target(%dma_start3A_193 : memref<128x32xf32, #tpu.memory_space<vmem>>) offsets(%dma_start3A_196 : memref<128xi32, #tpu.memory_space<vmem>>) semaphore(%arg12 : memref<!tpu.dma_semaphore, #tpu.memory_space<semaphore_mem>>)
    %dma_start3A_200 = arith.constant 16 : i32
    %dma_start3A_201 = arith.constant 2048 : i32
    %dma_start3A_202 = arith.constant 0 : i32
    %dma_start3A_203 = tpu.memref_slice %arg10[%dma_start3A_201, %dma_start3A_202] : memref<2560x32xf32, #tpu.memory_space<vmem>> -> memref<128x32xf32, #tpu.memory_space<vmem>>
    %dma_start3A_204 = arith.constant 0 : i32
    %dma_start3A_205 = tpu.memref_slice %arg8[%dma_start3A_200, %dma_start3A_204] : memref<20x128xi32, #tpu.memory_space<vmem>> -> memref<1x128xi32, #tpu.memory_space<vmem>>
    %dma_start3A_206 = tpu.memref_squeeze %dma_start3A_205 : memref<1x128xi32, #tpu.memory_space<vmem>> -> memref<128xi32, #tpu.memory_space<vmem>>
    %dma_start3A_207 = arith.constant 0 : i32
    %dma_start3A_208 = arith.constant 0 : i32
    %dma_start3A_209 = tpu.memref_slice %arg5[%dma_start3A_207, %dma_start3A_208] : memref<1000000x32xf32, #tpu.memory_space<hbm>> -> memref<1000000x32xf32, #tpu.memory_space<hbm>>
    tpu.enqueue_indirect_dma source(%dma_start3A_209 : memref<1000000x32xf32, #tpu.memory_space<hbm>>) target(%dma_start3A_203 : memref<128x32xf32, #tpu.memory_space<vmem>>) offsets(%dma_start3A_206 : memref<128xi32, #tpu.memory_space<vmem>>) semaphore(%arg12 : memref<!tpu.dma_semaphore, #tpu.memory_space<semaphore_mem>>)
    %dma_start3A_210 = arith.constant 17 : i32
    %dma_start3A_211 = arith.constant 2176 : i32
    %dma_start3A_212 = arith.constant 0 : i32
    %dma_start3A_213 = tpu.memref_slice %arg10[%dma_start3A_211, %dma_start3A_212] : memref<2560x32xf32, #tpu.memory_space<vmem>> -> memref<128x32xf32, #tpu.memory_space<vmem>>
    %dma_start3A_214 = arith.constant 0 : i32
    %dma_start3A_215 = tpu.memref_slice %arg8[%dma_start3A_210, %dma_start3A_214] : memref<20x128xi32, #tpu.memory_space<vmem>> -> memref<1x128xi32, #tpu.memory_space<vmem>>
    %dma_start3A_216 = tpu.memref_squeeze %dma_start3A_215 : memref<1x128xi32, #tpu.memory_space<vmem>> -> memref<128xi32, #tpu.memory_space<vmem>>
    %dma_start3A_217 = arith.constant 0 : i32
    %dma_start3A_218 = arith.constant 0 : i32
    %dma_start3A_219 = tpu.memref_slice %arg5[%dma_start3A_217, %dma_start3A_218] : memref<1000000x32xf32, #tpu.memory_space<hbm>> -> memref<1000000x32xf32, #tpu.memory_space<hbm>>
    tpu.enqueue_indirect_dma source(%dma_start3A_219 : memref<1000000x32xf32, #tpu.memory_space<hbm>>) target(%dma_start3A_213 : memref<128x32xf32, #tpu.memory_space<vmem>>) offsets(%dma_start3A_216 : memref<128xi32, #tpu.memory_space<vmem>>) semaphore(%arg12 : memref<!tpu.dma_semaphore, #tpu.memory_space<semaphore_mem>>)
    %dma_start3A_220 = arith.constant 18 : i32
    %dma_start3A_221 = arith.constant 2304 : i32
    %dma_start3A_222 = arith.constant 0 : i32
    %dma_start3A_223 = tpu.memref_slice %arg10[%dma_start3A_221, %dma_start3A_222] : memref<2560x32xf32, #tpu.memory_space<vmem>> -> memref<128x32xf32, #tpu.memory_space<vmem>>
    %dma_start3A_224 = arith.constant 0 : i32
    %dma_start3A_225 = tpu.memref_slice %arg8[%dma_start3A_220, %dma_start3A_224] : memref<20x128xi32, #tpu.memory_space<vmem>> -> memref<1x128xi32, #tpu.memory_space<vmem>>
    %dma_start3A_226 = tpu.memref_squeeze %dma_start3A_225 : memref<1x128xi32, #tpu.memory_space<vmem>> -> memref<128xi32, #tpu.memory_space<vmem>>
    %dma_start3A_227 = arith.constant 0 : i32
    %dma_start3A_228 = arith.constant 0 : i32
    %dma_start3A_229 = tpu.memref_slice %arg5[%dma_start3A_227, %dma_start3A_228] : memref<1000000x32xf32, #tpu.memory_space<hbm>> -> memref<1000000x32xf32, #tpu.memory_space<hbm>>
    tpu.enqueue_indirect_dma source(%dma_start3A_229 : memref<1000000x32xf32, #tpu.memory_space<hbm>>) target(%dma_start3A_223 : memref<128x32xf32, #tpu.memory_space<vmem>>) offsets(%dma_start3A_226 : memref<128xi32, #tpu.memory_space<vmem>>) semaphore(%arg12 : memref<!tpu.dma_semaphore, #tpu.memory_space<semaphore_mem>>)
    %dma_start3A_230 = arith.constant 19 : i32
    %dma_start3A_231 = arith.constant 2432 : i32
    %dma_start3A_232 = arith.constant 0 : i32
    %dma_start3A_233 = tpu.memref_slice %arg10[%dma_start3A_231, %dma_start3A_232] : memref<2560x32xf32, #tpu.memory_space<vmem>> -> memref<128x32xf32, #tpu.memory_space<vmem>>
    %dma_start3A_234 = arith.constant 0 : i32
    %dma_start3A_235 = tpu.memref_slice %arg8[%dma_start3A_230, %dma_start3A_234] : memref<20x128xi32, #tpu.memory_space<vmem>> -> memref<1x128xi32, #tpu.memory_space<vmem>>
    %dma_start3A_236 = tpu.memref_squeeze %dma_start3A_235 : memref<1x128xi32, #tpu.memory_space<vmem>> -> memref<128xi32, #tpu.memory_space<vmem>>
    %dma_start3A_237 = arith.constant 0 : i32
    %dma_start3A_238 = arith.constant 0 : i32
    %dma_start3A_239 = tpu.memref_slice %arg5[%dma_start3A_237, %dma_start3A_238] : memref<1000000x32xf32, #tpu.memory_space<hbm>> -> memref<1000000x32xf32, #tpu.memory_space<hbm>>
    tpu.enqueue_indirect_dma source(%dma_start3A_239 : memref<1000000x32xf32, #tpu.memory_space<hbm>>) target(%dma_start3A_233 : memref<128x32xf32, #tpu.memory_space<vmem>>) offsets(%dma_start3A_236 : memref<128xi32, #tpu.memory_space<vmem>>) semaphore(%arg12 : memref<!tpu.dma_semaphore, #tpu.memory_space<semaphore_mem>>)
    %dma_wait3A = arith.constant 0 : i32
    %dma_wait3A_240 = arith.constant 0 : i32
    %dma_wait3A_241 = arith.constant 0 : i32
    %dma_wait3A_242 = tpu.memref_slice %arg9[%dma_wait3A_240, %dma_wait3A_241] : memref<512x32xf32, #tpu.memory_space<vmem>> -> memref<128x32xf32, #tpu.memory_space<vmem>>
    %dma_wait3A_243 = arith.constant 0 : i32
    %dma_wait3A_244 = tpu.memref_slice %arg7[%dma_wait3A, %dma_wait3A_243] : memref<4x128xi32, #tpu.memory_space<vmem>> -> memref<1x128xi32, #tpu.memory_space<vmem>>
    %dma_wait3A_245 = tpu.memref_squeeze %dma_wait3A_244 : memref<1x128xi32, #tpu.memory_space<vmem>> -> memref<128xi32, #tpu.memory_space<vmem>>
    %dma_wait3A_246 = arith.constant 0 : i32
    %dma_wait3A_247 = arith.constant 0 : i32
    %dma_wait3A_248 = tpu.memref_slice %arg4[%dma_wait3A_246, %dma_wait3A_247] : memref<1000000x32xf32, #tpu.memory_space<hbm>> -> memref<1000000x32xf32, #tpu.memory_space<hbm>>
    tpu.wait_indirect_dma semaphore(%arg12 : memref<!tpu.dma_semaphore, #tpu.memory_space<semaphore_mem>>) src(%dma_wait3A_248 : memref<1000000x32xf32, #tpu.memory_space<hbm>>) dst(%dma_wait3A_242 : memref<128x32xf32, #tpu.memory_space<vmem>>)
    %dma_wait3A_249 = arith.constant 1 : i32
    %dma_wait3A_250 = arith.constant 128 : i32
    %dma_wait3A_251 = arith.constant 0 : i32
    %dma_wait3A_252 = tpu.memref_slice %arg9[%dma_wait3A_250, %dma_wait3A_251] : memref<512x32xf32, #tpu.memory_space<vmem>> -> memref<128x32xf32, #tpu.memory_space<vmem>>
    %dma_wait3A_253 = arith.constant 0 : i32
    %dma_wait3A_254 = tpu.memref_slice %arg7[%dma_wait3A_249, %dma_wait3A_253] : memref<4x128xi32, #tpu.memory_space<vmem>> -> memref<1x128xi32, #tpu.memory_space<vmem>>
    %dma_wait3A_255 = tpu.memref_squeeze %dma_wait3A_254 : memref<1x128xi32, #tpu.memory_space<vmem>> -> memref<128xi32, #tpu.memory_space<vmem>>
    %dma_wait3A_256 = arith.constant 0 : i32
    %dma_wait3A_257 = arith.constant 0 : i32
    %dma_wait3A_258 = tpu.memref_slice %arg4[%dma_wait3A_256, %dma_wait3A_257] : memref<1000000x32xf32, #tpu.memory_space<hbm>> -> memref<1000000x32xf32, #tpu.memory_space<hbm>>
    tpu.wait_indirect_dma semaphore(%arg12 : memref<!tpu.dma_semaphore, #tpu.memory_space<semaphore_mem>>) src(%dma_wait3A_258 : memref<1000000x32xf32, #tpu.memory_space<hbm>>) dst(%dma_wait3A_252 : memref<128x32xf32, #tpu.memory_space<vmem>>)
    %dma_wait3A_259 = arith.constant 2 : i32
    %dma_wait3A_260 = arith.constant 256 : i32
    %dma_wait3A_261 = arith.constant 0 : i32
    %dma_wait3A_262 = tpu.memref_slice %arg9[%dma_wait3A_260, %dma_wait3A_261] : memref<512x32xf32, #tpu.memory_space<vmem>> -> memref<128x32xf32, #tpu.memory_space<vmem>>
    %dma_wait3A_263 = arith.constant 0 : i32
    %dma_wait3A_264 = tpu.memref_slice %arg7[%dma_wait3A_259, %dma_wait3A_263] : memref<4x128xi32, #tpu.memory_space<vmem>> -> memref<1x128xi32, #tpu.memory_space<vmem>>
    %dma_wait3A_265 = tpu.memref_squeeze %dma_wait3A_264 : memref<1x128xi32, #tpu.memory_space<vmem>> -> memref<128xi32, #tpu.memory_space<vmem>>
    %dma_wait3A_266 = arith.constant 0 : i32
    %dma_wait3A_267 = arith.constant 0 : i32
    %dma_wait3A_268 = tpu.memref_slice %arg4[%dma_wait3A_266, %dma_wait3A_267] : memref<1000000x32xf32, #tpu.memory_space<hbm>> -> memref<1000000x32xf32, #tpu.memory_space<hbm>>
    tpu.wait_indirect_dma semaphore(%arg12 : memref<!tpu.dma_semaphore, #tpu.memory_space<semaphore_mem>>) src(%dma_wait3A_268 : memref<1000000x32xf32, #tpu.memory_space<hbm>>) dst(%dma_wait3A_262 : memref<128x32xf32, #tpu.memory_space<vmem>>)
    %dma_wait3A_269 = arith.constant 3 : i32
    %dma_wait3A_270 = arith.constant 384 : i32
    %dma_wait3A_271 = arith.constant 0 : i32
    %dma_wait3A_272 = tpu.memref_slice %arg9[%dma_wait3A_270, %dma_wait3A_271] : memref<512x32xf32, #tpu.memory_space<vmem>> -> memref<128x32xf32, #tpu.memory_space<vmem>>
    %dma_wait3A_273 = arith.constant 0 : i32
    %dma_wait3A_274 = tpu.memref_slice %arg7[%dma_wait3A_269, %dma_wait3A_273] : memref<4x128xi32, #tpu.memory_space<vmem>> -> memref<1x128xi32, #tpu.memory_space<vmem>>
    %dma_wait3A_275 = tpu.memref_squeeze %dma_wait3A_274 : memref<1x128xi32, #tpu.memory_space<vmem>> -> memref<128xi32, #tpu.memory_space<vmem>>
    %dma_wait3A_276 = arith.constant 0 : i32
    %dma_wait3A_277 = arith.constant 0 : i32
    %dma_wait3A_278 = tpu.memref_slice %arg4[%dma_wait3A_276, %dma_wait3A_277] : memref<1000000x32xf32, #tpu.memory_space<hbm>> -> memref<1000000x32xf32, #tpu.memory_space<hbm>>
    tpu.wait_indirect_dma semaphore(%arg12 : memref<!tpu.dma_semaphore, #tpu.memory_space<semaphore_mem>>) src(%dma_wait3A_278 : memref<1000000x32xf32, #tpu.memory_space<hbm>>) dst(%dma_wait3A_272 : memref<128x32xf32, #tpu.memory_space<vmem>>)
    %dma_wait3A_279 = arith.constant 0 : i32
    %dma_wait3A_280 = arith.constant 0 : i32
    %dma_wait3A_281 = arith.constant 0 : i32
    %dma_wait3A_282 = tpu.memref_slice %arg10[%dma_wait3A_280, %dma_wait3A_281] : memref<2560x32xf32, #tpu.memory_space<vmem>> -> memref<128x32xf32, #tpu.memory_space<vmem>>
    %dma_wait3A_283 = arith.constant 0 : i32
    %dma_wait3A_284 = tpu.memref_slice %arg8[%dma_wait3A_279, %dma_wait3A_283] : memref<20x128xi32, #tpu.memory_space<vmem>> -> memref<1x128xi32, #tpu.memory_space<vmem>>
    %dma_wait3A_285 = tpu.memref_squeeze %dma_wait3A_284 : memref<1x128xi32, #tpu.memory_space<vmem>> -> memref<128xi32, #tpu.memory_space<vmem>>
    %dma_wait3A_286 = arith.constant 0 : i32
    %dma_wait3A_287 = arith.constant 0 : i32
    %dma_wait3A_288 = tpu.memref_slice %arg5[%dma_wait3A_286, %dma_wait3A_287] : memref<1000000x32xf32, #tpu.memory_space<hbm>> -> memref<1000000x32xf32, #tpu.memory_space<hbm>>
    tpu.wait_indirect_dma semaphore(%arg12 : memref<!tpu.dma_semaphore, #tpu.memory_space<semaphore_mem>>) src(%dma_wait3A_288 : memref<1000000x32xf32, #tpu.memory_space<hbm>>) dst(%dma_wait3A_282 : memref<128x32xf32, #tpu.memory_space<vmem>>)
    %dma_wait3A_289 = arith.constant 1 : i32
    %dma_wait3A_290 = arith.constant 128 : i32
    %dma_wait3A_291 = arith.constant 0 : i32
    %dma_wait3A_292 = tpu.memref_slice %arg10[%dma_wait3A_290, %dma_wait3A_291] : memref<2560x32xf32, #tpu.memory_space<vmem>> -> memref<128x32xf32, #tpu.memory_space<vmem>>
    %dma_wait3A_293 = arith.constant 0 : i32
    %dma_wait3A_294 = tpu.memref_slice %arg8[%dma_wait3A_289, %dma_wait3A_293] : memref<20x128xi32, #tpu.memory_space<vmem>> -> memref<1x128xi32, #tpu.memory_space<vmem>>
    %dma_wait3A_295 = tpu.memref_squeeze %dma_wait3A_294 : memref<1x128xi32, #tpu.memory_space<vmem>> -> memref<128xi32, #tpu.memory_space<vmem>>
    %dma_wait3A_296 = arith.constant 0 : i32
    %dma_wait3A_297 = arith.constant 0 : i32
    %dma_wait3A_298 = tpu.memref_slice %arg5[%dma_wait3A_296, %dma_wait3A_297] : memref<1000000x32xf32, #tpu.memory_space<hbm>> -> memref<1000000x32xf32, #tpu.memory_space<hbm>>
    tpu.wait_indirect_dma semaphore(%arg12 : memref<!tpu.dma_semaphore, #tpu.memory_space<semaphore_mem>>) src(%dma_wait3A_298 : memref<1000000x32xf32, #tpu.memory_space<hbm>>) dst(%dma_wait3A_292 : memref<128x32xf32, #tpu.memory_space<vmem>>)
    %dma_wait3A_299 = arith.constant 2 : i32
    %dma_wait3A_300 = arith.constant 256 : i32
    %dma_wait3A_301 = arith.constant 0 : i32
    %dma_wait3A_302 = tpu.memref_slice %arg10[%dma_wait3A_300, %dma_wait3A_301] : memref<2560x32xf32, #tpu.memory_space<vmem>> -> memref<128x32xf32, #tpu.memory_space<vmem>>
    %dma_wait3A_303 = arith.constant 0 : i32
    %dma_wait3A_304 = tpu.memref_slice %arg8[%dma_wait3A_299, %dma_wait3A_303] : memref<20x128xi32, #tpu.memory_space<vmem>> -> memref<1x128xi32, #tpu.memory_space<vmem>>
    %dma_wait3A_305 = tpu.memref_squeeze %dma_wait3A_304 : memref<1x128xi32, #tpu.memory_space<vmem>> -> memref<128xi32, #tpu.memory_space<vmem>>
    %dma_wait3A_306 = arith.constant 0 : i32
    %dma_wait3A_307 = arith.constant 0 : i32
    %dma_wait3A_308 = tpu.memref_slice %arg5[%dma_wait3A_306, %dma_wait3A_307] : memref<1000000x32xf32, #tpu.memory_space<hbm>> -> memref<1000000x32xf32, #tpu.memory_space<hbm>>
    tpu.wait_indirect_dma semaphore(%arg12 : memref<!tpu.dma_semaphore, #tpu.memory_space<semaphore_mem>>) src(%dma_wait3A_308 : memref<1000000x32xf32, #tpu.memory_space<hbm>>) dst(%dma_wait3A_302 : memref<128x32xf32, #tpu.memory_space<vmem>>)
    %dma_wait3A_309 = arith.constant 3 : i32
    %dma_wait3A_310 = arith.constant 384 : i32
    %dma_wait3A_311 = arith.constant 0 : i32
    %dma_wait3A_312 = tpu.memref_slice %arg10[%dma_wait3A_310, %dma_wait3A_311] : memref<2560x32xf32, #tpu.memory_space<vmem>> -> memref<128x32xf32, #tpu.memory_space<vmem>>
    %dma_wait3A_313 = arith.constant 0 : i32
    %dma_wait3A_314 = tpu.memref_slice %arg8[%dma_wait3A_309, %dma_wait3A_313] : memref<20x128xi32, #tpu.memory_space<vmem>> -> memref<1x128xi32, #tpu.memory_space<vmem>>
    %dma_wait3A_315 = tpu.memref_squeeze %dma_wait3A_314 : memref<1x128xi32, #tpu.memory_space<vmem>> -> memref<128xi32, #tpu.memory_space<vmem>>
    %dma_wait3A_316 = arith.constant 0 : i32
    %dma_wait3A_317 = arith.constant 0 : i32
    %dma_wait3A_318 = tpu.memref_slice %arg5[%dma_wait3A_316, %dma_wait3A_317] : memref<1000000x32xf32, #tpu.memory_space<hbm>> -> memref<1000000x32xf32, #tpu.memory_space<hbm>>
    tpu.wait_indirect_dma semaphore(%arg12 : memref<!tpu.dma_semaphore, #tpu.memory_space<semaphore_mem>>) src(%dma_wait3A_318 : memref<1000000x32xf32, #tpu.memory_space<hbm>>) dst(%dma_wait3A_312 : memref<128x32xf32, #tpu.memory_space<vmem>>)
    %dma_wait3A_319 = arith.constant 4 : i32
    %dma_wait3A_320 = arith.constant 512 : i32
    %dma_wait3A_321 = arith.constant 0 : i32
    %dma_wait3A_322 = tpu.memref_slice %arg10[%dma_wait3A_320, %dma_wait3A_321] : memref<2560x32xf32, #tpu.memory_space<vmem>> -> memref<128x32xf32, #tpu.memory_space<vmem>>
    %dma_wait3A_323 = arith.constant 0 : i32
    %dma_wait3A_324 = tpu.memref_slice %arg8[%dma_wait3A_319, %dma_wait3A_323] : memref<20x128xi32, #tpu.memory_space<vmem>> -> memref<1x128xi32, #tpu.memory_space<vmem>>
    %dma_wait3A_325 = tpu.memref_squeeze %dma_wait3A_324 : memref<1x128xi32, #tpu.memory_space<vmem>> -> memref<128xi32, #tpu.memory_space<vmem>>
    %dma_wait3A_326 = arith.constant 0 : i32
    %dma_wait3A_327 = arith.constant 0 : i32
    %dma_wait3A_328 = tpu.memref_slice %arg5[%dma_wait3A_326, %dma_wait3A_327] : memref<1000000x32xf32, #tpu.memory_space<hbm>> -> memref<1000000x32xf32, #tpu.memory_space<hbm>>
    tpu.wait_indirect_dma semaphore(%arg12 : memref<!tpu.dma_semaphore, #tpu.memory_space<semaphore_mem>>) src(%dma_wait3A_328 : memref<1000000x32xf32, #tpu.memory_space<hbm>>) dst(%dma_wait3A_322 : memref<128x32xf32, #tpu.memory_space<vmem>>)
    %dma_wait3A_329 = arith.constant 5 : i32
    %dma_wait3A_330 = arith.constant 640 : i32
    %dma_wait3A_331 = arith.constant 0 : i32
    %dma_wait3A_332 = tpu.memref_slice %arg10[%dma_wait3A_330, %dma_wait3A_331] : memref<2560x32xf32, #tpu.memory_space<vmem>> -> memref<128x32xf32, #tpu.memory_space<vmem>>
    %dma_wait3A_333 = arith.constant 0 : i32
    %dma_wait3A_334 = tpu.memref_slice %arg8[%dma_wait3A_329, %dma_wait3A_333] : memref<20x128xi32, #tpu.memory_space<vmem>> -> memref<1x128xi32, #tpu.memory_space<vmem>>
    %dma_wait3A_335 = tpu.memref_squeeze %dma_wait3A_334 : memref<1x128xi32, #tpu.memory_space<vmem>> -> memref<128xi32, #tpu.memory_space<vmem>>
    %dma_wait3A_336 = arith.constant 0 : i32
    %dma_wait3A_337 = arith.constant 0 : i32
    %dma_wait3A_338 = tpu.memref_slice %arg5[%dma_wait3A_336, %dma_wait3A_337] : memref<1000000x32xf32, #tpu.memory_space<hbm>> -> memref<1000000x32xf32, #tpu.memory_space<hbm>>
    tpu.wait_indirect_dma semaphore(%arg12 : memref<!tpu.dma_semaphore, #tpu.memory_space<semaphore_mem>>) src(%dma_wait3A_338 : memref<1000000x32xf32, #tpu.memory_space<hbm>>) dst(%dma_wait3A_332 : memref<128x32xf32, #tpu.memory_space<vmem>>)
    %dma_wait3A_339 = arith.constant 6 : i32
    %dma_wait3A_340 = arith.constant 768 : i32
    %dma_wait3A_341 = arith.constant 0 : i32
    %dma_wait3A_342 = tpu.memref_slice %arg10[%dma_wait3A_340, %dma_wait3A_341] : memref<2560x32xf32, #tpu.memory_space<vmem>> -> memref<128x32xf32, #tpu.memory_space<vmem>>
    %dma_wait3A_343 = arith.constant 0 : i32
    %dma_wait3A_344 = tpu.memref_slice %arg8[%dma_wait3A_339, %dma_wait3A_343] : memref<20x128xi32, #tpu.memory_space<vmem>> -> memref<1x128xi32, #tpu.memory_space<vmem>>
    %dma_wait3A_345 = tpu.memref_squeeze %dma_wait3A_344 : memref<1x128xi32, #tpu.memory_space<vmem>> -> memref<128xi32, #tpu.memory_space<vmem>>
    %dma_wait3A_346 = arith.constant 0 : i32
    %dma_wait3A_347 = arith.constant 0 : i32
    %dma_wait3A_348 = tpu.memref_slice %arg5[%dma_wait3A_346, %dma_wait3A_347] : memref<1000000x32xf32, #tpu.memory_space<hbm>> -> memref<1000000x32xf32, #tpu.memory_space<hbm>>
    tpu.wait_indirect_dma semaphore(%arg12 : memref<!tpu.dma_semaphore, #tpu.memory_space<semaphore_mem>>) src(%dma_wait3A_348 : memref<1000000x32xf32, #tpu.memory_space<hbm>>) dst(%dma_wait3A_342 : memref<128x32xf32, #tpu.memory_space<vmem>>)
    %dma_wait3A_349 = arith.constant 7 : i32
    %dma_wait3A_350 = arith.constant 896 : i32
    %dma_wait3A_351 = arith.constant 0 : i32
    %dma_wait3A_352 = tpu.memref_slice %arg10[%dma_wait3A_350, %dma_wait3A_351] : memref<2560x32xf32, #tpu.memory_space<vmem>> -> memref<128x32xf32, #tpu.memory_space<vmem>>
    %dma_wait3A_353 = arith.constant 0 : i32
    %dma_wait3A_354 = tpu.memref_slice %arg8[%dma_wait3A_349, %dma_wait3A_353] : memref<20x128xi32, #tpu.memory_space<vmem>> -> memref<1x128xi32, #tpu.memory_space<vmem>>
    %dma_wait3A_355 = tpu.memref_squeeze %dma_wait3A_354 : memref<1x128xi32, #tpu.memory_space<vmem>> -> memref<128xi32, #tpu.memory_space<vmem>>
    %dma_wait3A_356 = arith.constant 0 : i32
    %dma_wait3A_357 = arith.constant 0 : i32
    %dma_wait3A_358 = tpu.memref_slice %arg5[%dma_wait3A_356, %dma_wait3A_357] : memref<1000000x32xf32, #tpu.memory_space<hbm>> -> memref<1000000x32xf32, #tpu.memory_space<hbm>>
    tpu.wait_indirect_dma semaphore(%arg12 : memref<!tpu.dma_semaphore, #tpu.memory_space<semaphore_mem>>) src(%dma_wait3A_358 : memref<1000000x32xf32, #tpu.memory_space<hbm>>) dst(%dma_wait3A_352 : memref<128x32xf32, #tpu.memory_space<vmem>>)
    %dma_wait3A_359 = arith.constant 8 : i32
    %dma_wait3A_360 = arith.constant 1024 : i32
    %dma_wait3A_361 = arith.constant 0 : i32
    %dma_wait3A_362 = tpu.memref_slice %arg10[%dma_wait3A_360, %dma_wait3A_361] : memref<2560x32xf32, #tpu.memory_space<vmem>> -> memref<128x32xf32, #tpu.memory_space<vmem>>
    %dma_wait3A_363 = arith.constant 0 : i32
    %dma_wait3A_364 = tpu.memref_slice %arg8[%dma_wait3A_359, %dma_wait3A_363] : memref<20x128xi32, #tpu.memory_space<vmem>> -> memref<1x128xi32, #tpu.memory_space<vmem>>
    %dma_wait3A_365 = tpu.memref_squeeze %dma_wait3A_364 : memref<1x128xi32, #tpu.memory_space<vmem>> -> memref<128xi32, #tpu.memory_space<vmem>>
    %dma_wait3A_366 = arith.constant 0 : i32
    %dma_wait3A_367 = arith.constant 0 : i32
    %dma_wait3A_368 = tpu.memref_slice %arg5[%dma_wait3A_366, %dma_wait3A_367] : memref<1000000x32xf32, #tpu.memory_space<hbm>> -> memref<1000000x32xf32, #tpu.memory_space<hbm>>
    tpu.wait_indirect_dma semaphore(%arg12 : memref<!tpu.dma_semaphore, #tpu.memory_space<semaphore_mem>>) src(%dma_wait3A_368 : memref<1000000x32xf32, #tpu.memory_space<hbm>>) dst(%dma_wait3A_362 : memref<128x32xf32, #tpu.memory_space<vmem>>)
    %dma_wait3A_369 = arith.constant 9 : i32
    %dma_wait3A_370 = arith.constant 1152 : i32
    %dma_wait3A_371 = arith.constant 0 : i32
    %dma_wait3A_372 = tpu.memref_slice %arg10[%dma_wait3A_370, %dma_wait3A_371] : memref<2560x32xf32, #tpu.memory_space<vmem>> -> memref<128x32xf32, #tpu.memory_space<vmem>>
    %dma_wait3A_373 = arith.constant 0 : i32
    %dma_wait3A_374 = tpu.memref_slice %arg8[%dma_wait3A_369, %dma_wait3A_373] : memref<20x128xi32, #tpu.memory_space<vmem>> -> memref<1x128xi32, #tpu.memory_space<vmem>>
    %dma_wait3A_375 = tpu.memref_squeeze %dma_wait3A_374 : memref<1x128xi32, #tpu.memory_space<vmem>> -> memref<128xi32, #tpu.memory_space<vmem>>
    %dma_wait3A_376 = arith.constant 0 : i32
    %dma_wait3A_377 = arith.constant 0 : i32
    %dma_wait3A_378 = tpu.memref_slice %arg5[%dma_wait3A_376, %dma_wait3A_377] : memref<1000000x32xf32, #tpu.memory_space<hbm>> -> memref<1000000x32xf32, #tpu.memory_space<hbm>>
    tpu.wait_indirect_dma semaphore(%arg12 : memref<!tpu.dma_semaphore, #tpu.memory_space<semaphore_mem>>) src(%dma_wait3A_378 : memref<1000000x32xf32, #tpu.memory_space<hbm>>) dst(%dma_wait3A_372 : memref<128x32xf32, #tpu.memory_space<vmem>>)
    %dma_wait3A_379 = arith.constant 10 : i32
    %dma_wait3A_380 = arith.constant 1280 : i32
    %dma_wait3A_381 = arith.constant 0 : i32
    %dma_wait3A_382 = tpu.memref_slice %arg10[%dma_wait3A_380, %dma_wait3A_381] : memref<2560x32xf32, #tpu.memory_space<vmem>> -> memref<128x32xf32, #tpu.memory_space<vmem>>
    %dma_wait3A_383 = arith.constant 0 : i32
    %dma_wait3A_384 = tpu.memref_slice %arg8[%dma_wait3A_379, %dma_wait3A_383] : memref<20x128xi32, #tpu.memory_space<vmem>> -> memref<1x128xi32, #tpu.memory_space<vmem>>
    %dma_wait3A_385 = tpu.memref_squeeze %dma_wait3A_384 : memref<1x128xi32, #tpu.memory_space<vmem>> -> memref<128xi32, #tpu.memory_space<vmem>>
    %dma_wait3A_386 = arith.constant 0 : i32
    %dma_wait3A_387 = arith.constant 0 : i32
    %dma_wait3A_388 = tpu.memref_slice %arg5[%dma_wait3A_386, %dma_wait3A_387] : memref<1000000x32xf32, #tpu.memory_space<hbm>> -> memref<1000000x32xf32, #tpu.memory_space<hbm>>
    tpu.wait_indirect_dma semaphore(%arg12 : memref<!tpu.dma_semaphore, #tpu.memory_space<semaphore_mem>>) src(%dma_wait3A_388 : memref<1000000x32xf32, #tpu.memory_space<hbm>>) dst(%dma_wait3A_382 : memref<128x32xf32, #tpu.memory_space<vmem>>)
    %dma_wait3A_389 = arith.constant 11 : i32
    %dma_wait3A_390 = arith.constant 1408 : i32
    %dma_wait3A_391 = arith.constant 0 : i32
    %dma_wait3A_392 = tpu.memref_slice %arg10[%dma_wait3A_390, %dma_wait3A_391] : memref<2560x32xf32, #tpu.memory_space<vmem>> -> memref<128x32xf32, #tpu.memory_space<vmem>>
    %dma_wait3A_393 = arith.constant 0 : i32
    %dma_wait3A_394 = tpu.memref_slice %arg8[%dma_wait3A_389, %dma_wait3A_393] : memref<20x128xi32, #tpu.memory_space<vmem>> -> memref<1x128xi32, #tpu.memory_space<vmem>>
    %dma_wait3A_395 = tpu.memref_squeeze %dma_wait3A_394 : memref<1x128xi32, #tpu.memory_space<vmem>> -> memref<128xi32, #tpu.memory_space<vmem>>
    %dma_wait3A_396 = arith.constant 0 : i32
    %dma_wait3A_397 = arith.constant 0 : i32
    %dma_wait3A_398 = tpu.memref_slice %arg5[%dma_wait3A_396, %dma_wait3A_397] : memref<1000000x32xf32, #tpu.memory_space<hbm>> -> memref<1000000x32xf32, #tpu.memory_space<hbm>>
    tpu.wait_indirect_dma semaphore(%arg12 : memref<!tpu.dma_semaphore, #tpu.memory_space<semaphore_mem>>) src(%dma_wait3A_398 : memref<1000000x32xf32, #tpu.memory_space<hbm>>) dst(%dma_wait3A_392 : memref<128x32xf32, #tpu.memory_space<vmem>>)
    %dma_wait3A_399 = arith.constant 12 : i32
    %dma_wait3A_400 = arith.constant 1536 : i32
    %dma_wait3A_401 = arith.constant 0 : i32
    %dma_wait3A_402 = tpu.memref_slice %arg10[%dma_wait3A_400, %dma_wait3A_401] : memref<2560x32xf32, #tpu.memory_space<vmem>> -> memref<128x32xf32, #tpu.memory_space<vmem>>
    %dma_wait3A_403 = arith.constant 0 : i32
    %dma_wait3A_404 = tpu.memref_slice %arg8[%dma_wait3A_399, %dma_wait3A_403] : memref<20x128xi32, #tpu.memory_space<vmem>> -> memref<1x128xi32, #tpu.memory_space<vmem>>
    %dma_wait3A_405 = tpu.memref_squeeze %dma_wait3A_404 : memref<1x128xi32, #tpu.memory_space<vmem>> -> memref<128xi32, #tpu.memory_space<vmem>>
    %dma_wait3A_406 = arith.constant 0 : i32
    %dma_wait3A_407 = arith.constant 0 : i32
    %dma_wait3A_408 = tpu.memref_slice %arg5[%dma_wait3A_406, %dma_wait3A_407] : memref<1000000x32xf32, #tpu.memory_space<hbm>> -> memref<1000000x32xf32, #tpu.memory_space<hbm>>
    tpu.wait_indirect_dma semaphore(%arg12 : memref<!tpu.dma_semaphore, #tpu.memory_space<semaphore_mem>>) src(%dma_wait3A_408 : memref<1000000x32xf32, #tpu.memory_space<hbm>>) dst(%dma_wait3A_402 : memref<128x32xf32, #tpu.memory_space<vmem>>)
    %dma_wait3A_409 = arith.constant 13 : i32
    %dma_wait3A_410 = arith.constant 1664 : i32
    %dma_wait3A_411 = arith.constant 0 : i32
    %dma_wait3A_412 = tpu.memref_slice %arg10[%dma_wait3A_410, %dma_wait3A_411] : memref<2560x32xf32, #tpu.memory_space<vmem>> -> memref<128x32xf32, #tpu.memory_space<vmem>>
    %dma_wait3A_413 = arith.constant 0 : i32
    %dma_wait3A_414 = tpu.memref_slice %arg8[%dma_wait3A_409, %dma_wait3A_413] : memref<20x128xi32, #tpu.memory_space<vmem>> -> memref<1x128xi32, #tpu.memory_space<vmem>>
    %dma_wait3A_415 = tpu.memref_squeeze %dma_wait3A_414 : memref<1x128xi32, #tpu.memory_space<vmem>> -> memref<128xi32, #tpu.memory_space<vmem>>
    %dma_wait3A_416 = arith.constant 0 : i32
    %dma_wait3A_417 = arith.constant 0 : i32
    %dma_wait3A_418 = tpu.memref_slice %arg5[%dma_wait3A_416, %dma_wait3A_417] : memref<1000000x32xf32, #tpu.memory_space<hbm>> -> memref<1000000x32xf32, #tpu.memory_space<hbm>>
    tpu.wait_indirect_dma semaphore(%arg12 : memref<!tpu.dma_semaphore, #tpu.memory_space<semaphore_mem>>) src(%dma_wait3A_418 : memref<1000000x32xf32, #tpu.memory_space<hbm>>) dst(%dma_wait3A_412 : memref<128x32xf32, #tpu.memory_space<vmem>>)
    %dma_wait3A_419 = arith.constant 14 : i32
    %dma_wait3A_420 = arith.constant 1792 : i32
    %dma_wait3A_421 = arith.constant 0 : i32
    %dma_wait3A_422 = tpu.memref_slice %arg10[%dma_wait3A_420, %dma_wait3A_421] : memref<2560x32xf32, #tpu.memory_space<vmem>> -> memref<128x32xf32, #tpu.memory_space<vmem>>
    %dma_wait3A_423 = arith.constant 0 : i32
    %dma_wait3A_424 = tpu.memref_slice %arg8[%dma_wait3A_419, %dma_wait3A_423] : memref<20x128xi32, #tpu.memory_space<vmem>> -> memref<1x128xi32, #tpu.memory_space<vmem>>
    %dma_wait3A_425 = tpu.memref_squeeze %dma_wait3A_424 : memref<1x128xi32, #tpu.memory_space<vmem>> -> memref<128xi32, #tpu.memory_space<vmem>>
    %dma_wait3A_426 = arith.constant 0 : i32
    %dma_wait3A_427 = arith.constant 0 : i32
    %dma_wait3A_428 = tpu.memref_slice %arg5[%dma_wait3A_426, %dma_wait3A_427] : memref<1000000x32xf32, #tpu.memory_space<hbm>> -> memref<1000000x32xf32, #tpu.memory_space<hbm>>
    tpu.wait_indirect_dma semaphore(%arg12 : memref<!tpu.dma_semaphore, #tpu.memory_space<semaphore_mem>>) src(%dma_wait3A_428 : memref<1000000x32xf32, #tpu.memory_space<hbm>>) dst(%dma_wait3A_422 : memref<128x32xf32, #tpu.memory_space<vmem>>)
    %dma_wait3A_429 = arith.constant 15 : i32
    %dma_wait3A_430 = arith.constant 1920 : i32
    %dma_wait3A_431 = arith.constant 0 : i32
    %dma_wait3A_432 = tpu.memref_slice %arg10[%dma_wait3A_430, %dma_wait3A_431] : memref<2560x32xf32, #tpu.memory_space<vmem>> -> memref<128x32xf32, #tpu.memory_space<vmem>>
    %dma_wait3A_433 = arith.constant 0 : i32
    %dma_wait3A_434 = tpu.memref_slice %arg8[%dma_wait3A_429, %dma_wait3A_433] : memref<20x128xi32, #tpu.memory_space<vmem>> -> memref<1x128xi32, #tpu.memory_space<vmem>>
    %dma_wait3A_435 = tpu.memref_squeeze %dma_wait3A_434 : memref<1x128xi32, #tpu.memory_space<vmem>> -> memref<128xi32, #tpu.memory_space<vmem>>
    %dma_wait3A_436 = arith.constant 0 : i32
    %dma_wait3A_437 = arith.constant 0 : i32
    %dma_wait3A_438 = tpu.memref_slice %arg5[%dma_wait3A_436, %dma_wait3A_437] : memref<1000000x32xf32, #tpu.memory_space<hbm>> -> memref<1000000x32xf32, #tpu.memory_space<hbm>>
    tpu.wait_indirect_dma semaphore(%arg12 : memref<!tpu.dma_semaphore, #tpu.memory_space<semaphore_mem>>) src(%dma_wait3A_438 : memref<1000000x32xf32, #tpu.memory_space<hbm>>) dst(%dma_wait3A_432 : memref<128x32xf32, #tpu.memory_space<vmem>>)
    %dma_wait3A_439 = arith.constant 16 : i32
    %dma_wait3A_440 = arith.constant 2048 : i32
    %dma_wait3A_441 = arith.constant 0 : i32
    %dma_wait3A_442 = tpu.memref_slice %arg10[%dma_wait3A_440, %dma_wait3A_441] : memref<2560x32xf32, #tpu.memory_space<vmem>> -> memref<128x32xf32, #tpu.memory_space<vmem>>
    %dma_wait3A_443 = arith.constant 0 : i32
    %dma_wait3A_444 = tpu.memref_slice %arg8[%dma_wait3A_439, %dma_wait3A_443] : memref<20x128xi32, #tpu.memory_space<vmem>> -> memref<1x128xi32, #tpu.memory_space<vmem>>
    %dma_wait3A_445 = tpu.memref_squeeze %dma_wait3A_444 : memref<1x128xi32, #tpu.memory_space<vmem>> -> memref<128xi32, #tpu.memory_space<vmem>>
    %dma_wait3A_446 = arith.constant 0 : i32
    %dma_wait3A_447 = arith.constant 0 : i32
    %dma_wait3A_448 = tpu.memref_slice %arg5[%dma_wait3A_446, %dma_wait3A_447] : memref<1000000x32xf32, #tpu.memory_space<hbm>> -> memref<1000000x32xf32, #tpu.memory_space<hbm>>
    tpu.wait_indirect_dma semaphore(%arg12 : memref<!tpu.dma_semaphore, #tpu.memory_space<semaphore_mem>>) src(%dma_wait3A_448 : memref<1000000x32xf32, #tpu.memory_space<hbm>>) dst(%dma_wait3A_442 : memref<128x32xf32, #tpu.memory_space<vmem>>)
    %dma_wait3A_449 = arith.constant 17 : i32
    %dma_wait3A_450 = arith.constant 2176 : i32
    %dma_wait3A_451 = arith.constant 0 : i32
    %dma_wait3A_452 = tpu.memref_slice %arg10[%dma_wait3A_450, %dma_wait3A_451] : memref<2560x32xf32, #tpu.memory_space<vmem>> -> memref<128x32xf32, #tpu.memory_space<vmem>>
    %dma_wait3A_453 = arith.constant 0 : i32
    %dma_wait3A_454 = tpu.memref_slice %arg8[%dma_wait3A_449, %dma_wait3A_453] : memref<20x128xi32, #tpu.memory_space<vmem>> -> memref<1x128xi32, #tpu.memory_space<vmem>>
    %dma_wait3A_455 = tpu.memref_squeeze %dma_wait3A_454 : memref<1x128xi32, #tpu.memory_space<vmem>> -> memref<128xi32, #tpu.memory_space<vmem>>
    %dma_wait3A_456 = arith.constant 0 : i32
    %dma_wait3A_457 = arith.constant 0 : i32
    %dma_wait3A_458 = tpu.memref_slice %arg5[%dma_wait3A_456, %dma_wait3A_457] : memref<1000000x32xf32, #tpu.memory_space<hbm>> -> memref<1000000x32xf32, #tpu.memory_space<hbm>>
    tpu.wait_indirect_dma semaphore(%arg12 : memref<!tpu.dma_semaphore, #tpu.memory_space<semaphore_mem>>) src(%dma_wait3A_458 : memref<1000000x32xf32, #tpu.memory_space<hbm>>) dst(%dma_wait3A_452 : memref<128x32xf32, #tpu.memory_space<vmem>>)
    %dma_wait3A_459 = arith.constant 18 : i32
    %dma_wait3A_460 = arith.constant 2304 : i32
    %dma_wait3A_461 = arith.constant 0 : i32
    %dma_wait3A_462 = tpu.memref_slice %arg10[%dma_wait3A_460, %dma_wait3A_461] : memref<2560x32xf32, #tpu.memory_space<vmem>> -> memref<128x32xf32, #tpu.memory_space<vmem>>
    %dma_wait3A_463 = arith.constant 0 : i32
    %dma_wait3A_464 = tpu.memref_slice %arg8[%dma_wait3A_459, %dma_wait3A_463] : memref<20x128xi32, #tpu.memory_space<vmem>> -> memref<1x128xi32, #tpu.memory_space<vmem>>
    %dma_wait3A_465 = tpu.memref_squeeze %dma_wait3A_464 : memref<1x128xi32, #tpu.memory_space<vmem>> -> memref<128xi32, #tpu.memory_space<vmem>>
    %dma_wait3A_466 = arith.constant 0 : i32
    %dma_wait3A_467 = arith.constant 0 : i32
    %dma_wait3A_468 = tpu.memref_slice %arg5[%dma_wait3A_466, %dma_wait3A_467] : memref<1000000x32xf32, #tpu.memory_space<hbm>> -> memref<1000000x32xf32, #tpu.memory_space<hbm>>
    tpu.wait_indirect_dma semaphore(%arg12 : memref<!tpu.dma_semaphore, #tpu.memory_space<semaphore_mem>>) src(%dma_wait3A_468 : memref<1000000x32xf32, #tpu.memory_space<hbm>>) dst(%dma_wait3A_462 : memref<128x32xf32, #tpu.memory_space<vmem>>)
    %dma_wait3A_469 = arith.constant 19 : i32
    %dma_wait3A_470 = arith.constant 2432 : i32
    %dma_wait3A_471 = arith.constant 0 : i32
    %dma_wait3A_472 = tpu.memref_slice %arg10[%dma_wait3A_470, %dma_wait3A_471] : memref<2560x32xf32, #tpu.memory_space<vmem>> -> memref<128x32xf32, #tpu.memory_space<vmem>>
    %dma_wait3A_473 = arith.constant 0 : i32
    %dma_wait3A_474 = tpu.memref_slice %arg8[%dma_wait3A_469, %dma_wait3A_473] : memref<20x128xi32, #tpu.memory_space<vmem>> -> memref<1x128xi32, #tpu.memory_space<vmem>>
    %dma_wait3A_475 = tpu.memref_squeeze %dma_wait3A_474 : memref<1x128xi32, #tpu.memory_space<vmem>> -> memref<128xi32, #tpu.memory_space<vmem>>
    %dma_wait3A_476 = arith.constant 0 : i32
    %dma_wait3A_477 = arith.constant 0 : i32
    %dma_wait3A_478 = tpu.memref_slice %arg5[%dma_wait3A_476, %dma_wait3A_477] : memref<1000000x32xf32, #tpu.memory_space<hbm>> -> memref<1000000x32xf32, #tpu.memory_space<hbm>>
    tpu.wait_indirect_dma semaphore(%arg12 : memref<!tpu.dma_semaphore, #tpu.memory_space<semaphore_mem>>) src(%dma_wait3A_478 : memref<1000000x32xf32, #tpu.memory_space<hbm>>) dst(%dma_wait3A_472 : memref<128x32xf32, #tpu.memory_space<vmem>>)
    %iota3A = tpu.iota {dimensions = array<i32: 0>} : vector<16xi32>
    %eq3A = arith.constant 0 : i32
    %eq3A_479 = vector.broadcast %eq3A : i32 to vector<16xi32>
    %eq3A_480 = arith.cmpi eq, %iota3A, %eq3A_479 : vector<16xi32>
    %eq3A_481 = arith.constant 1 : i32
    %eq3A_482 = vector.broadcast %eq3A_481 : i32 to vector<16xi32>
    %eq3A_483 = arith.cmpi eq, %iota3A, %eq3A_482 : vector<16xi32>
    %eq3A_484 = arith.constant 2 : i32
    %eq3A_485 = vector.broadcast %eq3A_484 : i32 to vector<16xi32>
    %eq3A_486 = arith.cmpi eq, %iota3A, %eq3A_485 : vector<16xi32>
    %eq3A_487 = arith.constant 3 : i32
    %eq3A_488 = vector.broadcast %eq3A_487 : i32 to vector<16xi32>
    %eq3A_489 = arith.cmpi eq, %iota3A, %eq3A_488 : vector<16xi32>
    %eq3A_490 = arith.constant 4 : i32
    %eq3A_491 = vector.broadcast %eq3A_490 : i32 to vector<16xi32>
    %eq3A_492 = arith.cmpi eq, %iota3A, %eq3A_491 : vector<16xi32>
    %eq3A_493 = arith.constant 5 : i32
    %eq3A_494 = vector.broadcast %eq3A_493 : i32 to vector<16xi32>
    %eq3A_495 = arith.cmpi eq, %iota3A, %eq3A_494 : vector<16xi32>
    %eq3A_496 = arith.constant 6 : i32
    %eq3A_497 = vector.broadcast %eq3A_496 : i32 to vector<16xi32>
    %eq3A_498 = arith.cmpi eq, %iota3A, %eq3A_497 : vector<16xi32>
    %eq3A_499 = arith.constant 7 : i32
    %eq3A_500 = vector.broadcast %eq3A_499 : i32 to vector<16xi32>
    %eq3A_501 = arith.cmpi eq, %iota3A, %eq3A_500 : vector<16xi32>
    %eq3A_502 = arith.constant 8 : i32
    %eq3A_503 = vector.broadcast %eq3A_502 : i32 to vector<16xi32>
    %eq3A_504 = arith.cmpi eq, %iota3A, %eq3A_503 : vector<16xi32>
    %eq3A_505 = arith.constant 9 : i32
    %eq3A_506 = vector.broadcast %eq3A_505 : i32 to vector<16xi32>
    %eq3A_507 = arith.cmpi eq, %iota3A, %eq3A_506 : vector<16xi32>
    %eq3A_508 = arith.constant 10 : i32
    %eq3A_509 = vector.broadcast %eq3A_508 : i32 to vector<16xi32>
    %eq3A_510 = arith.cmpi eq, %iota3A, %eq3A_509 : vector<16xi32>
    %eq3A_511 = arith.constant 11 : i32
    %eq3A_512 = vector.broadcast %eq3A_511 : i32 to vector<16xi32>
    %eq3A_513 = arith.cmpi eq, %iota3A, %eq3A_512 : vector<16xi32>
    %eq3A_514 = arith.constant 12 : i32
    %eq3A_515 = vector.broadcast %eq3A_514 : i32 to vector<16xi32>
    %eq3A_516 = arith.cmpi eq, %iota3A, %eq3A_515 : vector<16xi32>
    %eq3A_517 = arith.constant 13 : i32
    %eq3A_518 = vector.broadcast %eq3A_517 : i32 to vector<16xi32>
    %eq3A_519 = arith.cmpi eq, %iota3A, %eq3A_518 : vector<16xi32>
    %eq3A_520 = arith.constant 14 : i32
    %eq3A_521 = vector.broadcast %eq3A_520 : i32 to vector<16xi32>
    %eq3A_522 = arith.cmpi eq, %iota3A, %eq3A_521 : vector<16xi32>
    %eq3A_523 = arith.constant 15 : i32
    %eq3A_524 = vector.broadcast %eq3A_523 : i32 to vector<16xi32>
    %eq3A_525 = arith.cmpi eq, %iota3A, %eq3A_524 : vector<16xi32>
    %scan3A = arith.constant 0 : i32
    %scan3A_526 = arith.constant 32 : i32
    %scan3A_527 = arith.addi %scan3A, %scan3A_526 : i32
    %scan3A_528 = arith.constant 1 : i32
    scf.for %scan3A_530 = %scan3A to %scan3A_527 step %scan3A_528  : i32 {
      %broadcast_in_dim3A = arith.constant 0.000000e+00 : f32
      %broadcast_in_dim3A_531 = vector.broadcast %broadcast_in_dim3A : f32 to vector<16xf32>
      %broadcast_in_dim3A_532 = arith.constant 0.000000e+00 : f32
      %broadcast_in_dim3A_533 = vector.broadcast %broadcast_in_dim3A_532 : f32 to vector<16xf32>
      %broadcast_in_dim3A_534 = arith.constant 0.000000e+00 : f32
      %broadcast_in_dim3A_535 = vector.broadcast %broadcast_in_dim3A_534 : f32 to vector<16xf32>
      %broadcast_in_dim3A_536 = arith.constant 0.000000e+00 : f32
      %broadcast_in_dim3A_537 = vector.broadcast %broadcast_in_dim3A_536 : f32 to vector<16xf32>
      %broadcast_in_dim3A_538 = arith.constant 0.000000e+00 : f32
      %broadcast_in_dim3A_539 = vector.broadcast %broadcast_in_dim3A_538 : f32 to vector<16xf32>
      %mul3A_540 = arith.constant 16 : i32
      %mul3A_541 = arith.muli %scan3A_530, %mul3A_540 : i32
      %add3A_542 = arith.constant 0 : i32
      %add3A_543 = arith.addi %mul3A_541, %add3A_542 : i32
      %get3A = arith.index_cast %add3A_543 : i32 to index
      %get3A_544 = arith.constant 0 : index
      %get3A_545 = tpu.vector_load %arg9[%get3A, %get3A_544] {strides = array<i32>} : memref<512x32xf32, #tpu.memory_space<vmem>>, vector<16xf32>,
      %get3A_546 = arith.index_cast %add3A_543 : i32 to index
      %get3A_547 = arith.constant 16 : index
      %get3A_548 = tpu.vector_load %arg9[%get3A_546, %get3A_547] {strides = array<i32>} : memref<512x32xf32, #tpu.memory_space<vmem>>, vector<16xf32>,
      %mul3A_549 = arith.constant 5 : i32
      %mul3A_550 = arith.muli %add3A_543, %mul3A_549 : i32
      %add3A_551 = arith.constant 0 : i32
      %add3A_552 = arith.addi %mul3A_550, %add3A_551 : i32
      %get3A_553 = arith.index_cast %add3A_552 : i32 to index
      %get3A_554 = arith.constant 0 : index
      %get3A_555 = tpu.vector_load %arg10[%get3A_553, %get3A_554] {strides = array<i32>} : memref<2560x32xf32, #tpu.memory_space<vmem>>, vector<16xf32>,
      %mul3A_556 = arith.mulf %get3A_545, %get3A_555 : vector<16xf32>
      %get3A_557 = arith.index_cast %add3A_552 : i32 to index
      %get3A_558 = arith.constant 16 : index
      %get3A_559 = tpu.vector_load %arg10[%get3A_557, %get3A_558] {strides = array<i32>} : memref<2560x32xf32, #tpu.memory_space<vmem>>, vector<16xf32>,
      %mul3A_560 = arith.mulf %get3A_548, %get3A_559 : vector<16xf32>
      %add3A_561 = arith.addf %mul3A_556, %mul3A_560 : vector<16xf32>
      %reduce_sum3A = arith.constant true
      %reduce_sum3A_562 = vector.broadcast %reduce_sum3A : i1 to vector<16xi1>
      %reduce_sum3A_563 = tpu.scan <sum>, %add3A_561 masked %reduce_sum3A_562 : vector<16xf32>, vector<16xi1> -> vector<16xf32>
      %reduce_sum3A_564 = vector.extract %reduce_sum3A_563[15] : f32 from vector<16xf32>
      %broadcast_in_dim3A_565 = vector.broadcast %reduce_sum3A_564 : f32 to vector<16xf32>
      %select_n3A = arith.select %eq3A_480, %broadcast_in_dim3A_565, %broadcast_in_dim3A_531 : vector<16xi1>, vector<16xf32>
      %mul3A_566 = arith.constant 5 : i32
      %mul3A_567 = arith.muli %add3A_543, %mul3A_566 : i32
      %add3A_568 = arith.constant 1 : i32
      %add3A_569 = arith.addi %mul3A_567, %add3A_568 : i32
      %get3A_570 = arith.index_cast %add3A_569 : i32 to index
      %get3A_571 = arith.constant 0 : index
      %get3A_572 = tpu.vector_load %arg10[%get3A_570, %get3A_571] {strides = array<i32>} : memref<2560x32xf32, #tpu.memory_space<vmem>>, vector<16xf32>,
      %mul3A_573 = arith.mulf %get3A_545, %get3A_572 : vector<16xf32>
      %get3A_574 = arith.index_cast %add3A_569 : i32 to index
      %get3A_575 = arith.constant 16 : index
      %get3A_576 = tpu.vector_load %arg10[%get3A_574, %get3A_575] {strides = array<i32>} : memref<2560x32xf32, #tpu.memory_space<vmem>>, vector<16xf32>,
      %mul3A_577 = arith.mulf %get3A_548, %get3A_576 : vector<16xf32>
      %add3A_578 = arith.addf %mul3A_573, %mul3A_577 : vector<16xf32>
      %reduce_sum3A_579 = arith.constant true
      %reduce_sum3A_580 = vector.broadcast %reduce_sum3A_579 : i1 to vector<16xi1>
      %reduce_sum3A_581 = tpu.scan <sum>, %add3A_578 masked %reduce_sum3A_580 : vector<16xf32>, vector<16xi1> -> vector<16xf32>
      %reduce_sum3A_582 = vector.extract %reduce_sum3A_581[15] : f32 from vector<16xf32>
      %broadcast_in_dim3A_583 = vector.broadcast %reduce_sum3A_582 : f32 to vector<16xf32>
      %select_n3A_584 = arith.select %eq3A_483, %broadcast_in_dim3A_583, %select_n3A : vector<16xi1>, vector<16xf32>
      %mul3A_585 = arith.constant 5 : i32
      %mul3A_586 = arith.muli %add3A_543, %mul3A_585 : i32
      %add3A_587 = arith.constant 2 : i32
      %add3A_588 = arith.addi %mul3A_586, %add3A_587 : i32
      %get3A_589 = arith.index_cast %add3A_588 : i32 to index
      %get3A_590 = arith.constant 0 : index
      %get3A_591 = tpu.vector_load %arg10[%get3A_589, %get3A_590] {strides = array<i32>} : memref<2560x32xf32, #tpu.memory_space<vmem>>, vector<16xf32>,
      %mul3A_592 = arith.mulf %get3A_545, %get3A_591 : vector<16xf32>
      %get3A_593 = arith.index_cast %add3A_588 : i32 to index
      %get3A_594 = arith.constant 16 : index
      %get3A_595 = tpu.vector_load %arg10[%get3A_593, %get3A_594] {strides = array<i32>} : memref<2560x32xf32, #tpu.memory_space<vmem>>, vector<16xf32>,
      %mul3A_596 = arith.mulf %get3A_548, %get3A_595 : vector<16xf32>
      %add3A_597 = arith.addf %mul3A_592, %mul3A_596 : vector<16xf32>
      %reduce_sum3A_598 = arith.constant true
      %reduce_sum3A_599 = vector.broadcast %reduce_sum3A_598 : i1 to vector<16xi1>
      %reduce_sum3A_600 = tpu.scan <sum>, %add3A_597 masked %reduce_sum3A_599 : vector<16xf32>, vector<16xi1> -> vector<16xf32>
      %reduce_sum3A_601 = vector.extract %reduce_sum3A_600[15] : f32 from vector<16xf32>
      %broadcast_in_dim3A_602 = vector.broadcast %reduce_sum3A_601 : f32 to vector<16xf32>
      %select_n3A_603 = arith.select %eq3A_486, %broadcast_in_dim3A_602, %select_n3A_584 : vector<16xi1>, vector<16xf32>
      %mul3A_604 = arith.constant 5 : i32
      %mul3A_605 = arith.muli %add3A_543, %mul3A_604 : i32
      %add3A_606 = arith.constant 3 : i32
      %add3A_607 = arith.addi %mul3A_605, %add3A_606 : i32
      %get3A_608 = arith.index_cast %add3A_607 : i32 to index
      %get3A_609 = arith.constant 0 : index
      %get3A_610 = tpu.vector_load %arg10[%get3A_608, %get3A_609] {strides = array<i32>} : memref<2560x32xf32, #tpu.memory_space<vmem>>, vector<16xf32>,
      %mul3A_611 = arith.mulf %get3A_545, %get3A_610 : vector<16xf32>
      %get3A_612 = arith.index_cast %add3A_607 : i32 to index
      %get3A_613 = arith.constant 16 : index
      %get3A_614 = tpu.vector_load %arg10[%get3A_612, %get3A_613] {strides = array<i32>} : memref<2560x32xf32, #tpu.memory_space<vmem>>, vector<16xf32>,
      %mul3A_615 = arith.mulf %get3A_548, %get3A_614 : vector<16xf32>
      %add3A_616 = arith.addf %mul3A_611, %mul3A_615 : vector<16xf32>
      %reduce_sum3A_617 = arith.constant true
      %reduce_sum3A_618 = vector.broadcast %reduce_sum3A_617 : i1 to vector<16xi1>
      %reduce_sum3A_619 = tpu.scan <sum>, %add3A_616 masked %reduce_sum3A_618 : vector<16xf32>, vector<16xi1> -> vector<16xf32>
      %reduce_sum3A_620 = vector.extract %reduce_sum3A_619[15] : f32 from vector<16xf32>
      %broadcast_in_dim3A_621 = vector.broadcast %reduce_sum3A_620 : f32 to vector<16xf32>
      %select_n3A_622 = arith.select %eq3A_489, %broadcast_in_dim3A_621, %select_n3A_603 : vector<16xi1>, vector<16xf32>
      %mul3A_623 = arith.constant 5 : i32
      %mul3A_624 = arith.muli %add3A_543, %mul3A_623 : i32
      %add3A_625 = arith.constant 4 : i32
      %add3A_626 = arith.addi %mul3A_624, %add3A_625 : i32
      %get3A_627 = arith.index_cast %add3A_626 : i32 to index
      %get3A_628 = arith.constant 0 : index
      %get3A_629 = tpu.vector_load %arg10[%get3A_627, %get3A_628] {strides = array<i32>} : memref<2560x32xf32, #tpu.memory_space<vmem>>, vector<16xf32>,
      %mul3A_630 = arith.mulf %get3A_545, %get3A_629 : vector<16xf32>
      %get3A_631 = arith.index_cast %add3A_626 : i32 to index
      %get3A_632 = arith.constant 16 : index
      %get3A_633 = tpu.vector_load %arg10[%get3A_631, %get3A_632] {strides = array<i32>} : memref<2560x32xf32, #tpu.memory_space<vmem>>, vector<16xf32>,
      %mul3A_634 = arith.mulf %get3A_548, %get3A_633 : vector<16xf32>
      %add3A_635 = arith.addf %mul3A_630, %mul3A_634 : vector<16xf32>
      %reduce_sum3A_636 = arith.constant true
      %reduce_sum3A_637 = vector.broadcast %reduce_sum3A_636 : i1 to vector<16xi1>
      %reduce_sum3A_638 = tpu.scan <sum>, %add3A_635 masked %reduce_sum3A_637 : vector<16xf32>, vector<16xi1> -> vector<16xf32>
      %reduce_sum3A_639 = vector.extract %reduce_sum3A_638[15] : f32 from vector<16xf32>
      %broadcast_in_dim3A_640 = vector.broadcast %reduce_sum3A_639 : f32 to vector<16xf32>
      %select_n3A_641 = arith.select %eq3A_492, %broadcast_in_dim3A_640, %select_n3A_622 : vector<16xi1>, vector<16xf32>
      %mul3A_642 = arith.constant 16 : i32
      %mul3A_643 = arith.muli %scan3A_530, %mul3A_642 : i32
      %add3A_644 = arith.constant 1 : i32
      %add3A_645 = arith.addi %mul3A_643, %add3A_644 : i32
      %get3A_646 = arith.index_cast %add3A_645 : i32 to index
      %get3A_647 = arith.constant 0 : index
      %get3A_648 = tpu.vector_load %arg9[%get3A_646, %get3A_647] {strides = array<i32>} : memref<512x32xf32, #tpu.memory_space<vmem>>, vector<16xf32>,
      %get3A_649 = arith.index_cast %add3A_645 : i32 to index
      %get3A_650 = arith.constant 16 : index
      %get3A_651 = tpu.vector_load %arg9[%get3A_649, %get3A_650] {strides = array<i32>} : memref<512x32xf32, #tpu.memory_space<vmem>>, vector<16xf32>,
      %mul3A_652 = arith.constant 5 : i32
      %mul3A_653 = arith.muli %add3A_645, %mul3A_652 : i32
      %add3A_654 = arith.constant 0 : i32
      %add3A_655 = arith.addi %mul3A_653, %add3A_654 : i32
      %get3A_656 = arith.index_cast %add3A_655 : i32 to index
      %get3A_657 = arith.constant 0 : index
      %get3A_658 = tpu.vector_load %arg10[%get3A_656, %get3A_657] {strides = array<i32>} : memref<2560x32xf32, #tpu.memory_space<vmem>>, vector<16xf32>,
      %mul3A_659 = arith.mulf %get3A_648, %get3A_658 : vector<16xf32>
      %get3A_660 = arith.index_cast %add3A_655 : i32 to index
      %get3A_661 = arith.constant 16 : index
      %get3A_662 = tpu.vector_load %arg10[%get3A_660, %get3A_661] {strides = array<i32>} : memref<2560x32xf32, #tpu.memory_space<vmem>>, vector<16xf32>,
      %mul3A_663 = arith.mulf %get3A_651, %get3A_662 : vector<16xf32>
      %add3A_664 = arith.addf %mul3A_659, %mul3A_663 : vector<16xf32>
      %reduce_sum3A_665 = arith.constant true
      %reduce_sum3A_666 = vector.broadcast %reduce_sum3A_665 : i1 to vector<16xi1>
      %reduce_sum3A_667 = tpu.scan <sum>, %add3A_664 masked %reduce_sum3A_666 : vector<16xf32>, vector<16xi1> -> vector<16xf32>
      %reduce_sum3A_668 = vector.extract %reduce_sum3A_667[15] : f32 from vector<16xf32>
      %broadcast_in_dim3A_669 = vector.broadcast %reduce_sum3A_668 : f32 to vector<16xf32>
      %select_n3A_670 = arith.select %eq3A_495, %broadcast_in_dim3A_669, %select_n3A_641 : vector<16xi1>, vector<16xf32>
      %mul3A_671 = arith.constant 5 : i32
      %mul3A_672 = arith.muli %add3A_645, %mul3A_671 : i32
      %add3A_673 = arith.constant 1 : i32
      %add3A_674 = arith.addi %mul3A_672, %add3A_673 : i32
      %get3A_675 = arith.index_cast %add3A_674 : i32 to index
      %get3A_676 = arith.constant 0 : index
      %get3A_677 = tpu.vector_load %arg10[%get3A_675, %get3A_676] {strides = array<i32>} : memref<2560x32xf32, #tpu.memory_space<vmem>>, vector<16xf32>,
      %mul3A_678 = arith.mulf %get3A_648, %get3A_677 : vector<16xf32>
      %get3A_679 = arith.index_cast %add3A_674 : i32 to index
      %get3A_680 = arith.constant 16 : index
      %get3A_681 = tpu.vector_load %arg10[%get3A_679, %get3A_680] {strides = array<i32>} : memref<2560x32xf32, #tpu.memory_space<vmem>>, vector<16xf32>,
      %mul3A_682 = arith.mulf %get3A_651, %get3A_681 : vector<16xf32>
      %add3A_683 = arith.addf %mul3A_678, %mul3A_682 : vector<16xf32>
      %reduce_sum3A_684 = arith.constant true
      %reduce_sum3A_685 = vector.broadcast %reduce_sum3A_684 : i1 to vector<16xi1>
      %reduce_sum3A_686 = tpu.scan <sum>, %add3A_683 masked %reduce_sum3A_685 : vector<16xf32>, vector<16xi1> -> vector<16xf32>
      %reduce_sum3A_687 = vector.extract %reduce_sum3A_686[15] : f32 from vector<16xf32>
      %broadcast_in_dim3A_688 = vector.broadcast %reduce_sum3A_687 : f32 to vector<16xf32>
      %select_n3A_689 = arith.select %eq3A_498, %broadcast_in_dim3A_688, %select_n3A_670 : vector<16xi1>, vector<16xf32>
      %mul3A_690 = arith.constant 5 : i32
      %mul3A_691 = arith.muli %add3A_645, %mul3A_690 : i32
      %add3A_692 = arith.constant 2 : i32
      %add3A_693 = arith.addi %mul3A_691, %add3A_692 : i32
      %get3A_694 = arith.index_cast %add3A_693 : i32 to index
      %get3A_695 = arith.constant 0 : index
      %get3A_696 = tpu.vector_load %arg10[%get3A_694, %get3A_695] {strides = array<i32>} : memref<2560x32xf32, #tpu.memory_space<vmem>>, vector<16xf32>,
      %mul3A_697 = arith.mulf %get3A_648, %get3A_696 : vector<16xf32>
      %get3A_698 = arith.index_cast %add3A_693 : i32 to index
      %get3A_699 = arith.constant 16 : index
      %get3A_700 = tpu.vector_load %arg10[%get3A_698, %get3A_699] {strides = array<i32>} : memref<2560x32xf32, #tpu.memory_space<vmem>>, vector<16xf32>,
      %mul3A_701 = arith.mulf %get3A_651, %get3A_700 : vector<16xf32>
      %add3A_702 = arith.addf %mul3A_697, %mul3A_701 : vector<16xf32>
      %reduce_sum3A_703 = arith.constant true
      %reduce_sum3A_704 = vector.broadcast %reduce_sum3A_703 : i1 to vector<16xi1>
      %reduce_sum3A_705 = tpu.scan <sum>, %add3A_702 masked %reduce_sum3A_704 : vector<16xf32>, vector<16xi1> -> vector<16xf32>
      %reduce_sum3A_706 = vector.extract %reduce_sum3A_705[15] : f32 from vector<16xf32>
      %broadcast_in_dim3A_707 = vector.broadcast %reduce_sum3A_706 : f32 to vector<16xf32>
      %select_n3A_708 = arith.select %eq3A_501, %broadcast_in_dim3A_707, %select_n3A_689 : vector<16xi1>, vector<16xf32>
      %mul3A_709 = arith.constant 5 : i32
      %mul3A_710 = arith.muli %add3A_645, %mul3A_709 : i32
      %add3A_711 = arith.constant 3 : i32
      %add3A_712 = arith.addi %mul3A_710, %add3A_711 : i32
      %get3A_713 = arith.index_cast %add3A_712 : i32 to index
      %get3A_714 = arith.constant 0 : index
      %get3A_715 = tpu.vector_load %arg10[%get3A_713, %get3A_714] {strides = array<i32>} : memref<2560x32xf32, #tpu.memory_space<vmem>>, vector<16xf32>,
      %mul3A_716 = arith.mulf %get3A_648, %get3A_715 : vector<16xf32>
      %get3A_717 = arith.index_cast %add3A_712 : i32 to index
      %get3A_718 = arith.constant 16 : index
      %get3A_719 = tpu.vector_load %arg10[%get3A_717, %get3A_718] {strides = array<i32>} : memref<2560x32xf32, #tpu.memory_space<vmem>>, vector<16xf32>,
      %mul3A_720 = arith.mulf %get3A_651, %get3A_719 : vector<16xf32>
      %add3A_721 = arith.addf %mul3A_716, %mul3A_720 : vector<16xf32>
      %reduce_sum3A_722 = arith.constant true
      %reduce_sum3A_723 = vector.broadcast %reduce_sum3A_722 : i1 to vector<16xi1>
      %reduce_sum3A_724 = tpu.scan <sum>, %add3A_721 masked %reduce_sum3A_723 : vector<16xf32>, vector<16xi1> -> vector<16xf32>
      %reduce_sum3A_725 = vector.extract %reduce_sum3A_724[15] : f32 from vector<16xf32>
      %broadcast_in_dim3A_726 = vector.broadcast %reduce_sum3A_725 : f32 to vector<16xf32>
      %select_n3A_727 = arith.select %eq3A_504, %broadcast_in_dim3A_726, %select_n3A_708 : vector<16xi1>, vector<16xf32>
      %mul3A_728 = arith.constant 5 : i32
      %mul3A_729 = arith.muli %add3A_645, %mul3A_728 : i32
      %add3A_730 = arith.constant 4 : i32
      %add3A_731 = arith.addi %mul3A_729, %add3A_730 : i32
      %get3A_732 = arith.index_cast %add3A_731 : i32 to index
      %get3A_733 = arith.constant 0 : index
      %get3A_734 = tpu.vector_load %arg10[%get3A_732, %get3A_733] {strides = array<i32>} : memref<2560x32xf32, #tpu.memory_space<vmem>>, vector<16xf32>,
      %mul3A_735 = arith.mulf %get3A_648, %get3A_734 : vector<16xf32>
      %get3A_736 = arith.index_cast %add3A_731 : i32 to index
      %get3A_737 = arith.constant 16 : index
      %get3A_738 = tpu.vector_load %arg10[%get3A_736, %get3A_737] {strides = array<i32>} : memref<2560x32xf32, #tpu.memory_space<vmem>>, vector<16xf32>,
      %mul3A_739 = arith.mulf %get3A_651, %get3A_738 : vector<16xf32>
      %add3A_740 = arith.addf %mul3A_735, %mul3A_739 : vector<16xf32>
      %reduce_sum3A_741 = arith.constant true
      %reduce_sum3A_742 = vector.broadcast %reduce_sum3A_741 : i1 to vector<16xi1>
      %reduce_sum3A_743 = tpu.scan <sum>, %add3A_740 masked %reduce_sum3A_742 : vector<16xf32>, vector<16xi1> -> vector<16xf32>
      %reduce_sum3A_744 = vector.extract %reduce_sum3A_743[15] : f32 from vector<16xf32>
      %broadcast_in_dim3A_745 = vector.broadcast %reduce_sum3A_744 : f32 to vector<16xf32>
      %select_n3A_746 = arith.select %eq3A_507, %broadcast_in_dim3A_745, %select_n3A_727 : vector<16xi1>, vector<16xf32>
      %mul3A_747 = arith.constant 16 : i32
      %mul3A_748 = arith.muli %scan3A_530, %mul3A_747 : i32
      %add3A_749 = arith.constant 2 : i32
      %add3A_750 = arith.addi %mul3A_748, %add3A_749 : i32
      %get3A_751 = arith.index_cast %add3A_750 : i32 to index
      %get3A_752 = arith.constant 0 : index
      %get3A_753 = tpu.vector_load %arg9[%get3A_751, %get3A_752] {strides = array<i32>} : memref<512x32xf32, #tpu.memory_space<vmem>>, vector<16xf32>,
      %get3A_754 = arith.index_cast %add3A_750 : i32 to index
      %get3A_755 = arith.constant 16 : index
      %get3A_756 = tpu.vector_load %arg9[%get3A_754, %get3A_755] {strides = array<i32>} : memref<512x32xf32, #tpu.memory_space<vmem>>, vector<16xf32>,
      %mul3A_757 = arith.constant 5 : i32
      %mul3A_758 = arith.muli %add3A_750, %mul3A_757 : i32
      %add3A_759 = arith.constant 0 : i32
      %add3A_760 = arith.addi %mul3A_758, %add3A_759 : i32
      %get3A_761 = arith.index_cast %add3A_760 : i32 to index
      %get3A_762 = arith.constant 0 : index
      %get3A_763 = tpu.vector_load %arg10[%get3A_761, %get3A_762] {strides = array<i32>} : memref<2560x32xf32, #tpu.memory_space<vmem>>, vector<16xf32>,
      %mul3A_764 = arith.mulf %get3A_753, %get3A_763 : vector<16xf32>
      %get3A_765 = arith.index_cast %add3A_760 : i32 to index
      %get3A_766 = arith.constant 16 : index
      %get3A_767 = tpu.vector_load %arg10[%get3A_765, %get3A_766] {strides = array<i32>} : memref<2560x32xf32, #tpu.memory_space<vmem>>, vector<16xf32>,
      %mul3A_768 = arith.mulf %get3A_756, %get3A_767 : vector<16xf32>
      %add3A_769 = arith.addf %mul3A_764, %mul3A_768 : vector<16xf32>
      %reduce_sum3A_770 = arith.constant true
      %reduce_sum3A_771 = vector.broadcast %reduce_sum3A_770 : i1 to vector<16xi1>
      %reduce_sum3A_772 = tpu.scan <sum>, %add3A_769 masked %reduce_sum3A_771 : vector<16xf32>, vector<16xi1> -> vector<16xf32>
      %reduce_sum3A_773 = vector.extract %reduce_sum3A_772[15] : f32 from vector<16xf32>
      %broadcast_in_dim3A_774 = vector.broadcast %reduce_sum3A_773 : f32 to vector<16xf32>
      %select_n3A_775 = arith.select %eq3A_510, %broadcast_in_dim3A_774, %select_n3A_746 : vector<16xi1>, vector<16xf32>
      %mul3A_776 = arith.constant 5 : i32
      %mul3A_777 = arith.muli %add3A_750, %mul3A_776 : i32
      %add3A_778 = arith.constant 1 : i32
      %add3A_779 = arith.addi %mul3A_777, %add3A_778 : i32
      %get3A_780 = arith.index_cast %add3A_779 : i32 to index
      %get3A_781 = arith.constant 0 : index
      %get3A_782 = tpu.vector_load %arg10[%get3A_780, %get3A_781] {strides = array<i32>} : memref<2560x32xf32, #tpu.memory_space<vmem>>, vector<16xf32>,
      %mul3A_783 = arith.mulf %get3A_753, %get3A_782 : vector<16xf32>
      %get3A_784 = arith.index_cast %add3A_779 : i32 to index
      %get3A_785 = arith.constant 16 : index
      %get3A_786 = tpu.vector_load %arg10[%get3A_784, %get3A_785] {strides = array<i32>} : memref<2560x32xf32, #tpu.memory_space<vmem>>, vector<16xf32>,
      %mul3A_787 = arith.mulf %get3A_756, %get3A_786 : vector<16xf32>
      %add3A_788 = arith.addf %mul3A_783, %mul3A_787 : vector<16xf32>
      %reduce_sum3A_789 = arith.constant true
      %reduce_sum3A_790 = vector.broadcast %reduce_sum3A_789 : i1 to vector<16xi1>
      %reduce_sum3A_791 = tpu.scan <sum>, %add3A_788 masked %reduce_sum3A_790 : vector<16xf32>, vector<16xi1> -> vector<16xf32>
      %reduce_sum3A_792 = vector.extract %reduce_sum3A_791[15] : f32 from vector<16xf32>
      %broadcast_in_dim3A_793 = vector.broadcast %reduce_sum3A_792 : f32 to vector<16xf32>
      %select_n3A_794 = arith.select %eq3A_513, %broadcast_in_dim3A_793, %select_n3A_775 : vector<16xi1>, vector<16xf32>
      %mul3A_795 = arith.constant 5 : i32
      %mul3A_796 = arith.muli %add3A_750, %mul3A_795 : i32
      %add3A_797 = arith.constant 2 : i32
      %add3A_798 = arith.addi %mul3A_796, %add3A_797 : i32
      %get3A_799 = arith.index_cast %add3A_798 : i32 to index
      %get3A_800 = arith.constant 0 : index
      %get3A_801 = tpu.vector_load %arg10[%get3A_799, %get3A_800] {strides = array<i32>} : memref<2560x32xf32, #tpu.memory_space<vmem>>, vector<16xf32>,
      %mul3A_802 = arith.mulf %get3A_753, %get3A_801 : vector<16xf32>
      %get3A_803 = arith.index_cast %add3A_798 : i32 to index
      %get3A_804 = arith.constant 16 : index
      %get3A_805 = tpu.vector_load %arg10[%get3A_803, %get3A_804] {strides = array<i32>} : memref<2560x32xf32, #tpu.memory_space<vmem>>, vector<16xf32>,
      %mul3A_806 = arith.mulf %get3A_756, %get3A_805 : vector<16xf32>
      %add3A_807 = arith.addf %mul3A_802, %mul3A_806 : vector<16xf32>
      %reduce_sum3A_808 = arith.constant true
      %reduce_sum3A_809 = vector.broadcast %reduce_sum3A_808 : i1 to vector<16xi1>
      %reduce_sum3A_810 = tpu.scan <sum>, %add3A_807 masked %reduce_sum3A_809 : vector<16xf32>, vector<16xi1> -> vector<16xf32>
      %reduce_sum3A_811 = vector.extract %reduce_sum3A_810[15] : f32 from vector<16xf32>
      %broadcast_in_dim3A_812 = vector.broadcast %reduce_sum3A_811 : f32 to vector<16xf32>
      %select_n3A_813 = arith.select %eq3A_516, %broadcast_in_dim3A_812, %select_n3A_794 : vector<16xi1>, vector<16xf32>
      %mul3A_814 = arith.constant 5 : i32
      %mul3A_815 = arith.muli %add3A_750, %mul3A_814 : i32
      %add3A_816 = arith.constant 3 : i32
      %add3A_817 = arith.addi %mul3A_815, %add3A_816 : i32
      %get3A_818 = arith.index_cast %add3A_817 : i32 to index
      %get3A_819 = arith.constant 0 : index
      %get3A_820 = tpu.vector_load %arg10[%get3A_818, %get3A_819] {strides = array<i32>} : memref<2560x32xf32, #tpu.memory_space<vmem>>, vector<16xf32>,
      %mul3A_821 = arith.mulf %get3A_753, %get3A_820 : vector<16xf32>
      %get3A_822 = arith.index_cast %add3A_817 : i32 to index
      %get3A_823 = arith.constant 16 : index
      %get3A_824 = tpu.vector_load %arg10[%get3A_822, %get3A_823] {strides = array<i32>} : memref<2560x32xf32, #tpu.memory_space<vmem>>, vector<16xf32>,
      %mul3A_825 = arith.mulf %get3A_756, %get3A_824 : vector<16xf32>
      %add3A_826 = arith.addf %mul3A_821, %mul3A_825 : vector<16xf32>
      %reduce_sum3A_827 = arith.constant true
      %reduce_sum3A_828 = vector.broadcast %reduce_sum3A_827 : i1 to vector<16xi1>
      %reduce_sum3A_829 = tpu.scan <sum>, %add3A_826 masked %reduce_sum3A_828 : vector<16xf32>, vector<16xi1> -> vector<16xf32>
      %reduce_sum3A_830 = vector.extract %reduce_sum3A_829[15] : f32 from vector<16xf32>
      %broadcast_in_dim3A_831 = vector.broadcast %reduce_sum3A_830 : f32 to vector<16xf32>
      %select_n3A_832 = arith.select %eq3A_519, %broadcast_in_dim3A_831, %select_n3A_813 : vector<16xi1>, vector<16xf32>
      %mul3A_833 = arith.constant 5 : i32
      %mul3A_834 = arith.muli %add3A_750, %mul3A_833 : i32
      %add3A_835 = arith.constant 4 : i32
      %add3A_836 = arith.addi %mul3A_834, %add3A_835 : i32
      %get3A_837 = arith.index_cast %add3A_836 : i32 to index
      %get3A_838 = arith.constant 0 : index
      %get3A_839 = tpu.vector_load %arg10[%get3A_837, %get3A_838] {strides = array<i32>} : memref<2560x32xf32, #tpu.memory_space<vmem>>, vector<16xf32>,
      %mul3A_840 = arith.mulf %get3A_753, %get3A_839 : vector<16xf32>
      %get3A_841 = arith.index_cast %add3A_836 : i32 to index
      %get3A_842 = arith.constant 16 : index
      %get3A_843 = tpu.vector_load %arg10[%get3A_841, %get3A_842] {strides = array<i32>} : memref<2560x32xf32, #tpu.memory_space<vmem>>, vector<16xf32>,
      %mul3A_844 = arith.mulf %get3A_756, %get3A_843 : vector<16xf32>
      %add3A_845 = arith.addf %mul3A_840, %mul3A_844 : vector<16xf32>
      %reduce_sum3A_846 = arith.constant true
      %reduce_sum3A_847 = vector.broadcast %reduce_sum3A_846 : i1 to vector<16xi1>
      %reduce_sum3A_848 = tpu.scan <sum>, %add3A_845 masked %reduce_sum3A_847 : vector<16xf32>, vector<16xi1> -> vector<16xf32>
      %reduce_sum3A_849 = vector.extract %reduce_sum3A_848[15] : f32 from vector<16xf32>
      %broadcast_in_dim3A_850 = vector.broadcast %reduce_sum3A_849 : f32 to vector<16xf32>
      %select_n3A_851 = arith.select %eq3A_522, %broadcast_in_dim3A_850, %select_n3A_832 : vector<16xi1>, vector<16xf32>
      %mul3A_852 = arith.constant 16 : i32
      %mul3A_853 = arith.muli %scan3A_530, %mul3A_852 : i32
      %add3A_854 = arith.constant 3 : i32
      %add3A_855 = arith.addi %mul3A_853, %add3A_854 : i32
      %get3A_856 = arith.index_cast %add3A_855 : i32 to index
      %get3A_857 = arith.constant 0 : index
      %get3A_858 = tpu.vector_load %arg9[%get3A_856, %get3A_857] {strides = array<i32>} : memref<512x32xf32, #tpu.memory_space<vmem>>, vector<16xf32>,
      %get3A_859 = arith.index_cast %add3A_855 : i32 to index
      %get3A_860 = arith.constant 16 : index
      %get3A_861 = tpu.vector_load %arg9[%get3A_859, %get3A_860] {strides = array<i32>} : memref<512x32xf32, #tpu.memory_space<vmem>>, vector<16xf32>,
      %mul3A_862 = arith.constant 5 : i32
      %mul3A_863 = arith.muli %add3A_855, %mul3A_862 : i32
      %add3A_864 = arith.constant 0 : i32
      %add3A_865 = arith.addi %mul3A_863, %add3A_864 : i32
      %get3A_866 = arith.index_cast %add3A_865 : i32 to index
      %get3A_867 = arith.constant 0 : index
      %get3A_868 = tpu.vector_load %arg10[%get3A_866, %get3A_867] {strides = array<i32>} : memref<2560x32xf32, #tpu.memory_space<vmem>>, vector<16xf32>,
      %mul3A_869 = arith.mulf %get3A_858, %get3A_868 : vector<16xf32>
      %get3A_870 = arith.index_cast %add3A_865 : i32 to index
      %get3A_871 = arith.constant 16 : index
      %get3A_872 = tpu.vector_load %arg10[%get3A_870, %get3A_871] {strides = array<i32>} : memref<2560x32xf32, #tpu.memory_space<vmem>>, vector<16xf32>,
      %mul3A_873 = arith.mulf %get3A_861, %get3A_872 : vector<16xf32>
      %add3A_874 = arith.addf %mul3A_869, %mul3A_873 : vector<16xf32>
      %reduce_sum3A_875 = arith.constant true
      %reduce_sum3A_876 = vector.broadcast %reduce_sum3A_875 : i1 to vector<16xi1>
      %reduce_sum3A_877 = tpu.scan <sum>, %add3A_874 masked %reduce_sum3A_876 : vector<16xf32>, vector<16xi1> -> vector<16xf32>
      %reduce_sum3A_878 = vector.extract %reduce_sum3A_877[15] : f32 from vector<16xf32>
      %broadcast_in_dim3A_879 = vector.broadcast %reduce_sum3A_878 : f32 to vector<16xf32>
      %select_n3A_880 = arith.select %eq3A_525, %broadcast_in_dim3A_879, %select_n3A_851 : vector<16xi1>, vector<16xf32>
      %mul3A_881 = arith.constant 5 : i32
      %mul3A_882 = arith.muli %add3A_855, %mul3A_881 : i32
      %add3A_883 = arith.constant 1 : i32
      %add3A_884 = arith.addi %mul3A_882, %add3A_883 : i32
      %get3A_885 = arith.index_cast %add3A_884 : i32 to index
      %get3A_886 = arith.constant 0 : index
      %get3A_887 = tpu.vector_load %arg10[%get3A_885, %get3A_886] {strides = array<i32>} : memref<2560x32xf32, #tpu.memory_space<vmem>>, vector<16xf32>,
      %mul3A_888 = arith.mulf %get3A_858, %get3A_887 : vector<16xf32>
      %get3A_889 = arith.index_cast %add3A_884 : i32 to index
      %get3A_890 = arith.constant 16 : index
      %get3A_891 = tpu.vector_load %arg10[%get3A_889, %get3A_890] {strides = array<i32>} : memref<2560x32xf32, #tpu.memory_space<vmem>>, vector<16xf32>,
      %mul3A_892 = arith.mulf %get3A_861, %get3A_891 : vector<16xf32>
      %add3A_893 = arith.addf %mul3A_888, %mul3A_892 : vector<16xf32>
      %reduce_sum3A_894 = arith.constant true
      %reduce_sum3A_895 = vector.broadcast %reduce_sum3A_894 : i1 to vector<16xi1>
      %reduce_sum3A_896 = tpu.scan <sum>, %add3A_893 masked %reduce_sum3A_895 : vector<16xf32>, vector<16xi1> -> vector<16xf32>
      %reduce_sum3A_897 = vector.extract %reduce_sum3A_896[15] : f32 from vector<16xf32>
      %broadcast_in_dim3A_898 = vector.broadcast %reduce_sum3A_897 : f32 to vector<16xf32>
      %select_n3A_899 = arith.select %eq3A_480, %broadcast_in_dim3A_898, %broadcast_in_dim3A_533 : vector<16xi1>, vector<16xf32>
      %mul3A_900 = arith.constant 5 : i32
      %mul3A_901 = arith.muli %add3A_855, %mul3A_900 : i32
      %add3A_902 = arith.constant 2 : i32
      %add3A_903 = arith.addi %mul3A_901, %add3A_902 : i32
      %get3A_904 = arith.index_cast %add3A_903 : i32 to index
      %get3A_905 = arith.constant 0 : index
      %get3A_906 = tpu.vector_load %arg10[%get3A_904, %get3A_905] {strides = array<i32>} : memref<2560x32xf32, #tpu.memory_space<vmem>>, vector<16xf32>,
      %mul3A_907 = arith.mulf %get3A_858, %get3A_906 : vector<16xf32>
      %get3A_908 = arith.index_cast %add3A_903 : i32 to index
      %get3A_909 = arith.constant 16 : index
      %get3A_910 = tpu.vector_load %arg10[%get3A_908, %get3A_909] {strides = array<i32>} : memref<2560x32xf32, #tpu.memory_space<vmem>>, vector<16xf32>,
      %mul3A_911 = arith.mulf %get3A_861, %get3A_910 : vector<16xf32>
      %add3A_912 = arith.addf %mul3A_907, %mul3A_911 : vector<16xf32>
      %reduce_sum3A_913 = arith.constant true
      %reduce_sum3A_914 = vector.broadcast %reduce_sum3A_913 : i1 to vector<16xi1>
      %reduce_sum3A_915 = tpu.scan <sum>, %add3A_912 masked %reduce_sum3A_914 : vector<16xf32>, vector<16xi1> -> vector<16xf32>
      %reduce_sum3A_916 = vector.extract %reduce_sum3A_915[15] : f32 from vector<16xf32>
      %broadcast_in_dim3A_917 = vector.broadcast %reduce_sum3A_916 : f32 to vector<16xf32>
      %select_n3A_918 = arith.select %eq3A_483, %broadcast_in_dim3A_917, %select_n3A_899 : vector<16xi1>, vector<16xf32>
      %mul3A_919 = arith.constant 5 : i32
      %mul3A_920 = arith.muli %add3A_855, %mul3A_919 : i32
      %add3A_921 = arith.constant 3 : i32
      %add3A_922 = arith.addi %mul3A_920, %add3A_921 : i32
      %get3A_923 = arith.index_cast %add3A_922 : i32 to index
      %get3A_924 = arith.constant 0 : index
      %get3A_925 = tpu.vector_load %arg10[%get3A_923, %get3A_924] {strides = array<i32>} : memref<2560x32xf32, #tpu.memory_space<vmem>>, vector<16xf32>,
      %mul3A_926 = arith.mulf %get3A_858, %get3A_925 : vector<16xf32>
      %get3A_927 = arith.index_cast %add3A_922 : i32 to index
      %get3A_928 = arith.constant 16 : index
      %get3A_929 = tpu.vector_load %arg10[%get3A_927, %get3A_928] {strides = array<i32>} : memref<2560x32xf32, #tpu.memory_space<vmem>>, vector<16xf32>,
      %mul3A_930 = arith.mulf %get3A_861, %get3A_929 : vector<16xf32>
      %add3A_931 = arith.addf %mul3A_926, %mul3A_930 : vector<16xf32>
      %reduce_sum3A_932 = arith.constant true
      %reduce_sum3A_933 = vector.broadcast %reduce_sum3A_932 : i1 to vector<16xi1>
      %reduce_sum3A_934 = tpu.scan <sum>, %add3A_931 masked %reduce_sum3A_933 : vector<16xf32>, vector<16xi1> -> vector<16xf32>
      %reduce_sum3A_935 = vector.extract %reduce_sum3A_934[15] : f32 from vector<16xf32>
      %broadcast_in_dim3A_936 = vector.broadcast %reduce_sum3A_935 : f32 to vector<16xf32>
      %select_n3A_937 = arith.select %eq3A_486, %broadcast_in_dim3A_936, %select_n3A_918 : vector<16xi1>, vector<16xf32>
      %mul3A_938 = arith.constant 5 : i32
      %mul3A_939 = arith.muli %add3A_855, %mul3A_938 : i32
      %add3A_940 = arith.constant 4 : i32
      %add3A_941 = arith.addi %mul3A_939, %add3A_940 : i32
      %get3A_942 = arith.index_cast %add3A_941 : i32 to index
      %get3A_943 = arith.constant 0 : index
      %get3A_944 = tpu.vector_load %arg10[%get3A_942, %get3A_943] {strides = array<i32>} : memref<2560x32xf32, #tpu.memory_space<vmem>>, vector<16xf32>,
      %mul3A_945 = arith.mulf %get3A_858, %get3A_944 : vector<16xf32>
      %get3A_946 = arith.index_cast %add3A_941 : i32 to index
      %get3A_947 = arith.constant 16 : index
      %get3A_948 = tpu.vector_load %arg10[%get3A_946, %get3A_947] {strides = array<i32>} : memref<2560x32xf32, #tpu.memory_space<vmem>>, vector<16xf32>,
      %mul3A_949 = arith.mulf %get3A_861, %get3A_948 : vector<16xf32>
      %add3A_950 = arith.addf %mul3A_945, %mul3A_949 : vector<16xf32>
      %reduce_sum3A_951 = arith.constant true
      %reduce_sum3A_952 = vector.broadcast %reduce_sum3A_951 : i1 to vector<16xi1>
      %reduce_sum3A_953 = tpu.scan <sum>, %add3A_950 masked %reduce_sum3A_952 : vector<16xf32>, vector<16xi1> -> vector<16xf32>
      %reduce_sum3A_954 = vector.extract %reduce_sum3A_953[15] : f32 from vector<16xf32>
      %broadcast_in_dim3A_955 = vector.broadcast %reduce_sum3A_954 : f32 to vector<16xf32>
      %select_n3A_956 = arith.select %eq3A_489, %broadcast_in_dim3A_955, %select_n3A_937 : vector<16xi1>, vector<16xf32>
      %mul3A_957 = arith.constant 16 : i32
      %mul3A_958 = arith.muli %scan3A_530, %mul3A_957 : i32
      %add3A_959 = arith.constant 4 : i32
      %add3A_960 = arith.addi %mul3A_958, %add3A_959 : i32
      %get3A_961 = arith.index_cast %add3A_960 : i32 to index
      %get3A_962 = arith.constant 0 : index
      %get3A_963 = tpu.vector_load %arg9[%get3A_961, %get3A_962] {strides = array<i32>} : memref<512x32xf32, #tpu.memory_space<vmem>>, vector<16xf32>,
      %get3A_964 = arith.index_cast %add3A_960 : i32 to index
      %get3A_965 = arith.constant 16 : index
      %get3A_966 = tpu.vector_load %arg9[%get3A_964, %get3A_965] {strides = array<i32>} : memref<512x32xf32, #tpu.memory_space<vmem>>, vector<16xf32>,
      %mul3A_967 = arith.constant 5 : i32
      %mul3A_968 = arith.muli %add3A_960, %mul3A_967 : i32
      %add3A_969 = arith.constant 0 : i32
      %add3A_970 = arith.addi %mul3A_968, %add3A_969 : i32
      %get3A_971 = arith.index_cast %add3A_970 : i32 to index
      %get3A_972 = arith.constant 0 : index
      %get3A_973 = tpu.vector_load %arg10[%get3A_971, %get3A_972] {strides = array<i32>} : memref<2560x32xf32, #tpu.memory_space<vmem>>, vector<16xf32>,
      %mul3A_974 = arith.mulf %get3A_963, %get3A_973 : vector<16xf32>
      %get3A_975 = arith.index_cast %add3A_970 : i32 to index
      %get3A_976 = arith.constant 16 : index
      %get3A_977 = tpu.vector_load %arg10[%get3A_975, %get3A_976] {strides = array<i32>} : memref<2560x32xf32, #tpu.memory_space<vmem>>, vector<16xf32>,
      %mul3A_978 = arith.mulf %get3A_966, %get3A_977 : vector<16xf32>
      %add3A_979 = arith.addf %mul3A_974, %mul3A_978 : vector<16xf32>
      %reduce_sum3A_980 = arith.constant true
      %reduce_sum3A_981 = vector.broadcast %reduce_sum3A_980 : i1 to vector<16xi1>
      %reduce_sum3A_982 = tpu.scan <sum>, %add3A_979 masked %reduce_sum3A_981 : vector<16xf32>, vector<16xi1> -> vector<16xf32>
      %reduce_sum3A_983 = vector.extract %reduce_sum3A_982[15] : f32 from vector<16xf32>
      %broadcast_in_dim3A_984 = vector.broadcast %reduce_sum3A_983 : f32 to vector<16xf32>
      %select_n3A_985 = arith.select %eq3A_492, %broadcast_in_dim3A_984, %select_n3A_956 : vector<16xi1>, vector<16xf32>
      %mul3A_986 = arith.constant 5 : i32
      %mul3A_987 = arith.muli %add3A_960, %mul3A_986 : i32
      %add3A_988 = arith.constant 1 : i32
      %add3A_989 = arith.addi %mul3A_987, %add3A_988 : i32
      %get3A_990 = arith.index_cast %add3A_989 : i32 to index
      %get3A_991 = arith.constant 0 : index
      %get3A_992 = tpu.vector_load %arg10[%get3A_990, %get3A_991] {strides = array<i32>} : memref<2560x32xf32, #tpu.memory_space<vmem>>, vector<16xf32>,
      %mul3A_993 = arith.mulf %get3A_963, %get3A_992 : vector<16xf32>
      %get3A_994 = arith.index_cast %add3A_989 : i32 to index
      %get3A_995 = arith.constant 16 : index
      %get3A_996 = tpu.vector_load %arg10[%get3A_994, %get3A_995] {strides = array<i32>} : memref<2560x32xf32, #tpu.memory_space<vmem>>, vector<16xf32>,
      %mul3A_997 = arith.mulf %get3A_966, %get3A_996 : vector<16xf32>
      %add3A_998 = arith.addf %mul3A_993, %mul3A_997 : vector<16xf32>
      %reduce_sum3A_999 = arith.constant true
      %reduce_sum3A_1000 = vector.broadcast %reduce_sum3A_999 : i1 to vector<16xi1>
      %reduce_sum3A_1001 = tpu.scan <sum>, %add3A_998 masked %reduce_sum3A_1000 : vector<16xf32>, vector<16xi1> -> vector<16xf32>
      %reduce_sum3A_1002 = vector.extract %reduce_sum3A_1001[15] : f32 from vector<16xf32>
      %broadcast_in_dim3A_1003 = vector.broadcast %reduce_sum3A_1002 : f32 to vector<16xf32>
      %select_n3A_1004 = arith.select %eq3A_495, %broadcast_in_dim3A_1003, %select_n3A_985 : vector<16xi1>, vector<16xf32>
      %mul3A_1005 = arith.constant 5 : i32
      %mul3A_1006 = arith.muli %add3A_960, %mul3A_1005 : i32
      %add3A_1007 = arith.constant 2 : i32
      %add3A_1008 = arith.addi %mul3A_1006, %add3A_1007 : i32
      %get3A_1009 = arith.index_cast %add3A_1008 : i32 to index
      %get3A_1010 = arith.constant 0 : index
      %get3A_1011 = tpu.vector_load %arg10[%get3A_1009, %get3A_1010] {strides = array<i32>} : memref<2560x32xf32, #tpu.memory_space<vmem>>, vector<16xf32>,
      %mul3A_1012 = arith.mulf %get3A_963, %get3A_1011 : vector<16xf32>
      %get3A_1013 = arith.index_cast %add3A_1008 : i32 to index
      %get3A_1014 = arith.constant 16 : index
      %get3A_1015 = tpu.vector_load %arg10[%get3A_1013, %get3A_1014] {strides = array<i32>} : memref<2560x32xf32, #tpu.memory_space<vmem>>, vector<16xf32>,
      %mul3A_1016 = arith.mulf %get3A_966, %get3A_1015 : vector<16xf32>
      %add3A_1017 = arith.addf %mul3A_1012, %mul3A_1016 : vector<16xf32>
      %reduce_sum3A_1018 = arith.constant true
      %reduce_sum3A_1019 = vector.broadcast %reduce_sum3A_1018 : i1 to vector<16xi1>
      %reduce_sum3A_1020 = tpu.scan <sum>, %add3A_1017 masked %reduce_sum3A_1019 : vector<16xf32>, vector<16xi1> -> vector<16xf32>
      %reduce_sum3A_1021 = vector.extract %reduce_sum3A_1020[15] : f32 from vector<16xf32>
      %broadcast_in_dim3A_1022 = vector.broadcast %reduce_sum3A_1021 : f32 to vector<16xf32>
      %select_n3A_1023 = arith.select %eq3A_498, %broadcast_in_dim3A_1022, %select_n3A_1004 : vector<16xi1>, vector<16xf32>
      %mul3A_1024 = arith.constant 5 : i32
      %mul3A_1025 = arith.muli %add3A_960, %mul3A_1024 : i32
      %add3A_1026 = arith.constant 3 : i32
      %add3A_1027 = arith.addi %mul3A_1025, %add3A_1026 : i32
      %get3A_1028 = arith.index_cast %add3A_1027 : i32 to index
      %get3A_1029 = arith.constant 0 : index
      %get3A_1030 = tpu.vector_load %arg10[%get3A_1028, %get3A_1029] {strides = array<i32>} : memref<2560x32xf32, #tpu.memory_space<vmem>>, vector<16xf32>,
      %mul3A_1031 = arith.mulf %get3A_963, %get3A_1030 : vector<16xf32>
      %get3A_1032 = arith.index_cast %add3A_1027 : i32 to index
      %get3A_1033 = arith.constant 16 : index
      %get3A_1034 = tpu.vector_load %arg10[%get3A_1032, %get3A_1033] {strides = array<i32>} : memref<2560x32xf32, #tpu.memory_space<vmem>>, vector<16xf32>,
      %mul3A_1035 = arith.mulf %get3A_966, %get3A_1034 : vector<16xf32>
      %add3A_1036 = arith.addf %mul3A_1031, %mul3A_1035 : vector<16xf32>
      %reduce_sum3A_1037 = arith.constant true
      %reduce_sum3A_1038 = vector.broadcast %reduce_sum3A_1037 : i1 to vector<16xi1>
      %reduce_sum3A_1039 = tpu.scan <sum>, %add3A_1036 masked %reduce_sum3A_1038 : vector<16xf32>, vector<16xi1> -> vector<16xf32>
      %reduce_sum3A_1040 = vector.extract %reduce_sum3A_1039[15] : f32 from vector<16xf32>
      %broadcast_in_dim3A_1041 = vector.broadcast %reduce_sum3A_1040 : f32 to vector<16xf32>
      %select_n3A_1042 = arith.select %eq3A_501, %broadcast_in_dim3A_1041, %select_n3A_1023 : vector<16xi1>, vector<16xf32>
      %mul3A_1043 = arith.constant 5 : i32
      %mul3A_1044 = arith.muli %add3A_960, %mul3A_1043 : i32
      %add3A_1045 = arith.constant 4 : i32
      %add3A_1046 = arith.addi %mul3A_1044, %add3A_1045 : i32
      %get3A_1047 = arith.index_cast %add3A_1046 : i32 to index
      %get3A_1048 = arith.constant 0 : index
      %get3A_1049 = tpu.vector_load %arg10[%get3A_1047, %get3A_1048] {strides = array<i32>} : memref<2560x32xf32, #tpu.memory_space<vmem>>, vector<16xf32>,
      %mul3A_1050 = arith.mulf %get3A_963, %get3A_1049 : vector<16xf32>
      %get3A_1051 = arith.index_cast %add3A_1046 : i32 to index
      %get3A_1052 = arith.constant 16 : index
      %get3A_1053 = tpu.vector_load %arg10[%get3A_1051, %get3A_1052] {strides = array<i32>} : memref<2560x32xf32, #tpu.memory_space<vmem>>, vector<16xf32>,
      %mul3A_1054 = arith.mulf %get3A_966, %get3A_1053 : vector<16xf32>
      %add3A_1055 = arith.addf %mul3A_1050, %mul3A_1054 : vector<16xf32>
      %reduce_sum3A_1056 = arith.constant true
      %reduce_sum3A_1057 = vector.broadcast %reduce_sum3A_1056 : i1 to vector<16xi1>
      %reduce_sum3A_1058 = tpu.scan <sum>, %add3A_1055 masked %reduce_sum3A_1057 : vector<16xf32>, vector<16xi1> -> vector<16xf32>
      %reduce_sum3A_1059 = vector.extract %reduce_sum3A_1058[15] : f32 from vector<16xf32>
      %broadcast_in_dim3A_1060 = vector.broadcast %reduce_sum3A_1059 : f32 to vector<16xf32>
      %select_n3A_1061 = arith.select %eq3A_504, %broadcast_in_dim3A_1060, %select_n3A_1042 : vector<16xi1>, vector<16xf32>
      %mul3A_1062 = arith.constant 16 : i32
      %mul3A_1063 = arith.muli %scan3A_530, %mul3A_1062 : i32
      %add3A_1064 = arith.constant 5 : i32
      %add3A_1065 = arith.addi %mul3A_1063, %add3A_1064 : i32
      %get3A_1066 = arith.index_cast %add3A_1065 : i32 to index
      %get3A_1067 = arith.constant 0 : index
      %get3A_1068 = tpu.vector_load %arg9[%get3A_1066, %get3A_1067] {strides = array<i32>} : memref<512x32xf32, #tpu.memory_space<vmem>>, vector<16xf32>,
      %get3A_1069 = arith.index_cast %add3A_1065 : i32 to index
      %get3A_1070 = arith.constant 16 : index
      %get3A_1071 = tpu.vector_load %arg9[%get3A_1069, %get3A_1070] {strides = array<i32>} : memref<512x32xf32, #tpu.memory_space<vmem>>, vector<16xf32>,
      %mul3A_1072 = arith.constant 5 : i32
      %mul3A_1073 = arith.muli %add3A_1065, %mul3A_1072 : i32
      %add3A_1074 = arith.constant 0 : i32
      %add3A_1075 = arith.addi %mul3A_1073, %add3A_1074 : i32
      %get3A_1076 = arith.index_cast %add3A_1075 : i32 to index
      %get3A_1077 = arith.constant 0 : index
      %get3A_1078 = tpu.vector_load %arg10[%get3A_1076, %get3A_1077] {strides = array<i32>} : memref<2560x32xf32, #tpu.memory_space<vmem>>, vector<16xf32>,
      %mul3A_1079 = arith.mulf %get3A_1068, %get3A_1078 : vector<16xf32>
      %get3A_1080 = arith.index_cast %add3A_1075 : i32 to index
      %get3A_1081 = arith.constant 16 : index
      %get3A_1082 = tpu.vector_load %arg10[%get3A_1080, %get3A_1081] {strides = array<i32>} : memref<2560x32xf32, #tpu.memory_space<vmem>>, vector<16xf32>,
      %mul3A_1083 = arith.mulf %get3A_1071, %get3A_1082 : vector<16xf32>
      %add3A_1084 = arith.addf %mul3A_1079, %mul3A_1083 : vector<16xf32>
      %reduce_sum3A_1085 = arith.constant true
      %reduce_sum3A_1086 = vector.broadcast %reduce_sum3A_1085 : i1 to vector<16xi1>
      %reduce_sum3A_1087 = tpu.scan <sum>, %add3A_1084 masked %reduce_sum3A_1086 : vector<16xf32>, vector<16xi1> -> vector<16xf32>
      %reduce_sum3A_1088 = vector.extract %reduce_sum3A_1087[15] : f32 from vector<16xf32>
      %broadcast_in_dim3A_1089 = vector.broadcast %reduce_sum3A_1088 : f32 to vector<16xf32>
      %select_n3A_1090 = arith.select %eq3A_507, %broadcast_in_dim3A_1089, %select_n3A_1061 : vector<16xi1>, vector<16xf32>
      %mul3A_1091 = arith.constant 5 : i32
      %mul3A_1092 = arith.muli %add3A_1065, %mul3A_1091 : i32
      %add3A_1093 = arith.constant 1 : i32
      %add3A_1094 = arith.addi %mul3A_1092, %add3A_1093 : i32
      %get3A_1095 = arith.index_cast %add3A_1094 : i32 to index
      %get3A_1096 = arith.constant 0 : index
      %get3A_1097 = tpu.vector_load %arg10[%get3A_1095, %get3A_1096] {strides = array<i32>} : memref<2560x32xf32, #tpu.memory_space<vmem>>, vector<16xf32>,
      %mul3A_1098 = arith.mulf %get3A_1068, %get3A_1097 : vector<16xf32>
      %get3A_1099 = arith.index_cast %add3A_1094 : i32 to index
      %get3A_1100 = arith.constant 16 : index
      %get3A_1101 = tpu.vector_load %arg10[%get3A_1099, %get3A_1100] {strides = array<i32>} : memref<2560x32xf32, #tpu.memory_space<vmem>>, vector<16xf32>,
      %mul3A_1102 = arith.mulf %get3A_1071, %get3A_1101 : vector<16xf32>
      %add3A_1103 = arith.addf %mul3A_1098, %mul3A_1102 : vector<16xf32>
      %reduce_sum3A_1104 = arith.constant true
      %reduce_sum3A_1105 = vector.broadcast %reduce_sum3A_1104 : i1 to vector<16xi1>
      %reduce_sum3A_1106 = tpu.scan <sum>, %add3A_1103 masked %reduce_sum3A_1105 : vector<16xf32>, vector<16xi1> -> vector<16xf32>
      %reduce_sum3A_1107 = vector.extract %reduce_sum3A_1106[15] : f32 from vector<16xf32>
      %broadcast_in_dim3A_1108 = vector.broadcast %reduce_sum3A_1107 : f32 to vector<16xf32>
      %select_n3A_1109 = arith.select %eq3A_510, %broadcast_in_dim3A_1108, %select_n3A_1090 : vector<16xi1>, vector<16xf32>
      %mul3A_1110 = arith.constant 5 : i32
      %mul3A_1111 = arith.muli %add3A_1065, %mul3A_1110 : i32
      %add3A_1112 = arith.constant 2 : i32
      %add3A_1113 = arith.addi %mul3A_1111, %add3A_1112 : i32
      %get3A_1114 = arith.index_cast %add3A_1113 : i32 to index
      %get3A_1115 = arith.constant 0 : index
      %get3A_1116 = tpu.vector_load %arg10[%get3A_1114, %get3A_1115] {strides = array<i32>} : memref<2560x32xf32, #tpu.memory_space<vmem>>, vector<16xf32>,
      %mul3A_1117 = arith.mulf %get3A_1068, %get3A_1116 : vector<16xf32>
      %get3A_1118 = arith.index_cast %add3A_1113 : i32 to index
      %get3A_1119 = arith.constant 16 : index
      %get3A_1120 = tpu.vector_load %arg10[%get3A_1118, %get3A_1119] {strides = array<i32>} : memref<2560x32xf32, #tpu.memory_space<vmem>>, vector<16xf32>,
      %mul3A_1121 = arith.mulf %get3A_1071, %get3A_1120 : vector<16xf32>
      %add3A_1122 = arith.addf %mul3A_1117, %mul3A_1121 : vector<16xf32>
      %reduce_sum3A_1123 = arith.constant true
      %reduce_sum3A_1124 = vector.broadcast %reduce_sum3A_1123 : i1 to vector<16xi1>
      %reduce_sum3A_1125 = tpu.scan <sum>, %add3A_1122 masked %reduce_sum3A_1124 : vector<16xf32>, vector<16xi1> -> vector<16xf32>
      %reduce_sum3A_1126 = vector.extract %reduce_sum3A_1125[15] : f32 from vector<16xf32>
      %broadcast_in_dim3A_1127 = vector.broadcast %reduce_sum3A_1126 : f32 to vector<16xf32>
      %select_n3A_1128 = arith.select %eq3A_513, %broadcast_in_dim3A_1127, %select_n3A_1109 : vector<16xi1>, vector<16xf32>
      %mul3A_1129 = arith.constant 5 : i32
      %mul3A_1130 = arith.muli %add3A_1065, %mul3A_1129 : i32
      %add3A_1131 = arith.constant 3 : i32
      %add3A_1132 = arith.addi %mul3A_1130, %add3A_1131 : i32
      %get3A_1133 = arith.index_cast %add3A_1132 : i32 to index
      %get3A_1134 = arith.constant 0 : index
      %get3A_1135 = tpu.vector_load %arg10[%get3A_1133, %get3A_1134] {strides = array<i32>} : memref<2560x32xf32, #tpu.memory_space<vmem>>, vector<16xf32>,
      %mul3A_1136 = arith.mulf %get3A_1068, %get3A_1135 : vector<16xf32>
      %get3A_1137 = arith.index_cast %add3A_1132 : i32 to index
      %get3A_1138 = arith.constant 16 : index
      %get3A_1139 = tpu.vector_load %arg10[%get3A_1137, %get3A_1138] {strides = array<i32>} : memref<2560x32xf32, #tpu.memory_space<vmem>>, vector<16xf32>,
      %mul3A_1140 = arith.mulf %get3A_1071, %get3A_1139 : vector<16xf32>
      %add3A_1141 = arith.addf %mul3A_1136, %mul3A_1140 : vector<16xf32>
      %reduce_sum3A_1142 = arith.constant true
      %reduce_sum3A_1143 = vector.broadcast %reduce_sum3A_1142 : i1 to vector<16xi1>
      %reduce_sum3A_1144 = tpu.scan <sum>, %add3A_1141 masked %reduce_sum3A_1143 : vector<16xf32>, vector<16xi1> -> vector<16xf32>
      %reduce_sum3A_1145 = vector.extract %reduce_sum3A_1144[15] : f32 from vector<16xf32>
      %broadcast_in_dim3A_1146 = vector.broadcast %reduce_sum3A_1145 : f32 to vector<16xf32>
      %select_n3A_1147 = arith.select %eq3A_516, %broadcast_in_dim3A_1146, %select_n3A_1128 : vector<16xi1>, vector<16xf32>
      %mul3A_1148 = arith.constant 5 : i32
      %mul3A_1149 = arith.muli %add3A_1065, %mul3A_1148 : i32
      %add3A_1150 = arith.constant 4 : i32
      %add3A_1151 = arith.addi %mul3A_1149, %add3A_1150 : i32
      %get3A_1152 = arith.index_cast %add3A_1151 : i32 to index
      %get3A_1153 = arith.constant 0 : index
      %get3A_1154 = tpu.vector_load %arg10[%get3A_1152, %get3A_1153] {strides = array<i32>} : memref<2560x32xf32, #tpu.memory_space<vmem>>, vector<16xf32>,
      %mul3A_1155 = arith.mulf %get3A_1068, %get3A_1154 : vector<16xf32>
      %get3A_1156 = arith.index_cast %add3A_1151 : i32 to index
      %get3A_1157 = arith.constant 16 : index
      %get3A_1158 = tpu.vector_load %arg10[%get3A_1156, %get3A_1157] {strides = array<i32>} : memref<2560x32xf32, #tpu.memory_space<vmem>>, vector<16xf32>,
      %mul3A_1159 = arith.mulf %get3A_1071, %get3A_1158 : vector<16xf32>
      %add3A_1160 = arith.addf %mul3A_1155, %mul3A_1159 : vector<16xf32>
      %reduce_sum3A_1161 = arith.constant true
      %reduce_sum3A_1162 = vector.broadcast %reduce_sum3A_1161 : i1 to vector<16xi1>
      %reduce_sum3A_1163 = tpu.scan <sum>, %add3A_1160 masked %reduce_sum3A_1162 : vector<16xf32>, vector<16xi1> -> vector<16xf32>
      %reduce_sum3A_1164 = vector.extract %reduce_sum3A_1163[15] : f32 from vector<16xf32>
      %broadcast_in_dim3A_1165 = vector.broadcast %reduce_sum3A_1164 : f32 to vector<16xf32>
      %select_n3A_1166 = arith.select %eq3A_519, %broadcast_in_dim3A_1165, %select_n3A_1147 : vector<16xi1>, vector<16xf32>
      %mul3A_1167 = arith.constant 16 : i32
      %mul3A_1168 = arith.muli %scan3A_530, %mul3A_1167 : i32
      %add3A_1169 = arith.constant 6 : i32
      %add3A_1170 = arith.addi %mul3A_1168, %add3A_1169 : i32
      %get3A_1171 = arith.index_cast %add3A_1170 : i32 to index
      %get3A_1172 = arith.constant 0 : index
      %get3A_1173 = tpu.vector_load %arg9[%get3A_1171, %get3A_1172] {strides = array<i32>} : memref<512x32xf32, #tpu.memory_space<vmem>>, vector<16xf32>,
      %get3A_1174 = arith.index_cast %add3A_1170 : i32 to index
      %get3A_1175 = arith.constant 16 : index
      %get3A_1176 = tpu.vector_load %arg9[%get3A_1174, %get3A_1175] {strides = array<i32>} : memref<512x32xf32, #tpu.memory_space<vmem>>, vector<16xf32>,
      %mul3A_1177 = arith.constant 5 : i32
      %mul3A_1178 = arith.muli %add3A_1170, %mul3A_1177 : i32
      %add3A_1179 = arith.constant 0 : i32
      %add3A_1180 = arith.addi %mul3A_1178, %add3A_1179 : i32
      %get3A_1181 = arith.index_cast %add3A_1180 : i32 to index
      %get3A_1182 = arith.constant 0 : index
      %get3A_1183 = tpu.vector_load %arg10[%get3A_1181, %get3A_1182] {strides = array<i32>} : memref<2560x32xf32, #tpu.memory_space<vmem>>, vector<16xf32>,
      %mul3A_1184 = arith.mulf %get3A_1173, %get3A_1183 : vector<16xf32>
      %get3A_1185 = arith.index_cast %add3A_1180 : i32 to index
      %get3A_1186 = arith.constant 16 : index
      %get3A_1187 = tpu.vector_load %arg10[%get3A_1185, %get3A_1186] {strides = array<i32>} : memref<2560x32xf32, #tpu.memory_space<vmem>>, vector<16xf32>,
      %mul3A_1188 = arith.mulf %get3A_1176, %get3A_1187 : vector<16xf32>
      %add3A_1189 = arith.addf %mul3A_1184, %mul3A_1188 : vector<16xf32>
      %reduce_sum3A_1190 = arith.constant true
      %reduce_sum3A_1191 = vector.broadcast %reduce_sum3A_1190 : i1 to vector<16xi1>
      %reduce_sum3A_1192 = tpu.scan <sum>, %add3A_1189 masked %reduce_sum3A_1191 : vector<16xf32>, vector<16xi1> -> vector<16xf32>
      %reduce_sum3A_1193 = vector.extract %reduce_sum3A_1192[15] : f32 from vector<16xf32>
      %broadcast_in_dim3A_1194 = vector.broadcast %reduce_sum3A_1193 : f32 to vector<16xf32>
      %select_n3A_1195 = arith.select %eq3A_522, %broadcast_in_dim3A_1194, %select_n3A_1166 : vector<16xi1>, vector<16xf32>
      %mul3A_1196 = arith.constant 5 : i32
      %mul3A_1197 = arith.muli %add3A_1170, %mul3A_1196 : i32
      %add3A_1198 = arith.constant 1 : i32
      %add3A_1199 = arith.addi %mul3A_1197, %add3A_1198 : i32
      %get3A_1200 = arith.index_cast %add3A_1199 : i32 to index
      %get3A_1201 = arith.constant 0 : index
      %get3A_1202 = tpu.vector_load %arg10[%get3A_1200, %get3A_1201] {strides = array<i32>} : memref<2560x32xf32, #tpu.memory_space<vmem>>, vector<16xf32>,
      %mul3A_1203 = arith.mulf %get3A_1173, %get3A_1202 : vector<16xf32>
      %get3A_1204 = arith.index_cast %add3A_1199 : i32 to index
      %get3A_1205 = arith.constant 16 : index
      %get3A_1206 = tpu.vector_load %arg10[%get3A_1204, %get3A_1205] {strides = array<i32>} : memref<2560x32xf32, #tpu.memory_space<vmem>>, vector<16xf32>,
      %mul3A_1207 = arith.mulf %get3A_1176, %get3A_1206 : vector<16xf32>
      %add3A_1208 = arith.addf %mul3A_1203, %mul3A_1207 : vector<16xf32>
      %reduce_sum3A_1209 = arith.constant true
      %reduce_sum3A_1210 = vector.broadcast %reduce_sum3A_1209 : i1 to vector<16xi1>
      %reduce_sum3A_1211 = tpu.scan <sum>, %add3A_1208 masked %reduce_sum3A_1210 : vector<16xf32>, vector<16xi1> -> vector<16xf32>
      %reduce_sum3A_1212 = vector.extract %reduce_sum3A_1211[15] : f32 from vector<16xf32>
      %broadcast_in_dim3A_1213 = vector.broadcast %reduce_sum3A_1212 : f32 to vector<16xf32>
      %select_n3A_1214 = arith.select %eq3A_525, %broadcast_in_dim3A_1213, %select_n3A_1195 : vector<16xi1>, vector<16xf32>
      %mul3A_1215 = arith.constant 5 : i32
      %mul3A_1216 = arith.muli %add3A_1170, %mul3A_1215 : i32
      %add3A_1217 = arith.constant 2 : i32
      %add3A_1218 = arith.addi %mul3A_1216, %add3A_1217 : i32
      %get3A_1219 = arith.index_cast %add3A_1218 : i32 to index
      %get3A_1220 = arith.constant 0 : index
      %get3A_1221 = tpu.vector_load %arg10[%get3A_1219, %get3A_1220] {strides = array<i32>} : memref<2560x32xf32, #tpu.memory_space<vmem>>, vector<16xf32>,
      %mul3A_1222 = arith.mulf %get3A_1173, %get3A_1221 : vector<16xf32>
      %get3A_1223 = arith.index_cast %add3A_1218 : i32 to index
      %get3A_1224 = arith.constant 16 : index
      %get3A_1225 = tpu.vector_load %arg10[%get3A_1223, %get3A_1224] {strides = array<i32>} : memref<2560x32xf32, #tpu.memory_space<vmem>>, vector<16xf32>,
      %mul3A_1226 = arith.mulf %get3A_1176, %get3A_1225 : vector<16xf32>
      %add3A_1227 = arith.addf %mul3A_1222, %mul3A_1226 : vector<16xf32>
      %reduce_sum3A_1228 = arith.constant true
      %reduce_sum3A_1229 = vector.broadcast %reduce_sum3A_1228 : i1 to vector<16xi1>
      %reduce_sum3A_1230 = tpu.scan <sum>, %add3A_1227 masked %reduce_sum3A_1229 : vector<16xf32>, vector<16xi1> -> vector<16xf32>
      %reduce_sum3A_1231 = vector.extract %reduce_sum3A_1230[15] : f32 from vector<16xf32>
      %broadcast_in_dim3A_1232 = vector.broadcast %reduce_sum3A_1231 : f32 to vector<16xf32>
      %select_n3A_1233 = arith.select %eq3A_480, %broadcast_in_dim3A_1232, %broadcast_in_dim3A_535 : vector<16xi1>, vector<16xf32>
      %mul3A_1234 = arith.constant 5 : i32
      %mul3A_1235 = arith.muli %add3A_1170, %mul3A_1234 : i32
      %add3A_1236 = arith.constant 3 : i32
      %add3A_1237 = arith.addi %mul3A_1235, %add3A_1236 : i32
      %get3A_1238 = arith.index_cast %add3A_1237 : i32 to index
      %get3A_1239 = arith.constant 0 : index
      %get3A_1240 = tpu.vector_load %arg10[%get3A_1238, %get3A_1239] {strides = array<i32>} : memref<2560x32xf32, #tpu.memory_space<vmem>>, vector<16xf32>,
      %mul3A_1241 = arith.mulf %get3A_1173, %get3A_1240 : vector<16xf32>
      %get3A_1242 = arith.index_cast %add3A_1237 : i32 to index
      %get3A_1243 = arith.constant 16 : index
      %get3A_1244 = tpu.vector_load %arg10[%get3A_1242, %get3A_1243] {strides = array<i32>} : memref<2560x32xf32, #tpu.memory_space<vmem>>, vector<16xf32>,
      %mul3A_1245 = arith.mulf %get3A_1176, %get3A_1244 : vector<16xf32>
      %add3A_1246 = arith.addf %mul3A_1241, %mul3A_1245 : vector<16xf32>
      %reduce_sum3A_1247 = arith.constant true
      %reduce_sum3A_1248 = vector.broadcast %reduce_sum3A_1247 : i1 to vector<16xi1>
      %reduce_sum3A_1249 = tpu.scan <sum>, %add3A_1246 masked %reduce_sum3A_1248 : vector<16xf32>, vector<16xi1> -> vector<16xf32>
      %reduce_sum3A_1250 = vector.extract %reduce_sum3A_1249[15] : f32 from vector<16xf32>
      %broadcast_in_dim3A_1251 = vector.broadcast %reduce_sum3A_1250 : f32 to vector<16xf32>
      %select_n3A_1252 = arith.select %eq3A_483, %broadcast_in_dim3A_1251, %select_n3A_1233 : vector<16xi1>, vector<16xf32>
      %mul3A_1253 = arith.constant 5 : i32
      %mul3A_1254 = arith.muli %add3A_1170, %mul3A_1253 : i32
      %add3A_1255 = arith.constant 4 : i32
      %add3A_1256 = arith.addi %mul3A_1254, %add3A_1255 : i32
      %get3A_1257 = arith.index_cast %add3A_1256 : i32 to index
      %get3A_1258 = arith.constant 0 : index
      %get3A_1259 = tpu.vector_load %arg10[%get3A_1257, %get3A_1258] {strides = array<i32>} : memref<2560x32xf32, #tpu.memory_space<vmem>>, vector<16xf32>,
      %mul3A_1260 = arith.mulf %get3A_1173, %get3A_1259 : vector<16xf32>
      %get3A_1261 = arith.index_cast %add3A_1256 : i32 to index
      %get3A_1262 = arith.constant 16 : index
      %get3A_1263 = tpu.vector_load %arg10[%get3A_1261, %get3A_1262] {strides = array<i32>} : memref<2560x32xf32, #tpu.memory_space<vmem>>, vector<16xf32>,
      %mul3A_1264 = arith.mulf %get3A_1176, %get3A_1263 : vector<16xf32>
      %add3A_1265 = arith.addf %mul3A_1260, %mul3A_1264 : vector<16xf32>
      %reduce_sum3A_1266 = arith.constant true
      %reduce_sum3A_1267 = vector.broadcast %reduce_sum3A_1266 : i1 to vector<16xi1>
      %reduce_sum3A_1268 = tpu.scan <sum>, %add3A_1265 masked %reduce_sum3A_1267 : vector<16xf32>, vector<16xi1> -> vector<16xf32>
      %reduce_sum3A_1269 = vector.extract %reduce_sum3A_1268[15] : f32 from vector<16xf32>
      %broadcast_in_dim3A_1270 = vector.broadcast %reduce_sum3A_1269 : f32 to vector<16xf32>
      %select_n3A_1271 = arith.select %eq3A_486, %broadcast_in_dim3A_1270, %select_n3A_1252 : vector<16xi1>, vector<16xf32>
      %mul3A_1272 = arith.constant 16 : i32
      %mul3A_1273 = arith.muli %scan3A_530, %mul3A_1272 : i32
      %add3A_1274 = arith.constant 7 : i32
      %add3A_1275 = arith.addi %mul3A_1273, %add3A_1274 : i32
      %get3A_1276 = arith.index_cast %add3A_1275 : i32 to index
      %get3A_1277 = arith.constant 0 : index
      %get3A_1278 = tpu.vector_load %arg9[%get3A_1276, %get3A_1277] {strides = array<i32>} : memref<512x32xf32, #tpu.memory_space<vmem>>, vector<16xf32>,
      %get3A_1279 = arith.index_cast %add3A_1275 : i32 to index
      %get3A_1280 = arith.constant 16 : index
      %get3A_1281 = tpu.vector_load %arg9[%get3A_1279, %get3A_1280] {strides = array<i32>} : memref<512x32xf32, #tpu.memory_space<vmem>>, vector<16xf32>,
      %mul3A_1282 = arith.constant 5 : i32
      %mul3A_1283 = arith.muli %add3A_1275, %mul3A_1282 : i32
      %add3A_1284 = arith.constant 0 : i32
      %add3A_1285 = arith.addi %mul3A_1283, %add3A_1284 : i32
      %get3A_1286 = arith.index_cast %add3A_1285 : i32 to index
      %get3A_1287 = arith.constant 0 : index
      %get3A_1288 = tpu.vector_load %arg10[%get3A_1286, %get3A_1287] {strides = array<i32>} : memref<2560x32xf32, #tpu.memory_space<vmem>>, vector<16xf32>,
      %mul3A_1289 = arith.mulf %get3A_1278, %get3A_1288 : vector<16xf32>
      %get3A_1290 = arith.index_cast %add3A_1285 : i32 to index
      %get3A_1291 = arith.constant 16 : index
      %get3A_1292 = tpu.vector_load %arg10[%get3A_1290, %get3A_1291] {strides = array<i32>} : memref<2560x32xf32, #tpu.memory_space<vmem>>, vector<16xf32>,
      %mul3A_1293 = arith.mulf %get3A_1281, %get3A_1292 : vector<16xf32>
      %add3A_1294 = arith.addf %mul3A_1289, %mul3A_1293 : vector<16xf32>
      %reduce_sum3A_1295 = arith.constant true
      %reduce_sum3A_1296 = vector.broadcast %reduce_sum3A_1295 : i1 to vector<16xi1>
      %reduce_sum3A_1297 = tpu.scan <sum>, %add3A_1294 masked %reduce_sum3A_1296 : vector<16xf32>, vector<16xi1> -> vector<16xf32>
      %reduce_sum3A_1298 = vector.extract %reduce_sum3A_1297[15] : f32 from vector<16xf32>
      %broadcast_in_dim3A_1299 = vector.broadcast %reduce_sum3A_1298 : f32 to vector<16xf32>
      %select_n3A_1300 = arith.select %eq3A_489, %broadcast_in_dim3A_1299, %select_n3A_1271 : vector<16xi1>, vector<16xf32>
      %mul3A_1301 = arith.constant 5 : i32
      %mul3A_1302 = arith.muli %add3A_1275, %mul3A_1301 : i32
      %add3A_1303 = arith.constant 1 : i32
      %add3A_1304 = arith.addi %mul3A_1302, %add3A_1303 : i32
      %get3A_1305 = arith.index_cast %add3A_1304 : i32 to index
      %get3A_1306 = arith.constant 0 : index
      %get3A_1307 = tpu.vector_load %arg10[%get3A_1305, %get3A_1306] {strides = array<i32>} : memref<2560x32xf32, #tpu.memory_space<vmem>>, vector<16xf32>,
      %mul3A_1308 = arith.mulf %get3A_1278, %get3A_1307 : vector<16xf32>
      %get3A_1309 = arith.index_cast %add3A_1304 : i32 to index
      %get3A_1310 = arith.constant 16 : index
      %get3A_1311 = tpu.vector_load %arg10[%get3A_1309, %get3A_1310] {strides = array<i32>} : memref<2560x32xf32, #tpu.memory_space<vmem>>, vector<16xf32>,
      %mul3A_1312 = arith.mulf %get3A_1281, %get3A_1311 : vector<16xf32>
      %add3A_1313 = arith.addf %mul3A_1308, %mul3A_1312 : vector<16xf32>
      %reduce_sum3A_1314 = arith.constant true
      %reduce_sum3A_1315 = vector.broadcast %reduce_sum3A_1314 : i1 to vector<16xi1>
      %reduce_sum3A_1316 = tpu.scan <sum>, %add3A_1313 masked %reduce_sum3A_1315 : vector<16xf32>, vector<16xi1> -> vector<16xf32>
      %reduce_sum3A_1317 = vector.extract %reduce_sum3A_1316[15] : f32 from vector<16xf32>
      %broadcast_in_dim3A_1318 = vector.broadcast %reduce_sum3A_1317 : f32 to vector<16xf32>
      %select_n3A_1319 = arith.select %eq3A_492, %broadcast_in_dim3A_1318, %select_n3A_1300 : vector<16xi1>, vector<16xf32>
      %mul3A_1320 = arith.constant 5 : i32
      %mul3A_1321 = arith.muli %add3A_1275, %mul3A_1320 : i32
      %add3A_1322 = arith.constant 2 : i32
      %add3A_1323 = arith.addi %mul3A_1321, %add3A_1322 : i32
      %get3A_1324 = arith.index_cast %add3A_1323 : i32 to index
      %get3A_1325 = arith.constant 0 : index
      %get3A_1326 = tpu.vector_load %arg10[%get3A_1324, %get3A_1325] {strides = array<i32>} : memref<2560x32xf32, #tpu.memory_space<vmem>>, vector<16xf32>,
      %mul3A_1327 = arith.mulf %get3A_1278, %get3A_1326 : vector<16xf32>
      %get3A_1328 = arith.index_cast %add3A_1323 : i32 to index
      %get3A_1329 = arith.constant 16 : index
      %get3A_1330 = tpu.vector_load %arg10[%get3A_1328, %get3A_1329] {strides = array<i32>} : memref<2560x32xf32, #tpu.memory_space<vmem>>, vector<16xf32>,
      %mul3A_1331 = arith.mulf %get3A_1281, %get3A_1330 : vector<16xf32>
      %add3A_1332 = arith.addf %mul3A_1327, %mul3A_1331 : vector<16xf32>
      %reduce_sum3A_1333 = arith.constant true
      %reduce_sum3A_1334 = vector.broadcast %reduce_sum3A_1333 : i1 to vector<16xi1>
      %reduce_sum3A_1335 = tpu.scan <sum>, %add3A_1332 masked %reduce_sum3A_1334 : vector<16xf32>, vector<16xi1> -> vector<16xf32>
      %reduce_sum3A_1336 = vector.extract %reduce_sum3A_1335[15] : f32 from vector<16xf32>
      %broadcast_in_dim3A_1337 = vector.broadcast %reduce_sum3A_1336 : f32 to vector<16xf32>
      %select_n3A_1338 = arith.select %eq3A_495, %broadcast_in_dim3A_1337, %select_n3A_1319 : vector<16xi1>, vector<16xf32>
      %mul3A_1339 = arith.constant 5 : i32
      %mul3A_1340 = arith.muli %add3A_1275, %mul3A_1339 : i32
      %add3A_1341 = arith.constant 3 : i32
      %add3A_1342 = arith.addi %mul3A_1340, %add3A_1341 : i32
      %get3A_1343 = arith.index_cast %add3A_1342 : i32 to index
      %get3A_1344 = arith.constant 0 : index
      %get3A_1345 = tpu.vector_load %arg10[%get3A_1343, %get3A_1344] {strides = array<i32>} : memref<2560x32xf32, #tpu.memory_space<vmem>>, vector<16xf32>,
      %mul3A_1346 = arith.mulf %get3A_1278, %get3A_1345 : vector<16xf32>
      %get3A_1347 = arith.index_cast %add3A_1342 : i32 to index
      %get3A_1348 = arith.constant 16 : index
      %get3A_1349 = tpu.vector_load %arg10[%get3A_1347, %get3A_1348] {strides = array<i32>} : memref<2560x32xf32, #tpu.memory_space<vmem>>, vector<16xf32>,
      %mul3A_1350 = arith.mulf %get3A_1281, %get3A_1349 : vector<16xf32>
      %add3A_1351 = arith.addf %mul3A_1346, %mul3A_1350 : vector<16xf32>
      %reduce_sum3A_1352 = arith.constant true
      %reduce_sum3A_1353 = vector.broadcast %reduce_sum3A_1352 : i1 to vector<16xi1>
      %reduce_sum3A_1354 = tpu.scan <sum>, %add3A_1351 masked %reduce_sum3A_1353 : vector<16xf32>, vector<16xi1> -> vector<16xf32>
      %reduce_sum3A_1355 = vector.extract %reduce_sum3A_1354[15] : f32 from vector<16xf32>
      %broadcast_in_dim3A_1356 = vector.broadcast %reduce_sum3A_1355 : f32 to vector<16xf32>
      %select_n3A_1357 = arith.select %eq3A_498, %broadcast_in_dim3A_1356, %select_n3A_1338 : vector<16xi1>, vector<16xf32>
      %mul3A_1358 = arith.constant 5 : i32
      %mul3A_1359 = arith.muli %add3A_1275, %mul3A_1358 : i32
      %add3A_1360 = arith.constant 4 : i32
      %add3A_1361 = arith.addi %mul3A_1359, %add3A_1360 : i32
      %get3A_1362 = arith.index_cast %add3A_1361 : i32 to index
      %get3A_1363 = arith.constant 0 : index
      %get3A_1364 = tpu.vector_load %arg10[%get3A_1362, %get3A_1363] {strides = array<i32>} : memref<2560x32xf32, #tpu.memory_space<vmem>>, vector<16xf32>,
      %mul3A_1365 = arith.mulf %get3A_1278, %get3A_1364 : vector<16xf32>
      %get3A_1366 = arith.index_cast %add3A_1361 : i32 to index
      %get3A_1367 = arith.constant 16 : index
      %get3A_1368 = tpu.vector_load %arg10[%get3A_1366, %get3A_1367] {strides = array<i32>} : memref<2560x32xf32, #tpu.memory_space<vmem>>, vector<16xf32>,
      %mul3A_1369 = arith.mulf %get3A_1281, %get3A_1368 : vector<16xf32>
      %add3A_1370 = arith.addf %mul3A_1365, %mul3A_1369 : vector<16xf32>
      %reduce_sum3A_1371 = arith.constant true
      %reduce_sum3A_1372 = vector.broadcast %reduce_sum3A_1371 : i1 to vector<16xi1>
      %reduce_sum3A_1373 = tpu.scan <sum>, %add3A_1370 masked %reduce_sum3A_1372 : vector<16xf32>, vector<16xi1> -> vector<16xf32>
      %reduce_sum3A_1374 = vector.extract %reduce_sum3A_1373[15] : f32 from vector<16xf32>
      %broadcast_in_dim3A_1375 = vector.broadcast %reduce_sum3A_1374 : f32 to vector<16xf32>
      %select_n3A_1376 = arith.select %eq3A_501, %broadcast_in_dim3A_1375, %select_n3A_1357 : vector<16xi1>, vector<16xf32>
      %mul3A_1377 = arith.constant 16 : i32
      %mul3A_1378 = arith.muli %scan3A_530, %mul3A_1377 : i32
      %add3A_1379 = arith.constant 8 : i32
      %add3A_1380 = arith.addi %mul3A_1378, %add3A_1379 : i32
      %get3A_1381 = arith.index_cast %add3A_1380 : i32 to index
      %get3A_1382 = arith.constant 0 : index
      %get3A_1383 = tpu.vector_load %arg9[%get3A_1381, %get3A_1382] {strides = array<i32>} : memref<512x32xf32, #tpu.memory_space<vmem>>, vector<16xf32>,
      %get3A_1384 = arith.index_cast %add3A_1380 : i32 to index
      %get3A_1385 = arith.constant 16 : index
      %get3A_1386 = tpu.vector_load %arg9[%get3A_1384, %get3A_1385] {strides = array<i32>} : memref<512x32xf32, #tpu.memory_space<vmem>>, vector<16xf32>,
      %mul3A_1387 = arith.constant 5 : i32
      %mul3A_1388 = arith.muli %add3A_1380, %mul3A_1387 : i32
      %add3A_1389 = arith.constant 0 : i32
      %add3A_1390 = arith.addi %mul3A_1388, %add3A_1389 : i32
      %get3A_1391 = arith.index_cast %add3A_1390 : i32 to index
      %get3A_1392 = arith.constant 0 : index
      %get3A_1393 = tpu.vector_load %arg10[%get3A_1391, %get3A_1392] {strides = array<i32>} : memref<2560x32xf32, #tpu.memory_space<vmem>>, vector<16xf32>,
      %mul3A_1394 = arith.mulf %get3A_1383, %get3A_1393 : vector<16xf32>
      %get3A_1395 = arith.index_cast %add3A_1390 : i32 to index
      %get3A_1396 = arith.constant 16 : index
      %get3A_1397 = tpu.vector_load %arg10[%get3A_1395, %get3A_1396] {strides = array<i32>} : memref<2560x32xf32, #tpu.memory_space<vmem>>, vector<16xf32>,
      %mul3A_1398 = arith.mulf %get3A_1386, %get3A_1397 : vector<16xf32>
      %add3A_1399 = arith.addf %mul3A_1394, %mul3A_1398 : vector<16xf32>
      %reduce_sum3A_1400 = arith.constant true
      %reduce_sum3A_1401 = vector.broadcast %reduce_sum3A_1400 : i1 to vector<16xi1>
      %reduce_sum3A_1402 = tpu.scan <sum>, %add3A_1399 masked %reduce_sum3A_1401 : vector<16xf32>, vector<16xi1> -> vector<16xf32>
      %reduce_sum3A_1403 = vector.extract %reduce_sum3A_1402[15] : f32 from vector<16xf32>
      %broadcast_in_dim3A_1404 = vector.broadcast %reduce_sum3A_1403 : f32 to vector<16xf32>
      %select_n3A_1405 = arith.select %eq3A_504, %broadcast_in_dim3A_1404, %select_n3A_1376 : vector<16xi1>, vector<16xf32>
      %mul3A_1406 = arith.constant 5 : i32
      %mul3A_1407 = arith.muli %add3A_1380, %mul3A_1406 : i32
      %add3A_1408 = arith.constant 1 : i32
      %add3A_1409 = arith.addi %mul3A_1407, %add3A_1408 : i32
      %get3A_1410 = arith.index_cast %add3A_1409 : i32 to index
      %get3A_1411 = arith.constant 0 : index
      %get3A_1412 = tpu.vector_load %arg10[%get3A_1410, %get3A_1411] {strides = array<i32>} : memref<2560x32xf32, #tpu.memory_space<vmem>>, vector<16xf32>,
      %mul3A_1413 = arith.mulf %get3A_1383, %get3A_1412 : vector<16xf32>
      %get3A_1414 = arith.index_cast %add3A_1409 : i32 to index
      %get3A_1415 = arith.constant 16 : index
      %get3A_1416 = tpu.vector_load %arg10[%get3A_1414, %get3A_1415] {strides = array<i32>} : memref<2560x32xf32, #tpu.memory_space<vmem>>, vector<16xf32>,
      %mul3A_1417 = arith.mulf %get3A_1386, %get3A_1416 : vector<16xf32>
      %add3A_1418 = arith.addf %mul3A_1413, %mul3A_1417 : vector<16xf32>
      %reduce_sum3A_1419 = arith.constant true
      %reduce_sum3A_1420 = vector.broadcast %reduce_sum3A_1419 : i1 to vector<16xi1>
      %reduce_sum3A_1421 = tpu.scan <sum>, %add3A_1418 masked %reduce_sum3A_1420 : vector<16xf32>, vector<16xi1> -> vector<16xf32>
      %reduce_sum3A_1422 = vector.extract %reduce_sum3A_1421[15] : f32 from vector<16xf32>
      %broadcast_in_dim3A_1423 = vector.broadcast %reduce_sum3A_1422 : f32 to vector<16xf32>
      %select_n3A_1424 = arith.select %eq3A_507, %broadcast_in_dim3A_1423, %select_n3A_1405 : vector<16xi1>, vector<16xf32>
      %mul3A_1425 = arith.constant 5 : i32
      %mul3A_1426 = arith.muli %add3A_1380, %mul3A_1425 : i32
      %add3A_1427 = arith.constant 2 : i32
      %add3A_1428 = arith.addi %mul3A_1426, %add3A_1427 : i32
      %get3A_1429 = arith.index_cast %add3A_1428 : i32 to index
      %get3A_1430 = arith.constant 0 : index
      %get3A_1431 = tpu.vector_load %arg10[%get3A_1429, %get3A_1430] {strides = array<i32>} : memref<2560x32xf32, #tpu.memory_space<vmem>>, vector<16xf32>,
      %mul3A_1432 = arith.mulf %get3A_1383, %get3A_1431 : vector<16xf32>
      %get3A_1433 = arith.index_cast %add3A_1428 : i32 to index
      %get3A_1434 = arith.constant 16 : index
      %get3A_1435 = tpu.vector_load %arg10[%get3A_1433, %get3A_1434] {strides = array<i32>} : memref<2560x32xf32, #tpu.memory_space<vmem>>, vector<16xf32>,
      %mul3A_1436 = arith.mulf %get3A_1386, %get3A_1435 : vector<16xf32>
      %add3A_1437 = arith.addf %mul3A_1432, %mul3A_1436 : vector<16xf32>
      %reduce_sum3A_1438 = arith.constant true
      %reduce_sum3A_1439 = vector.broadcast %reduce_sum3A_1438 : i1 to vector<16xi1>
      %reduce_sum3A_1440 = tpu.scan <sum>, %add3A_1437 masked %reduce_sum3A_1439 : vector<16xf32>, vector<16xi1> -> vector<16xf32>
      %reduce_sum3A_1441 = vector.extract %reduce_sum3A_1440[15] : f32 from vector<16xf32>
      %broadcast_in_dim3A_1442 = vector.broadcast %reduce_sum3A_1441 : f32 to vector<16xf32>
      %select_n3A_1443 = arith.select %eq3A_510, %broadcast_in_dim3A_1442, %select_n3A_1424 : vector<16xi1>, vector<16xf32>
      %mul3A_1444 = arith.constant 5 : i32
      %mul3A_1445 = arith.muli %add3A_1380, %mul3A_1444 : i32
      %add3A_1446 = arith.constant 3 : i32
      %add3A_1447 = arith.addi %mul3A_1445, %add3A_1446 : i32
      %get3A_1448 = arith.index_cast %add3A_1447 : i32 to index
      %get3A_1449 = arith.constant 0 : index
      %get3A_1450 = tpu.vector_load %arg10[%get3A_1448, %get3A_1449] {strides = array<i32>} : memref<2560x32xf32, #tpu.memory_space<vmem>>, vector<16xf32>,
      %mul3A_1451 = arith.mulf %get3A_1383, %get3A_1450 : vector<16xf32>
      %get3A_1452 = arith.index_cast %add3A_1447 : i32 to index
      %get3A_1453 = arith.constant 16 : index
      %get3A_1454 = tpu.vector_load %arg10[%get3A_1452, %get3A_1453] {strides = array<i32>} : memref<2560x32xf32, #tpu.memory_space<vmem>>, vector<16xf32>,
      %mul3A_1455 = arith.mulf %get3A_1386, %get3A_1454 : vector<16xf32>
      %add3A_1456 = arith.addf %mul3A_1451, %mul3A_1455 : vector<16xf32>
      %reduce_sum3A_1457 = arith.constant true
      %reduce_sum3A_1458 = vector.broadcast %reduce_sum3A_1457 : i1 to vector<16xi1>
      %reduce_sum3A_1459 = tpu.scan <sum>, %add3A_1456 masked %reduce_sum3A_1458 : vector<16xf32>, vector<16xi1> -> vector<16xf32>
      %reduce_sum3A_1460 = vector.extract %reduce_sum3A_1459[15] : f32 from vector<16xf32>
      %broadcast_in_dim3A_1461 = vector.broadcast %reduce_sum3A_1460 : f32 to vector<16xf32>
      %select_n3A_1462 = arith.select %eq3A_513, %broadcast_in_dim3A_1461, %select_n3A_1443 : vector<16xi1>, vector<16xf32>
      %mul3A_1463 = arith.constant 5 : i32
      %mul3A_1464 = arith.muli %add3A_1380, %mul3A_1463 : i32
      %add3A_1465 = arith.constant 4 : i32
      %add3A_1466 = arith.addi %mul3A_1464, %add3A_1465 : i32
      %get3A_1467 = arith.index_cast %add3A_1466 : i32 to index
      %get3A_1468 = arith.constant 0 : index
      %get3A_1469 = tpu.vector_load %arg10[%get3A_1467, %get3A_1468] {strides = array<i32>} : memref<2560x32xf32, #tpu.memory_space<vmem>>, vector<16xf32>,
      %mul3A_1470 = arith.mulf %get3A_1383, %get3A_1469 : vector<16xf32>
      %get3A_1471 = arith.index_cast %add3A_1466 : i32 to index
      %get3A_1472 = arith.constant 16 : index
      %get3A_1473 = tpu.vector_load %arg10[%get3A_1471, %get3A_1472] {strides = array<i32>} : memref<2560x32xf32, #tpu.memory_space<vmem>>, vector<16xf32>,
      %mul3A_1474 = arith.mulf %get3A_1386, %get3A_1473 : vector<16xf32>
      %add3A_1475 = arith.addf %mul3A_1470, %mul3A_1474 : vector<16xf32>
      %reduce_sum3A_1476 = arith.constant true
      %reduce_sum3A_1477 = vector.broadcast %reduce_sum3A_1476 : i1 to vector<16xi1>
      %reduce_sum3A_1478 = tpu.scan <sum>, %add3A_1475 masked %reduce_sum3A_1477 : vector<16xf32>, vector<16xi1> -> vector<16xf32>
      %reduce_sum3A_1479 = vector.extract %reduce_sum3A_1478[15] : f32 from vector<16xf32>
      %broadcast_in_dim3A_1480 = vector.broadcast %reduce_sum3A_1479 : f32 to vector<16xf32>
      %select_n3A_1481 = arith.select %eq3A_516, %broadcast_in_dim3A_1480, %select_n3A_1462 : vector<16xi1>, vector<16xf32>
      %mul3A_1482 = arith.constant 16 : i32
      %mul3A_1483 = arith.muli %scan3A_530, %mul3A_1482 : i32
      %add3A_1484 = arith.constant 9 : i32
      %add3A_1485 = arith.addi %mul3A_1483, %add3A_1484 : i32
      %get3A_1486 = arith.index_cast %add3A_1485 : i32 to index
      %get3A_1487 = arith.constant 0 : index
      %get3A_1488 = tpu.vector_load %arg9[%get3A_1486, %get3A_1487] {strides = array<i32>} : memref<512x32xf32, #tpu.memory_space<vmem>>, vector<16xf32>,
      %get3A_1489 = arith.index_cast %add3A_1485 : i32 to index
      %get3A_1490 = arith.constant 16 : index
      %get3A_1491 = tpu.vector_load %arg9[%get3A_1489, %get3A_1490] {strides = array<i32>} : memref<512x32xf32, #tpu.memory_space<vmem>>, vector<16xf32>,
      %mul3A_1492 = arith.constant 5 : i32
      %mul3A_1493 = arith.muli %add3A_1485, %mul3A_1492 : i32
      %add3A_1494 = arith.constant 0 : i32
      %add3A_1495 = arith.addi %mul3A_1493, %add3A_1494 : i32
      %get3A_1496 = arith.index_cast %add3A_1495 : i32 to index
      %get3A_1497 = arith.constant 0 : index
      %get3A_1498 = tpu.vector_load %arg10[%get3A_1496, %get3A_1497] {strides = array<i32>} : memref<2560x32xf32, #tpu.memory_space<vmem>>, vector<16xf32>,
      %mul3A_1499 = arith.mulf %get3A_1488, %get3A_1498 : vector<16xf32>
      %get3A_1500 = arith.index_cast %add3A_1495 : i32 to index
      %get3A_1501 = arith.constant 16 : index
      %get3A_1502 = tpu.vector_load %arg10[%get3A_1500, %get3A_1501] {strides = array<i32>} : memref<2560x32xf32, #tpu.memory_space<vmem>>, vector<16xf32>,
      %mul3A_1503 = arith.mulf %get3A_1491, %get3A_1502 : vector<16xf32>
      %add3A_1504 = arith.addf %mul3A_1499, %mul3A_1503 : vector<16xf32>
      %reduce_sum3A_1505 = arith.constant true
      %reduce_sum3A_1506 = vector.broadcast %reduce_sum3A_1505 : i1 to vector<16xi1>
      %reduce_sum3A_1507 = tpu.scan <sum>, %add3A_1504 masked %reduce_sum3A_1506 : vector<16xf32>, vector<16xi1> -> vector<16xf32>
      %reduce_sum3A_1508 = vector.extract %reduce_sum3A_1507[15] : f32 from vector<16xf32>
      %broadcast_in_dim3A_1509 = vector.broadcast %reduce_sum3A_1508 : f32 to vector<16xf32>
      %select_n3A_1510 = arith.select %eq3A_519, %broadcast_in_dim3A_1509, %select_n3A_1481 : vector<16xi1>, vector<16xf32>
      %mul3A_1511 = arith.constant 5 : i32
      %mul3A_1512 = arith.muli %add3A_1485, %mul3A_1511 : i32
      %add3A_1513 = arith.constant 1 : i32
      %add3A_1514 = arith.addi %mul3A_1512, %add3A_1513 : i32
      %get3A_1515 = arith.index_cast %add3A_1514 : i32 to index
      %get3A_1516 = arith.constant 0 : index
      %get3A_1517 = tpu.vector_load %arg10[%get3A_1515, %get3A_1516] {strides = array<i32>} : memref<2560x32xf32, #tpu.memory_space<vmem>>, vector<16xf32>,
      %mul3A_1518 = arith.mulf %get3A_1488, %get3A_1517 : vector<16xf32>
      %get3A_1519 = arith.index_cast %add3A_1514 : i32 to index
      %get3A_1520 = arith.constant 16 : index
      %get3A_1521 = tpu.vector_load %arg10[%get3A_1519, %get3A_1520] {strides = array<i32>} : memref<2560x32xf32, #tpu.memory_space<vmem>>, vector<16xf32>,
      %mul3A_1522 = arith.mulf %get3A_1491, %get3A_1521 : vector<16xf32>
      %add3A_1523 = arith.addf %mul3A_1518, %mul3A_1522 : vector<16xf32>
      %reduce_sum3A_1524 = arith.constant true
      %reduce_sum3A_1525 = vector.broadcast %reduce_sum3A_1524 : i1 to vector<16xi1>
      %reduce_sum3A_1526 = tpu.scan <sum>, %add3A_1523 masked %reduce_sum3A_1525 : vector<16xf32>, vector<16xi1> -> vector<16xf32>
      %reduce_sum3A_1527 = vector.extract %reduce_sum3A_1526[15] : f32 from vector<16xf32>
      %broadcast_in_dim3A_1528 = vector.broadcast %reduce_sum3A_1527 : f32 to vector<16xf32>
      %select_n3A_1529 = arith.select %eq3A_522, %broadcast_in_dim3A_1528, %select_n3A_1510 : vector<16xi1>, vector<16xf32>
      %mul3A_1530 = arith.constant 5 : i32
      %mul3A_1531 = arith.muli %add3A_1485, %mul3A_1530 : i32
      %add3A_1532 = arith.constant 2 : i32
      %add3A_1533 = arith.addi %mul3A_1531, %add3A_1532 : i32
      %get3A_1534 = arith.index_cast %add3A_1533 : i32 to index
      %get3A_1535 = arith.constant 0 : index
      %get3A_1536 = tpu.vector_load %arg10[%get3A_1534, %get3A_1535] {strides = array<i32>} : memref<2560x32xf32, #tpu.memory_space<vmem>>, vector<16xf32>,
      %mul3A_1537 = arith.mulf %get3A_1488, %get3A_1536 : vector<16xf32>
      %get3A_1538 = arith.index_cast %add3A_1533 : i32 to index
      %get3A_1539 = arith.constant 16 : index
      %get3A_1540 = tpu.vector_load %arg10[%get3A_1538, %get3A_1539] {strides = array<i32>} : memref<2560x32xf32, #tpu.memory_space<vmem>>, vector<16xf32>,
      %mul3A_1541 = arith.mulf %get3A_1491, %get3A_1540 : vector<16xf32>
      %add3A_1542 = arith.addf %mul3A_1537, %mul3A_1541 : vector<16xf32>
      %reduce_sum3A_1543 = arith.constant true
      %reduce_sum3A_1544 = vector.broadcast %reduce_sum3A_1543 : i1 to vector<16xi1>
      %reduce_sum3A_1545 = tpu.scan <sum>, %add3A_1542 masked %reduce_sum3A_1544 : vector<16xf32>, vector<16xi1> -> vector<16xf32>
      %reduce_sum3A_1546 = vector.extract %reduce_sum3A_1545[15] : f32 from vector<16xf32>
      %broadcast_in_dim3A_1547 = vector.broadcast %reduce_sum3A_1546 : f32 to vector<16xf32>
      %select_n3A_1548 = arith.select %eq3A_525, %broadcast_in_dim3A_1547, %select_n3A_1529 : vector<16xi1>, vector<16xf32>
      %mul3A_1549 = arith.constant 5 : i32
      %mul3A_1550 = arith.muli %add3A_1485, %mul3A_1549 : i32
      %add3A_1551 = arith.constant 3 : i32
      %add3A_1552 = arith.addi %mul3A_1550, %add3A_1551 : i32
      %get3A_1553 = arith.index_cast %add3A_1552 : i32 to index
      %get3A_1554 = arith.constant 0 : index
      %get3A_1555 = tpu.vector_load %arg10[%get3A_1553, %get3A_1554] {strides = array<i32>} : memref<2560x32xf32, #tpu.memory_space<vmem>>, vector<16xf32>,
      %mul3A_1556 = arith.mulf %get3A_1488, %get3A_1555 : vector<16xf32>
      %get3A_1557 = arith.index_cast %add3A_1552 : i32 to index
      %get3A_1558 = arith.constant 16 : index
      %get3A_1559 = tpu.vector_load %arg10[%get3A_1557, %get3A_1558] {strides = array<i32>} : memref<2560x32xf32, #tpu.memory_space<vmem>>, vector<16xf32>,
      %mul3A_1560 = arith.mulf %get3A_1491, %get3A_1559 : vector<16xf32>
      %add3A_1561 = arith.addf %mul3A_1556, %mul3A_1560 : vector<16xf32>
      %reduce_sum3A_1562 = arith.constant true
      %reduce_sum3A_1563 = vector.broadcast %reduce_sum3A_1562 : i1 to vector<16xi1>
      %reduce_sum3A_1564 = tpu.scan <sum>, %add3A_1561 masked %reduce_sum3A_1563 : vector<16xf32>, vector<16xi1> -> vector<16xf32>
      %reduce_sum3A_1565 = vector.extract %reduce_sum3A_1564[15] : f32 from vector<16xf32>
      %broadcast_in_dim3A_1566 = vector.broadcast %reduce_sum3A_1565 : f32 to vector<16xf32>
      %select_n3A_1567 = arith.select %eq3A_480, %broadcast_in_dim3A_1566, %broadcast_in_dim3A_537 : vector<16xi1>, vector<16xf32>
      %mul3A_1568 = arith.constant 5 : i32
      %mul3A_1569 = arith.muli %add3A_1485, %mul3A_1568 : i32
      %add3A_1570 = arith.constant 4 : i32
      %add3A_1571 = arith.addi %mul3A_1569, %add3A_1570 : i32
      %get3A_1572 = arith.index_cast %add3A_1571 : i32 to index
      %get3A_1573 = arith.constant 0 : index
      %get3A_1574 = tpu.vector_load %arg10[%get3A_1572, %get3A_1573] {strides = array<i32>} : memref<2560x32xf32, #tpu.memory_space<vmem>>, vector<16xf32>,
      %mul3A_1575 = arith.mulf %get3A_1488, %get3A_1574 : vector<16xf32>
      %get3A_1576 = arith.index_cast %add3A_1571 : i32 to index
      %get3A_1577 = arith.constant 16 : index
      %get3A_1578 = tpu.vector_load %arg10[%get3A_1576, %get3A_1577] {strides = array<i32>} : memref<2560x32xf32, #tpu.memory_space<vmem>>, vector<16xf32>,
      %mul3A_1579 = arith.mulf %get3A_1491, %get3A_1578 : vector<16xf32>
      %add3A_1580 = arith.addf %mul3A_1575, %mul3A_1579 : vector<16xf32>
      %reduce_sum3A_1581 = arith.constant true
      %reduce_sum3A_1582 = vector.broadcast %reduce_sum3A_1581 : i1 to vector<16xi1>
      %reduce_sum3A_1583 = tpu.scan <sum>, %add3A_1580 masked %reduce_sum3A_1582 : vector<16xf32>, vector<16xi1> -> vector<16xf32>
      %reduce_sum3A_1584 = vector.extract %reduce_sum3A_1583[15] : f32 from vector<16xf32>
      %broadcast_in_dim3A_1585 = vector.broadcast %reduce_sum3A_1584 : f32 to vector<16xf32>
      %select_n3A_1586 = arith.select %eq3A_483, %broadcast_in_dim3A_1585, %select_n3A_1567 : vector<16xi1>, vector<16xf32>
      %mul3A_1587 = arith.constant 16 : i32
      %mul3A_1588 = arith.muli %scan3A_530, %mul3A_1587 : i32
      %add3A_1589 = arith.constant 10 : i32
      %add3A_1590 = arith.addi %mul3A_1588, %add3A_1589 : i32
      %get3A_1591 = arith.index_cast %add3A_1590 : i32 to index
      %get3A_1592 = arith.constant 0 : index
      %get3A_1593 = tpu.vector_load %arg9[%get3A_1591, %get3A_1592] {strides = array<i32>} : memref<512x32xf32, #tpu.memory_space<vmem>>, vector<16xf32>,
      %get3A_1594 = arith.index_cast %add3A_1590 : i32 to index
      %get3A_1595 = arith.constant 16 : index
      %get3A_1596 = tpu.vector_load %arg9[%get3A_1594, %get3A_1595] {strides = array<i32>} : memref<512x32xf32, #tpu.memory_space<vmem>>, vector<16xf32>,
      %mul3A_1597 = arith.constant 5 : i32
      %mul3A_1598 = arith.muli %add3A_1590, %mul3A_1597 : i32
      %add3A_1599 = arith.constant 0 : i32
      %add3A_1600 = arith.addi %mul3A_1598, %add3A_1599 : i32
      %get3A_1601 = arith.index_cast %add3A_1600 : i32 to index
      %get3A_1602 = arith.constant 0 : index
      %get3A_1603 = tpu.vector_load %arg10[%get3A_1601, %get3A_1602] {strides = array<i32>} : memref<2560x32xf32, #tpu.memory_space<vmem>>, vector<16xf32>,
      %mul3A_1604 = arith.mulf %get3A_1593, %get3A_1603 : vector<16xf32>
      %get3A_1605 = arith.index_cast %add3A_1600 : i32 to index
      %get3A_1606 = arith.constant 16 : index
      %get3A_1607 = tpu.vector_load %arg10[%get3A_1605, %get3A_1606] {strides = array<i32>} : memref<2560x32xf32, #tpu.memory_space<vmem>>, vector<16xf32>,
      %mul3A_1608 = arith.mulf %get3A_1596, %get3A_1607 : vector<16xf32>
      %add3A_1609 = arith.addf %mul3A_1604, %mul3A_1608 : vector<16xf32>
      %reduce_sum3A_1610 = arith.constant true
      %reduce_sum3A_1611 = vector.broadcast %reduce_sum3A_1610 : i1 to vector<16xi1>
      %reduce_sum3A_1612 = tpu.scan <sum>, %add3A_1609 masked %reduce_sum3A_1611 : vector<16xf32>, vector<16xi1> -> vector<16xf32>
      %reduce_sum3A_1613 = vector.extract %reduce_sum3A_1612[15] : f32 from vector<16xf32>
      %broadcast_in_dim3A_1614 = vector.broadcast %reduce_sum3A_1613 : f32 to vector<16xf32>
      %select_n3A_1615 = arith.select %eq3A_486, %broadcast_in_dim3A_1614, %select_n3A_1586 : vector<16xi1>, vector<16xf32>
      %mul3A_1616 = arith.constant 5 : i32
      %mul3A_1617 = arith.muli %add3A_1590, %mul3A_1616 : i32
      %add3A_1618 = arith.constant 1 : i32
      %add3A_1619 = arith.addi %mul3A_1617, %add3A_1618 : i32
      %get3A_1620 = arith.index_cast %add3A_1619 : i32 to index
      %get3A_1621 = arith.constant 0 : index
      %get3A_1622 = tpu.vector_load %arg10[%get3A_1620, %get3A_1621] {strides = array<i32>} : memref<2560x32xf32, #tpu.memory_space<vmem>>, vector<16xf32>,
      %mul3A_1623 = arith.mulf %get3A_1593, %get3A_1622 : vector<16xf32>
      %get3A_1624 = arith.index_cast %add3A_1619 : i32 to index
      %get3A_1625 = arith.constant 16 : index
      %get3A_1626 = tpu.vector_load %arg10[%get3A_1624, %get3A_1625] {strides = array<i32>} : memref<2560x32xf32, #tpu.memory_space<vmem>>, vector<16xf32>,
      %mul3A_1627 = arith.mulf %get3A_1596, %get3A_1626 : vector<16xf32>
      %add3A_1628 = arith.addf %mul3A_1623, %mul3A_1627 : vector<16xf32>
      %reduce_sum3A_1629 = arith.constant true
      %reduce_sum3A_1630 = vector.broadcast %reduce_sum3A_1629 : i1 to vector<16xi1>
      %reduce_sum3A_1631 = tpu.scan <sum>, %add3A_1628 masked %reduce_sum3A_1630 : vector<16xf32>, vector<16xi1> -> vector<16xf32>
      %reduce_sum3A_1632 = vector.extract %reduce_sum3A_1631[15] : f32 from vector<16xf32>
      %broadcast_in_dim3A_1633 = vector.broadcast %reduce_sum3A_1632 : f32 to vector<16xf32>
      %select_n3A_1634 = arith.select %eq3A_489, %broadcast_in_dim3A_1633, %select_n3A_1615 : vector<16xi1>, vector<16xf32>
      %mul3A_1635 = arith.constant 5 : i32
      %mul3A_1636 = arith.muli %add3A_1590, %mul3A_1635 : i32
      %add3A_1637 = arith.constant 2 : i32
      %add3A_1638 = arith.addi %mul3A_1636, %add3A_1637 : i32
      %get3A_1639 = arith.index_cast %add3A_1638 : i32 to index
      %get3A_1640 = arith.constant 0 : index
      %get3A_1641 = tpu.vector_load %arg10[%get3A_1639, %get3A_1640] {strides = array<i32>} : memref<2560x32xf32, #tpu.memory_space<vmem>>, vector<16xf32>,
      %mul3A_1642 = arith.mulf %get3A_1593, %get3A_1641 : vector<16xf32>
      %get3A_1643 = arith.index_cast %add3A_1638 : i32 to index
      %get3A_1644 = arith.constant 16 : index
      %get3A_1645 = tpu.vector_load %arg10[%get3A_1643, %get3A_1644] {strides = array<i32>} : memref<2560x32xf32, #tpu.memory_space<vmem>>, vector<16xf32>,
      %mul3A_1646 = arith.mulf %get3A_1596, %get3A_1645 : vector<16xf32>
      %add3A_1647 = arith.addf %mul3A_1642, %mul3A_1646 : vector<16xf32>
      %reduce_sum3A_1648 = arith.constant true
      %reduce_sum3A_1649 = vector.broadcast %reduce_sum3A_1648 : i1 to vector<16xi1>
      %reduce_sum3A_1650 = tpu.scan <sum>, %add3A_1647 masked %reduce_sum3A_1649 : vector<16xf32>, vector<16xi1> -> vector<16xf32>
      %reduce_sum3A_1651 = vector.extract %reduce_sum3A_1650[15] : f32 from vector<16xf32>
      %broadcast_in_dim3A_1652 = vector.broadcast %reduce_sum3A_1651 : f32 to vector<16xf32>
      %select_n3A_1653 = arith.select %eq3A_492, %broadcast_in_dim3A_1652, %select_n3A_1634 : vector<16xi1>, vector<16xf32>
      %mul3A_1654 = arith.constant 5 : i32
      %mul3A_1655 = arith.muli %add3A_1590, %mul3A_1654 : i32
      %add3A_1656 = arith.constant 3 : i32
      %add3A_1657 = arith.addi %mul3A_1655, %add3A_1656 : i32
      %get3A_1658 = arith.index_cast %add3A_1657 : i32 to index
      %get3A_1659 = arith.constant 0 : index
      %get3A_1660 = tpu.vector_load %arg10[%get3A_1658, %get3A_1659] {strides = array<i32>} : memref<2560x32xf32, #tpu.memory_space<vmem>>, vector<16xf32>,
      %mul3A_1661 = arith.mulf %get3A_1593, %get3A_1660 : vector<16xf32>
      %get3A_1662 = arith.index_cast %add3A_1657 : i32 to index
      %get3A_1663 = arith.constant 16 : index
      %get3A_1664 = tpu.vector_load %arg10[%get3A_1662, %get3A_1663] {strides = array<i32>} : memref<2560x32xf32, #tpu.memory_space<vmem>>, vector<16xf32>,
      %mul3A_1665 = arith.mulf %get3A_1596, %get3A_1664 : vector<16xf32>
      %add3A_1666 = arith.addf %mul3A_1661, %mul3A_1665 : vector<16xf32>
      %reduce_sum3A_1667 = arith.constant true
      %reduce_sum3A_1668 = vector.broadcast %reduce_sum3A_1667 : i1 to vector<16xi1>
      %reduce_sum3A_1669 = tpu.scan <sum>, %add3A_1666 masked %reduce_sum3A_1668 : vector<16xf32>, vector<16xi1> -> vector<16xf32>
      %reduce_sum3A_1670 = vector.extract %reduce_sum3A_1669[15] : f32 from vector<16xf32>
      %broadcast_in_dim3A_1671 = vector.broadcast %reduce_sum3A_1670 : f32 to vector<16xf32>
      %select_n3A_1672 = arith.select %eq3A_495, %broadcast_in_dim3A_1671, %select_n3A_1653 : vector<16xi1>, vector<16xf32>
      %mul3A_1673 = arith.constant 5 : i32
      %mul3A_1674 = arith.muli %add3A_1590, %mul3A_1673 : i32
      %add3A_1675 = arith.constant 4 : i32
      %add3A_1676 = arith.addi %mul3A_1674, %add3A_1675 : i32
      %get3A_1677 = arith.index_cast %add3A_1676 : i32 to index
      %get3A_1678 = arith.constant 0 : index
      %get3A_1679 = tpu.vector_load %arg10[%get3A_1677, %get3A_1678] {strides = array<i32>} : memref<2560x32xf32, #tpu.memory_space<vmem>>, vector<16xf32>,
      %mul3A_1680 = arith.mulf %get3A_1593, %get3A_1679 : vector<16xf32>
      %get3A_1681 = arith.index_cast %add3A_1676 : i32 to index
      %get3A_1682 = arith.constant 16 : index
      %get3A_1683 = tpu.vector_load %arg10[%get3A_1681, %get3A_1682] {strides = array<i32>} : memref<2560x32xf32, #tpu.memory_space<vmem>>, vector<16xf32>,
      %mul3A_1684 = arith.mulf %get3A_1596, %get3A_1683 : vector<16xf32>
      %add3A_1685 = arith.addf %mul3A_1680, %mul3A_1684 : vector<16xf32>
      %reduce_sum3A_1686 = arith.constant true
      %reduce_sum3A_1687 = vector.broadcast %reduce_sum3A_1686 : i1 to vector<16xi1>
      %reduce_sum3A_1688 = tpu.scan <sum>, %add3A_1685 masked %reduce_sum3A_1687 : vector<16xf32>, vector<16xi1> -> vector<16xf32>
      %reduce_sum3A_1689 = vector.extract %reduce_sum3A_1688[15] : f32 from vector<16xf32>
      %broadcast_in_dim3A_1690 = vector.broadcast %reduce_sum3A_1689 : f32 to vector<16xf32>
      %select_n3A_1691 = arith.select %eq3A_498, %broadcast_in_dim3A_1690, %select_n3A_1672 : vector<16xi1>, vector<16xf32>
      %mul3A_1692 = arith.constant 16 : i32
      %mul3A_1693 = arith.muli %scan3A_530, %mul3A_1692 : i32
      %add3A_1694 = arith.constant 11 : i32
      %add3A_1695 = arith.addi %mul3A_1693, %add3A_1694 : i32
      %get3A_1696 = arith.index_cast %add3A_1695 : i32 to index
      %get3A_1697 = arith.constant 0 : index
      %get3A_1698 = tpu.vector_load %arg9[%get3A_1696, %get3A_1697] {strides = array<i32>} : memref<512x32xf32, #tpu.memory_space<vmem>>, vector<16xf32>,
      %get3A_1699 = arith.index_cast %add3A_1695 : i32 to index
      %get3A_1700 = arith.constant 16 : index
      %get3A_1701 = tpu.vector_load %arg9[%get3A_1699, %get3A_1700] {strides = array<i32>} : memref<512x32xf32, #tpu.memory_space<vmem>>, vector<16xf32>,
      %mul3A_1702 = arith.constant 5 : i32
      %mul3A_1703 = arith.muli %add3A_1695, %mul3A_1702 : i32
      %add3A_1704 = arith.constant 0 : i32
      %add3A_1705 = arith.addi %mul3A_1703, %add3A_1704 : i32
      %get3A_1706 = arith.index_cast %add3A_1705 : i32 to index
      %get3A_1707 = arith.constant 0 : index
      %get3A_1708 = tpu.vector_load %arg10[%get3A_1706, %get3A_1707] {strides = array<i32>} : memref<2560x32xf32, #tpu.memory_space<vmem>>, vector<16xf32>,
      %mul3A_1709 = arith.mulf %get3A_1698, %get3A_1708 : vector<16xf32>
      %get3A_1710 = arith.index_cast %add3A_1705 : i32 to index
      %get3A_1711 = arith.constant 16 : index
      %get3A_1712 = tpu.vector_load %arg10[%get3A_1710, %get3A_1711] {strides = array<i32>} : memref<2560x32xf32, #tpu.memory_space<vmem>>, vector<16xf32>,
      %mul3A_1713 = arith.mulf %get3A_1701, %get3A_1712 : vector<16xf32>
      %add3A_1714 = arith.addf %mul3A_1709, %mul3A_1713 : vector<16xf32>
      %reduce_sum3A_1715 = arith.constant true
      %reduce_sum3A_1716 = vector.broadcast %reduce_sum3A_1715 : i1 to vector<16xi1>
      %reduce_sum3A_1717 = tpu.scan <sum>, %add3A_1714 masked %reduce_sum3A_1716 : vector<16xf32>, vector<16xi1> -> vector<16xf32>
      %reduce_sum3A_1718 = vector.extract %reduce_sum3A_1717[15] : f32 from vector<16xf32>
      %broadcast_in_dim3A_1719 = vector.broadcast %reduce_sum3A_1718 : f32 to vector<16xf32>
      %select_n3A_1720 = arith.select %eq3A_501, %broadcast_in_dim3A_1719, %select_n3A_1691 : vector<16xi1>, vector<16xf32>
      %mul3A_1721 = arith.constant 5 : i32
      %mul3A_1722 = arith.muli %add3A_1695, %mul3A_1721 : i32
      %add3A_1723 = arith.constant 1 : i32
      %add3A_1724 = arith.addi %mul3A_1722, %add3A_1723 : i32
      %get3A_1725 = arith.index_cast %add3A_1724 : i32 to index
      %get3A_1726 = arith.constant 0 : index
      %get3A_1727 = tpu.vector_load %arg10[%get3A_1725, %get3A_1726] {strides = array<i32>} : memref<2560x32xf32, #tpu.memory_space<vmem>>, vector<16xf32>,
      %mul3A_1728 = arith.mulf %get3A_1698, %get3A_1727 : vector<16xf32>
      %get3A_1729 = arith.index_cast %add3A_1724 : i32 to index
      %get3A_1730 = arith.constant 16 : index
      %get3A_1731 = tpu.vector_load %arg10[%get3A_1729, %get3A_1730] {strides = array<i32>} : memref<2560x32xf32, #tpu.memory_space<vmem>>, vector<16xf32>,
      %mul3A_1732 = arith.mulf %get3A_1701, %get3A_1731 : vector<16xf32>
      %add3A_1733 = arith.addf %mul3A_1728, %mul3A_1732 : vector<16xf32>
      %reduce_sum3A_1734 = arith.constant true
      %reduce_sum3A_1735 = vector.broadcast %reduce_sum3A_1734 : i1 to vector<16xi1>
      %reduce_sum3A_1736 = tpu.scan <sum>, %add3A_1733 masked %reduce_sum3A_1735 : vector<16xf32>, vector<16xi1> -> vector<16xf32>
      %reduce_sum3A_1737 = vector.extract %reduce_sum3A_1736[15] : f32 from vector<16xf32>
      %broadcast_in_dim3A_1738 = vector.broadcast %reduce_sum3A_1737 : f32 to vector<16xf32>
      %select_n3A_1739 = arith.select %eq3A_504, %broadcast_in_dim3A_1738, %select_n3A_1720 : vector<16xi1>, vector<16xf32>
      %mul3A_1740 = arith.constant 5 : i32
      %mul3A_1741 = arith.muli %add3A_1695, %mul3A_1740 : i32
      %add3A_1742 = arith.constant 2 : i32
      %add3A_1743 = arith.addi %mul3A_1741, %add3A_1742 : i32
      %get3A_1744 = arith.index_cast %add3A_1743 : i32 to index
      %get3A_1745 = arith.constant 0 : index
      %get3A_1746 = tpu.vector_load %arg10[%get3A_1744, %get3A_1745] {strides = array<i32>} : memref<2560x32xf32, #tpu.memory_space<vmem>>, vector<16xf32>,
      %mul3A_1747 = arith.mulf %get3A_1698, %get3A_1746 : vector<16xf32>
      %get3A_1748 = arith.index_cast %add3A_1743 : i32 to index
      %get3A_1749 = arith.constant 16 : index
      %get3A_1750 = tpu.vector_load %arg10[%get3A_1748, %get3A_1749] {strides = array<i32>} : memref<2560x32xf32, #tpu.memory_space<vmem>>, vector<16xf32>,
      %mul3A_1751 = arith.mulf %get3A_1701, %get3A_1750 : vector<16xf32>
      %add3A_1752 = arith.addf %mul3A_1747, %mul3A_1751 : vector<16xf32>
      %reduce_sum3A_1753 = arith.constant true
      %reduce_sum3A_1754 = vector.broadcast %reduce_sum3A_1753 : i1 to vector<16xi1>
      %reduce_sum3A_1755 = tpu.scan <sum>, %add3A_1752 masked %reduce_sum3A_1754 : vector<16xf32>, vector<16xi1> -> vector<16xf32>
      %reduce_sum3A_1756 = vector.extract %reduce_sum3A_1755[15] : f32 from vector<16xf32>
      %broadcast_in_dim3A_1757 = vector.broadcast %reduce_sum3A_1756 : f32 to vector<16xf32>
      %select_n3A_1758 = arith.select %eq3A_507, %broadcast_in_dim3A_1757, %select_n3A_1739 : vector<16xi1>, vector<16xf32>
      %mul3A_1759 = arith.constant 5 : i32
      %mul3A_1760 = arith.muli %add3A_1695, %mul3A_1759 : i32
      %add3A_1761 = arith.constant 3 : i32
      %add3A_1762 = arith.addi %mul3A_1760, %add3A_1761 : i32
      %get3A_1763 = arith.index_cast %add3A_1762 : i32 to index
      %get3A_1764 = arith.constant 0 : index
      %get3A_1765 = tpu.vector_load %arg10[%get3A_1763, %get3A_1764] {strides = array<i32>} : memref<2560x32xf32, #tpu.memory_space<vmem>>, vector<16xf32>,
      %mul3A_1766 = arith.mulf %get3A_1698, %get3A_1765 : vector<16xf32>
      %get3A_1767 = arith.index_cast %add3A_1762 : i32 to index
      %get3A_1768 = arith.constant 16 : index
      %get3A_1769 = tpu.vector_load %arg10[%get3A_1767, %get3A_1768] {strides = array<i32>} : memref<2560x32xf32, #tpu.memory_space<vmem>>, vector<16xf32>,
      %mul3A_1770 = arith.mulf %get3A_1701, %get3A_1769 : vector<16xf32>
      %add3A_1771 = arith.addf %mul3A_1766, %mul3A_1770 : vector<16xf32>
      %reduce_sum3A_1772 = arith.constant true
      %reduce_sum3A_1773 = vector.broadcast %reduce_sum3A_1772 : i1 to vector<16xi1>
      %reduce_sum3A_1774 = tpu.scan <sum>, %add3A_1771 masked %reduce_sum3A_1773 : vector<16xf32>, vector<16xi1> -> vector<16xf32>
      %reduce_sum3A_1775 = vector.extract %reduce_sum3A_1774[15] : f32 from vector<16xf32>
      %broadcast_in_dim3A_1776 = vector.broadcast %reduce_sum3A_1775 : f32 to vector<16xf32>
      %select_n3A_1777 = arith.select %eq3A_510, %broadcast_in_dim3A_1776, %select_n3A_1758 : vector<16xi1>, vector<16xf32>
      %mul3A_1778 = arith.constant 5 : i32
      %mul3A_1779 = arith.muli %add3A_1695, %mul3A_1778 : i32
      %add3A_1780 = arith.constant 4 : i32
      %add3A_1781 = arith.addi %mul3A_1779, %add3A_1780 : i32
      %get3A_1782 = arith.index_cast %add3A_1781 : i32 to index
      %get3A_1783 = arith.constant 0 : index
      %get3A_1784 = tpu.vector_load %arg10[%get3A_1782, %get3A_1783] {strides = array<i32>} : memref<2560x32xf32, #tpu.memory_space<vmem>>, vector<16xf32>,
      %mul3A_1785 = arith.mulf %get3A_1698, %get3A_1784 : vector<16xf32>
      %get3A_1786 = arith.index_cast %add3A_1781 : i32 to index
      %get3A_1787 = arith.constant 16 : index
      %get3A_1788 = tpu.vector_load %arg10[%get3A_1786, %get3A_1787] {strides = array<i32>} : memref<2560x32xf32, #tpu.memory_space<vmem>>, vector<16xf32>,
      %mul3A_1789 = arith.mulf %get3A_1701, %get3A_1788 : vector<16xf32>
      %add3A_1790 = arith.addf %mul3A_1785, %mul3A_1789 : vector<16xf32>
      %reduce_sum3A_1791 = arith.constant true
      %reduce_sum3A_1792 = vector.broadcast %reduce_sum3A_1791 : i1 to vector<16xi1>
      %reduce_sum3A_1793 = tpu.scan <sum>, %add3A_1790 masked %reduce_sum3A_1792 : vector<16xf32>, vector<16xi1> -> vector<16xf32>
      %reduce_sum3A_1794 = vector.extract %reduce_sum3A_1793[15] : f32 from vector<16xf32>
      %broadcast_in_dim3A_1795 = vector.broadcast %reduce_sum3A_1794 : f32 to vector<16xf32>
      %select_n3A_1796 = arith.select %eq3A_513, %broadcast_in_dim3A_1795, %select_n3A_1777 : vector<16xi1>, vector<16xf32>
      %mul3A_1797 = arith.constant 16 : i32
      %mul3A_1798 = arith.muli %scan3A_530, %mul3A_1797 : i32
      %add3A_1799 = arith.constant 12 : i32
      %add3A_1800 = arith.addi %mul3A_1798, %add3A_1799 : i32
      %get3A_1801 = arith.index_cast %add3A_1800 : i32 to index
      %get3A_1802 = arith.constant 0 : index
      %get3A_1803 = tpu.vector_load %arg9[%get3A_1801, %get3A_1802] {strides = array<i32>} : memref<512x32xf32, #tpu.memory_space<vmem>>, vector<16xf32>,
      %get3A_1804 = arith.index_cast %add3A_1800 : i32 to index
      %get3A_1805 = arith.constant 16 : index
      %get3A_1806 = tpu.vector_load %arg9[%get3A_1804, %get3A_1805] {strides = array<i32>} : memref<512x32xf32, #tpu.memory_space<vmem>>, vector<16xf32>,
      %mul3A_1807 = arith.constant 5 : i32
      %mul3A_1808 = arith.muli %add3A_1800, %mul3A_1807 : i32
      %add3A_1809 = arith.constant 0 : i32
      %add3A_1810 = arith.addi %mul3A_1808, %add3A_1809 : i32
      %get3A_1811 = arith.index_cast %add3A_1810 : i32 to index
      %get3A_1812 = arith.constant 0 : index
      %get3A_1813 = tpu.vector_load %arg10[%get3A_1811, %get3A_1812] {strides = array<i32>} : memref<2560x32xf32, #tpu.memory_space<vmem>>, vector<16xf32>,
      %mul3A_1814 = arith.mulf %get3A_1803, %get3A_1813 : vector<16xf32>
      %get3A_1815 = arith.index_cast %add3A_1810 : i32 to index
      %get3A_1816 = arith.constant 16 : index
      %get3A_1817 = tpu.vector_load %arg10[%get3A_1815, %get3A_1816] {strides = array<i32>} : memref<2560x32xf32, #tpu.memory_space<vmem>>, vector<16xf32>,
      %mul3A_1818 = arith.mulf %get3A_1806, %get3A_1817 : vector<16xf32>
      %add3A_1819 = arith.addf %mul3A_1814, %mul3A_1818 : vector<16xf32>
      %reduce_sum3A_1820 = arith.constant true
      %reduce_sum3A_1821 = vector.broadcast %reduce_sum3A_1820 : i1 to vector<16xi1>
      %reduce_sum3A_1822 = tpu.scan <sum>, %add3A_1819 masked %reduce_sum3A_1821 : vector<16xf32>, vector<16xi1> -> vector<16xf32>
      %reduce_sum3A_1823 = vector.extract %reduce_sum3A_1822[15] : f32 from vector<16xf32>
      %broadcast_in_dim3A_1824 = vector.broadcast %reduce_sum3A_1823 : f32 to vector<16xf32>
      %select_n3A_1825 = arith.select %eq3A_516, %broadcast_in_dim3A_1824, %select_n3A_1796 : vector<16xi1>, vector<16xf32>
      %mul3A_1826 = arith.constant 5 : i32
      %mul3A_1827 = arith.muli %add3A_1800, %mul3A_1826 : i32
      %add3A_1828 = arith.constant 1 : i32
      %add3A_1829 = arith.addi %mul3A_1827, %add3A_1828 : i32
      %get3A_1830 = arith.index_cast %add3A_1829 : i32 to index
      %get3A_1831 = arith.constant 0 : index
      %get3A_1832 = tpu.vector_load %arg10[%get3A_1830, %get3A_1831] {strides = array<i32>} : memref<2560x32xf32, #tpu.memory_space<vmem>>, vector<16xf32>,
      %mul3A_1833 = arith.mulf %get3A_1803, %get3A_1832 : vector<16xf32>
      %get3A_1834 = arith.index_cast %add3A_1829 : i32 to index
      %get3A_1835 = arith.constant 16 : index
      %get3A_1836 = tpu.vector_load %arg10[%get3A_1834, %get3A_1835] {strides = array<i32>} : memref<2560x32xf32, #tpu.memory_space<vmem>>, vector<16xf32>,
      %mul3A_1837 = arith.mulf %get3A_1806, %get3A_1836 : vector<16xf32>
      %add3A_1838 = arith.addf %mul3A_1833, %mul3A_1837 : vector<16xf32>
      %reduce_sum3A_1839 = arith.constant true
      %reduce_sum3A_1840 = vector.broadcast %reduce_sum3A_1839 : i1 to vector<16xi1>
      %reduce_sum3A_1841 = tpu.scan <sum>, %add3A_1838 masked %reduce_sum3A_1840 : vector<16xf32>, vector<16xi1> -> vector<16xf32>
      %reduce_sum3A_1842 = vector.extract %reduce_sum3A_1841[15] : f32 from vector<16xf32>
      %broadcast_in_dim3A_1843 = vector.broadcast %reduce_sum3A_1842 : f32 to vector<16xf32>
      %select_n3A_1844 = arith.select %eq3A_519, %broadcast_in_dim3A_1843, %select_n3A_1825 : vector<16xi1>, vector<16xf32>
      %mul3A_1845 = arith.constant 5 : i32
      %mul3A_1846 = arith.muli %add3A_1800, %mul3A_1845 : i32
      %add3A_1847 = arith.constant 2 : i32
      %add3A_1848 = arith.addi %mul3A_1846, %add3A_1847 : i32
      %get3A_1849 = arith.index_cast %add3A_1848 : i32 to index
      %get3A_1850 = arith.constant 0 : index
      %get3A_1851 = tpu.vector_load %arg10[%get3A_1849, %get3A_1850] {strides = array<i32>} : memref<2560x32xf32, #tpu.memory_space<vmem>>, vector<16xf32>,
      %mul3A_1852 = arith.mulf %get3A_1803, %get3A_1851 : vector<16xf32>
      %get3A_1853 = arith.index_cast %add3A_1848 : i32 to index
      %get3A_1854 = arith.constant 16 : index
      %get3A_1855 = tpu.vector_load %arg10[%get3A_1853, %get3A_1854] {strides = array<i32>} : memref<2560x32xf32, #tpu.memory_space<vmem>>, vector<16xf32>,
      %mul3A_1856 = arith.mulf %get3A_1806, %get3A_1855 : vector<16xf32>
      %add3A_1857 = arith.addf %mul3A_1852, %mul3A_1856 : vector<16xf32>
      %reduce_sum3A_1858 = arith.constant true
      %reduce_sum3A_1859 = vector.broadcast %reduce_sum3A_1858 : i1 to vector<16xi1>
      %reduce_sum3A_1860 = tpu.scan <sum>, %add3A_1857 masked %reduce_sum3A_1859 : vector<16xf32>, vector<16xi1> -> vector<16xf32>
      %reduce_sum3A_1861 = vector.extract %reduce_sum3A_1860[15] : f32 from vector<16xf32>
      %broadcast_in_dim3A_1862 = vector.broadcast %reduce_sum3A_1861 : f32 to vector<16xf32>
      %select_n3A_1863 = arith.select %eq3A_522, %broadcast_in_dim3A_1862, %select_n3A_1844 : vector<16xi1>, vector<16xf32>
      %mul3A_1864 = arith.constant 5 : i32
      %mul3A_1865 = arith.muli %add3A_1800, %mul3A_1864 : i32
      %add3A_1866 = arith.constant 3 : i32
      %add3A_1867 = arith.addi %mul3A_1865, %add3A_1866 : i32
      %get3A_1868 = arith.index_cast %add3A_1867 : i32 to index
      %get3A_1869 = arith.constant 0 : index
      %get3A_1870 = tpu.vector_load %arg10[%get3A_1868, %get3A_1869] {strides = array<i32>} : memref<2560x32xf32, #tpu.memory_space<vmem>>, vector<16xf32>,
      %mul3A_1871 = arith.mulf %get3A_1803, %get3A_1870 : vector<16xf32>
      %get3A_1872 = arith.index_cast %add3A_1867 : i32 to index
      %get3A_1873 = arith.constant 16 : index
      %get3A_1874 = tpu.vector_load %arg10[%get3A_1872, %get3A_1873] {strides = array<i32>} : memref<2560x32xf32, #tpu.memory_space<vmem>>, vector<16xf32>,
      %mul3A_1875 = arith.mulf %get3A_1806, %get3A_1874 : vector<16xf32>
      %add3A_1876 = arith.addf %mul3A_1871, %mul3A_1875 : vector<16xf32>
      %reduce_sum3A_1877 = arith.constant true
      %reduce_sum3A_1878 = vector.broadcast %reduce_sum3A_1877 : i1 to vector<16xi1>
      %reduce_sum3A_1879 = tpu.scan <sum>, %add3A_1876 masked %reduce_sum3A_1878 : vector<16xf32>, vector<16xi1> -> vector<16xf32>
      %reduce_sum3A_1880 = vector.extract %reduce_sum3A_1879[15] : f32 from vector<16xf32>
      %broadcast_in_dim3A_1881 = vector.broadcast %reduce_sum3A_1880 : f32 to vector<16xf32>
      %select_n3A_1882 = arith.select %eq3A_525, %broadcast_in_dim3A_1881, %select_n3A_1863 : vector<16xi1>, vector<16xf32>
      %mul3A_1883 = arith.constant 5 : i32
      %mul3A_1884 = arith.muli %add3A_1800, %mul3A_1883 : i32
      %add3A_1885 = arith.constant 4 : i32
      %add3A_1886 = arith.addi %mul3A_1884, %add3A_1885 : i32
      %get3A_1887 = arith.index_cast %add3A_1886 : i32 to index
      %get3A_1888 = arith.constant 0 : index
      %get3A_1889 = tpu.vector_load %arg10[%get3A_1887, %get3A_1888] {strides = array<i32>} : memref<2560x32xf32, #tpu.memory_space<vmem>>, vector<16xf32>,
      %mul3A_1890 = arith.mulf %get3A_1803, %get3A_1889 : vector<16xf32>
      %get3A_1891 = arith.index_cast %add3A_1886 : i32 to index
      %get3A_1892 = arith.constant 16 : index
      %get3A_1893 = tpu.vector_load %arg10[%get3A_1891, %get3A_1892] {strides = array<i32>} : memref<2560x32xf32, #tpu.memory_space<vmem>>, vector<16xf32>,
      %mul3A_1894 = arith.mulf %get3A_1806, %get3A_1893 : vector<16xf32>
      %add3A_1895 = arith.addf %mul3A_1890, %mul3A_1894 : vector<16xf32>
      %reduce_sum3A_1896 = arith.constant true
      %reduce_sum3A_1897 = vector.broadcast %reduce_sum3A_1896 : i1 to vector<16xi1>
      %reduce_sum3A_1898 = tpu.scan <sum>, %add3A_1895 masked %reduce_sum3A_1897 : vector<16xf32>, vector<16xi1> -> vector<16xf32>
      %reduce_sum3A_1899 = vector.extract %reduce_sum3A_1898[15] : f32 from vector<16xf32>
      %broadcast_in_dim3A_1900 = vector.broadcast %reduce_sum3A_1899 : f32 to vector<16xf32>
      %select_n3A_1901 = arith.select %eq3A_480, %broadcast_in_dim3A_1900, %broadcast_in_dim3A_539 : vector<16xi1>, vector<16xf32>
      %mul3A_1902 = arith.constant 16 : i32
      %mul3A_1903 = arith.muli %scan3A_530, %mul3A_1902 : i32
      %add3A_1904 = arith.constant 13 : i32
      %add3A_1905 = arith.addi %mul3A_1903, %add3A_1904 : i32
      %get3A_1906 = arith.index_cast %add3A_1905 : i32 to index
      %get3A_1907 = arith.constant 0 : index
      %get3A_1908 = tpu.vector_load %arg9[%get3A_1906, %get3A_1907] {strides = array<i32>} : memref<512x32xf32, #tpu.memory_space<vmem>>, vector<16xf32>,
      %get3A_1909 = arith.index_cast %add3A_1905 : i32 to index
      %get3A_1910 = arith.constant 16 : index
      %get3A_1911 = tpu.vector_load %arg9[%get3A_1909, %get3A_1910] {strides = array<i32>} : memref<512x32xf32, #tpu.memory_space<vmem>>, vector<16xf32>,
      %mul3A_1912 = arith.constant 5 : i32
      %mul3A_1913 = arith.muli %add3A_1905, %mul3A_1912 : i32
      %add3A_1914 = arith.constant 0 : i32
      %add3A_1915 = arith.addi %mul3A_1913, %add3A_1914 : i32
      %get3A_1916 = arith.index_cast %add3A_1915 : i32 to index
      %get3A_1917 = arith.constant 0 : index
      %get3A_1918 = tpu.vector_load %arg10[%get3A_1916, %get3A_1917] {strides = array<i32>} : memref<2560x32xf32, #tpu.memory_space<vmem>>, vector<16xf32>,
      %mul3A_1919 = arith.mulf %get3A_1908, %get3A_1918 : vector<16xf32>
      %get3A_1920 = arith.index_cast %add3A_1915 : i32 to index
      %get3A_1921 = arith.constant 16 : index
      %get3A_1922 = tpu.vector_load %arg10[%get3A_1920, %get3A_1921] {strides = array<i32>} : memref<2560x32xf32, #tpu.memory_space<vmem>>, vector<16xf32>,
      %mul3A_1923 = arith.mulf %get3A_1911, %get3A_1922 : vector<16xf32>
      %add3A_1924 = arith.addf %mul3A_1919, %mul3A_1923 : vector<16xf32>
      %reduce_sum3A_1925 = arith.constant true
      %reduce_sum3A_1926 = vector.broadcast %reduce_sum3A_1925 : i1 to vector<16xi1>
      %reduce_sum3A_1927 = tpu.scan <sum>, %add3A_1924 masked %reduce_sum3A_1926 : vector<16xf32>, vector<16xi1> -> vector<16xf32>
      %reduce_sum3A_1928 = vector.extract %reduce_sum3A_1927[15] : f32 from vector<16xf32>
      %broadcast_in_dim3A_1929 = vector.broadcast %reduce_sum3A_1928 : f32 to vector<16xf32>
      %select_n3A_1930 = arith.select %eq3A_483, %broadcast_in_dim3A_1929, %select_n3A_1901 : vector<16xi1>, vector<16xf32>
      %mul3A_1931 = arith.constant 5 : i32
      %mul3A_1932 = arith.muli %add3A_1905, %mul3A_1931 : i32
      %add3A_1933 = arith.constant 1 : i32
      %add3A_1934 = arith.addi %mul3A_1932, %add3A_1933 : i32
      %get3A_1935 = arith.index_cast %add3A_1934 : i32 to index
      %get3A_1936 = arith.constant 0 : index
      %get3A_1937 = tpu.vector_load %arg10[%get3A_1935, %get3A_1936] {strides = array<i32>} : memref<2560x32xf32, #tpu.memory_space<vmem>>, vector<16xf32>,
      %mul3A_1938 = arith.mulf %get3A_1908, %get3A_1937 : vector<16xf32>
      %get3A_1939 = arith.index_cast %add3A_1934 : i32 to index
      %get3A_1940 = arith.constant 16 : index
      %get3A_1941 = tpu.vector_load %arg10[%get3A_1939, %get3A_1940] {strides = array<i32>} : memref<2560x32xf32, #tpu.memory_space<vmem>>, vector<16xf32>,
      %mul3A_1942 = arith.mulf %get3A_1911, %get3A_1941 : vector<16xf32>
      %add3A_1943 = arith.addf %mul3A_1938, %mul3A_1942 : vector<16xf32>
      %reduce_sum3A_1944 = arith.constant true
      %reduce_sum3A_1945 = vector.broadcast %reduce_sum3A_1944 : i1 to vector<16xi1>
      %reduce_sum3A_1946 = tpu.scan <sum>, %add3A_1943 masked %reduce_sum3A_1945 : vector<16xf32>, vector<16xi1> -> vector<16xf32>
      %reduce_sum3A_1947 = vector.extract %reduce_sum3A_1946[15] : f32 from vector<16xf32>
      %broadcast_in_dim3A_1948 = vector.broadcast %reduce_sum3A_1947 : f32 to vector<16xf32>
      %select_n3A_1949 = arith.select %eq3A_486, %broadcast_in_dim3A_1948, %select_n3A_1930 : vector<16xi1>, vector<16xf32>
      %mul3A_1950 = arith.constant 5 : i32
      %mul3A_1951 = arith.muli %add3A_1905, %mul3A_1950 : i32
      %add3A_1952 = arith.constant 2 : i32
      %add3A_1953 = arith.addi %mul3A_1951, %add3A_1952 : i32
      %get3A_1954 = arith.index_cast %add3A_1953 : i32 to index
      %get3A_1955 = arith.constant 0 : index
      %get3A_1956 = tpu.vector_load %arg10[%get3A_1954, %get3A_1955] {strides = array<i32>} : memref<2560x32xf32, #tpu.memory_space<vmem>>, vector<16xf32>,
      %mul3A_1957 = arith.mulf %get3A_1908, %get3A_1956 : vector<16xf32>
      %get3A_1958 = arith.index_cast %add3A_1953 : i32 to index
      %get3A_1959 = arith.constant 16 : index
      %get3A_1960 = tpu.vector_load %arg10[%get3A_1958, %get3A_1959] {strides = array<i32>} : memref<2560x32xf32, #tpu.memory_space<vmem>>, vector<16xf32>,
      %mul3A_1961 = arith.mulf %get3A_1911, %get3A_1960 : vector<16xf32>
      %add3A_1962 = arith.addf %mul3A_1957, %mul3A_1961 : vector<16xf32>
      %reduce_sum3A_1963 = arith.constant true
      %reduce_sum3A_1964 = vector.broadcast %reduce_sum3A_1963 : i1 to vector<16xi1>
      %reduce_sum3A_1965 = tpu.scan <sum>, %add3A_1962 masked %reduce_sum3A_1964 : vector<16xf32>, vector<16xi1> -> vector<16xf32>
      %reduce_sum3A_1966 = vector.extract %reduce_sum3A_1965[15] : f32 from vector<16xf32>
      %broadcast_in_dim3A_1967 = vector.broadcast %reduce_sum3A_1966 : f32 to vector<16xf32>
      %select_n3A_1968 = arith.select %eq3A_489, %broadcast_in_dim3A_1967, %select_n3A_1949 : vector<16xi1>, vector<16xf32>
      %mul3A_1969 = arith.constant 5 : i32
      %mul3A_1970 = arith.muli %add3A_1905, %mul3A_1969 : i32
      %add3A_1971 = arith.constant 3 : i32
      %add3A_1972 = arith.addi %mul3A_1970, %add3A_1971 : i32
      %get3A_1973 = arith.index_cast %add3A_1972 : i32 to index
      %get3A_1974 = arith.constant 0 : index
      %get3A_1975 = tpu.vector_load %arg10[%get3A_1973, %get3A_1974] {strides = array<i32>} : memref<2560x32xf32, #tpu.memory_space<vmem>>, vector<16xf32>,
      %mul3A_1976 = arith.mulf %get3A_1908, %get3A_1975 : vector<16xf32>
      %get3A_1977 = arith.index_cast %add3A_1972 : i32 to index
      %get3A_1978 = arith.constant 16 : index
      %get3A_1979 = tpu.vector_load %arg10[%get3A_1977, %get3A_1978] {strides = array<i32>} : memref<2560x32xf32, #tpu.memory_space<vmem>>, vector<16xf32>,
      %mul3A_1980 = arith.mulf %get3A_1911, %get3A_1979 : vector<16xf32>
      %add3A_1981 = arith.addf %mul3A_1976, %mul3A_1980 : vector<16xf32>
      %reduce_sum3A_1982 = arith.constant true
      %reduce_sum3A_1983 = vector.broadcast %reduce_sum3A_1982 : i1 to vector<16xi1>
      %reduce_sum3A_1984 = tpu.scan <sum>, %add3A_1981 masked %reduce_sum3A_1983 : vector<16xf32>, vector<16xi1> -> vector<16xf32>
      %reduce_sum3A_1985 = vector.extract %reduce_sum3A_1984[15] : f32 from vector<16xf32>
      %broadcast_in_dim3A_1986 = vector.broadcast %reduce_sum3A_1985 : f32 to vector<16xf32>
      %select_n3A_1987 = arith.select %eq3A_492, %broadcast_in_dim3A_1986, %select_n3A_1968 : vector<16xi1>, vector<16xf32>
      %mul3A_1988 = arith.constant 5 : i32
      %mul3A_1989 = arith.muli %add3A_1905, %mul3A_1988 : i32
      %add3A_1990 = arith.constant 4 : i32
      %add3A_1991 = arith.addi %mul3A_1989, %add3A_1990 : i32
      %get3A_1992 = arith.index_cast %add3A_1991 : i32 to index
      %get3A_1993 = arith.constant 0 : index
      %get3A_1994 = tpu.vector_load %arg10[%get3A_1992, %get3A_1993] {strides = array<i32>} : memref<2560x32xf32, #tpu.memory_space<vmem>>, vector<16xf32>,
      %mul3A_1995 = arith.mulf %get3A_1908, %get3A_1994 : vector<16xf32>
      %get3A_1996 = arith.index_cast %add3A_1991 : i32 to index
      %get3A_1997 = arith.constant 16 : index
      %get3A_1998 = tpu.vector_load %arg10[%get3A_1996, %get3A_1997] {strides = array<i32>} : memref<2560x32xf32, #tpu.memory_space<vmem>>, vector<16xf32>,
      %mul3A_1999 = arith.mulf %get3A_1911, %get3A_1998 : vector<16xf32>
      %add3A_2000 = arith.addf %mul3A_1995, %mul3A_1999 : vector<16xf32>
      %reduce_sum3A_2001 = arith.constant true
      %reduce_sum3A_2002 = vector.broadcast %reduce_sum3A_2001 : i1 to vector<16xi1>
      %reduce_sum3A_2003 = tpu.scan <sum>, %add3A_2000 masked %reduce_sum3A_2002 : vector<16xf32>, vector<16xi1> -> vector<16xf32>
      %reduce_sum3A_2004 = vector.extract %reduce_sum3A_2003[15] : f32 from vector<16xf32>
      %broadcast_in_dim3A_2005 = vector.broadcast %reduce_sum3A_2004 : f32 to vector<16xf32>
      %select_n3A_2006 = arith.select %eq3A_495, %broadcast_in_dim3A_2005, %select_n3A_1987 : vector<16xi1>, vector<16xf32>
      %mul3A_2007 = arith.constant 16 : i32
      %mul3A_2008 = arith.muli %scan3A_530, %mul3A_2007 : i32
      %add3A_2009 = arith.constant 14 : i32
      %add3A_2010 = arith.addi %mul3A_2008, %add3A_2009 : i32
      %get3A_2011 = arith.index_cast %add3A_2010 : i32 to index
      %get3A_2012 = arith.constant 0 : index
      %get3A_2013 = tpu.vector_load %arg9[%get3A_2011, %get3A_2012] {strides = array<i32>} : memref<512x32xf32, #tpu.memory_space<vmem>>, vector<16xf32>,
      %get3A_2014 = arith.index_cast %add3A_2010 : i32 to index
      %get3A_2015 = arith.constant 16 : index
      %get3A_2016 = tpu.vector_load %arg9[%get3A_2014, %get3A_2015] {strides = array<i32>} : memref<512x32xf32, #tpu.memory_space<vmem>>, vector<16xf32>,
      %mul3A_2017 = arith.constant 5 : i32
      %mul3A_2018 = arith.muli %add3A_2010, %mul3A_2017 : i32
      %add3A_2019 = arith.constant 0 : i32
      %add3A_2020 = arith.addi %mul3A_2018, %add3A_2019 : i32
      %get3A_2021 = arith.index_cast %add3A_2020 : i32 to index
      %get3A_2022 = arith.constant 0 : index
      %get3A_2023 = tpu.vector_load %arg10[%get3A_2021, %get3A_2022] {strides = array<i32>} : memref<2560x32xf32, #tpu.memory_space<vmem>>, vector<16xf32>,
      %mul3A_2024 = arith.mulf %get3A_2013, %get3A_2023 : vector<16xf32>
      %get3A_2025 = arith.index_cast %add3A_2020 : i32 to index
      %get3A_2026 = arith.constant 16 : index
      %get3A_2027 = tpu.vector_load %arg10[%get3A_2025, %get3A_2026] {strides = array<i32>} : memref<2560x32xf32, #tpu.memory_space<vmem>>, vector<16xf32>,
      %mul3A_2028 = arith.mulf %get3A_2016, %get3A_2027 : vector<16xf32>
      %add3A_2029 = arith.addf %mul3A_2024, %mul3A_2028 : vector<16xf32>
      %reduce_sum3A_2030 = arith.constant true
      %reduce_sum3A_2031 = vector.broadcast %reduce_sum3A_2030 : i1 to vector<16xi1>
      %reduce_sum3A_2032 = tpu.scan <sum>, %add3A_2029 masked %reduce_sum3A_2031 : vector<16xf32>, vector<16xi1> -> vector<16xf32>
      %reduce_sum3A_2033 = vector.extract %reduce_sum3A_2032[15] : f32 from vector<16xf32>
      %broadcast_in_dim3A_2034 = vector.broadcast %reduce_sum3A_2033 : f32 to vector<16xf32>
      %select_n3A_2035 = arith.select %eq3A_498, %broadcast_in_dim3A_2034, %select_n3A_2006 : vector<16xi1>, vector<16xf32>
      %mul3A_2036 = arith.constant 5 : i32
      %mul3A_2037 = arith.muli %add3A_2010, %mul3A_2036 : i32
      %add3A_2038 = arith.constant 1 : i32
      %add3A_2039 = arith.addi %mul3A_2037, %add3A_2038 : i32
      %get3A_2040 = arith.index_cast %add3A_2039 : i32 to index
      %get3A_2041 = arith.constant 0 : index
      %get3A_2042 = tpu.vector_load %arg10[%get3A_2040, %get3A_2041] {strides = array<i32>} : memref<2560x32xf32, #tpu.memory_space<vmem>>, vector<16xf32>,
      %mul3A_2043 = arith.mulf %get3A_2013, %get3A_2042 : vector<16xf32>
      %get3A_2044 = arith.index_cast %add3A_2039 : i32 to index
      %get3A_2045 = arith.constant 16 : index
      %get3A_2046 = tpu.vector_load %arg10[%get3A_2044, %get3A_2045] {strides = array<i32>} : memref<2560x32xf32, #tpu.memory_space<vmem>>, vector<16xf32>,
      %mul3A_2047 = arith.mulf %get3A_2016, %get3A_2046 : vector<16xf32>
      %add3A_2048 = arith.addf %mul3A_2043, %mul3A_2047 : vector<16xf32>
      %reduce_sum3A_2049 = arith.constant true
      %reduce_sum3A_2050 = vector.broadcast %reduce_sum3A_2049 : i1 to vector<16xi1>
      %reduce_sum3A_2051 = tpu.scan <sum>, %add3A_2048 masked %reduce_sum3A_2050 : vector<16xf32>, vector<16xi1> -> vector<16xf32>
      %reduce_sum3A_2052 = vector.extract %reduce_sum3A_2051[15] : f32 from vector<16xf32>
      %broadcast_in_dim3A_2053 = vector.broadcast %reduce_sum3A_2052 : f32 to vector<16xf32>
      %select_n3A_2054 = arith.select %eq3A_501, %broadcast_in_dim3A_2053, %select_n3A_2035 : vector<16xi1>, vector<16xf32>
      %mul3A_2055 = arith.constant 5 : i32
      %mul3A_2056 = arith.muli %add3A_2010, %mul3A_2055 : i32
      %add3A_2057 = arith.constant 2 : i32
      %add3A_2058 = arith.addi %mul3A_2056, %add3A_2057 : i32
      %get3A_2059 = arith.index_cast %add3A_2058 : i32 to index
      %get3A_2060 = arith.constant 0 : index
      %get3A_2061 = tpu.vector_load %arg10[%get3A_2059, %get3A_2060] {strides = array<i32>} : memref<2560x32xf32, #tpu.memory_space<vmem>>, vector<16xf32>,
      %mul3A_2062 = arith.mulf %get3A_2013, %get3A_2061 : vector<16xf32>
      %get3A_2063 = arith.index_cast %add3A_2058 : i32 to index
      %get3A_2064 = arith.constant 16 : index
      %get3A_2065 = tpu.vector_load %arg10[%get3A_2063, %get3A_2064] {strides = array<i32>} : memref<2560x32xf32, #tpu.memory_space<vmem>>, vector<16xf32>,
      %mul3A_2066 = arith.mulf %get3A_2016, %get3A_2065 : vector<16xf32>
      %add3A_2067 = arith.addf %mul3A_2062, %mul3A_2066 : vector<16xf32>
      %reduce_sum3A_2068 = arith.constant true
      %reduce_sum3A_2069 = vector.broadcast %reduce_sum3A_2068 : i1 to vector<16xi1>
      %reduce_sum3A_2070 = tpu.scan <sum>, %add3A_2067 masked %reduce_sum3A_2069 : vector<16xf32>, vector<16xi1> -> vector<16xf32>
      %reduce_sum3A_2071 = vector.extract %reduce_sum3A_2070[15] : f32 from vector<16xf32>
      %broadcast_in_dim3A_2072 = vector.broadcast %reduce_sum3A_2071 : f32 to vector<16xf32>
      %select_n3A_2073 = arith.select %eq3A_504, %broadcast_in_dim3A_2072, %select_n3A_2054 : vector<16xi1>, vector<16xf32>
      %mul3A_2074 = arith.constant 5 : i32
      %mul3A_2075 = arith.muli %add3A_2010, %mul3A_2074 : i32
      %add3A_2076 = arith.constant 3 : i32
      %add3A_2077 = arith.addi %mul3A_2075, %add3A_2076 : i32
      %get3A_2078 = arith.index_cast %add3A_2077 : i32 to index
      %get3A_2079 = arith.constant 0 : index
      %get3A_2080 = tpu.vector_load %arg10[%get3A_2078, %get3A_2079] {strides = array<i32>} : memref<2560x32xf32, #tpu.memory_space<vmem>>, vector<16xf32>,
      %mul3A_2081 = arith.mulf %get3A_2013, %get3A_2080 : vector<16xf32>
      %get3A_2082 = arith.index_cast %add3A_2077 : i32 to index
      %get3A_2083 = arith.constant 16 : index
      %get3A_2084 = tpu.vector_load %arg10[%get3A_2082, %get3A_2083] {strides = array<i32>} : memref<2560x32xf32, #tpu.memory_space<vmem>>, vector<16xf32>,
      %mul3A_2085 = arith.mulf %get3A_2016, %get3A_2084 : vector<16xf32>
      %add3A_2086 = arith.addf %mul3A_2081, %mul3A_2085 : vector<16xf32>
      %reduce_sum3A_2087 = arith.constant true
      %reduce_sum3A_2088 = vector.broadcast %reduce_sum3A_2087 : i1 to vector<16xi1>
      %reduce_sum3A_2089 = tpu.scan <sum>, %add3A_2086 masked %reduce_sum3A_2088 : vector<16xf32>, vector<16xi1> -> vector<16xf32>
      %reduce_sum3A_2090 = vector.extract %reduce_sum3A_2089[15] : f32 from vector<16xf32>
      %broadcast_in_dim3A_2091 = vector.broadcast %reduce_sum3A_2090 : f32 to vector<16xf32>
      %select_n3A_2092 = arith.select %eq3A_507, %broadcast_in_dim3A_2091, %select_n3A_2073 : vector<16xi1>, vector<16xf32>
      %mul3A_2093 = arith.constant 5 : i32
      %mul3A_2094 = arith.muli %add3A_2010, %mul3A_2093 : i32
      %add3A_2095 = arith.constant 4 : i32
      %add3A_2096 = arith.addi %mul3A_2094, %add3A_2095 : i32
      %get3A_2097 = arith.index_cast %add3A_2096 : i32 to index
      %get3A_2098 = arith.constant 0 : index
      %get3A_2099 = tpu.vector_load %arg10[%get3A_2097, %get3A_2098] {strides = array<i32>} : memref<2560x32xf32, #tpu.memory_space<vmem>>, vector<16xf32>,
      %mul3A_2100 = arith.mulf %get3A_2013, %get3A_2099 : vector<16xf32>
      %get3A_2101 = arith.index_cast %add3A_2096 : i32 to index
      %get3A_2102 = arith.constant 16 : index
      %get3A_2103 = tpu.vector_load %arg10[%get3A_2101, %get3A_2102] {strides = array<i32>} : memref<2560x32xf32, #tpu.memory_space<vmem>>, vector<16xf32>,
      %mul3A_2104 = arith.mulf %get3A_2016, %get3A_2103 : vector<16xf32>
      %add3A_2105 = arith.addf %mul3A_2100, %mul3A_2104 : vector<16xf32>
      %reduce_sum3A_2106 = arith.constant true
      %reduce_sum3A_2107 = vector.broadcast %reduce_sum3A_2106 : i1 to vector<16xi1>
      %reduce_sum3A_2108 = tpu.scan <sum>, %add3A_2105 masked %reduce_sum3A_2107 : vector<16xf32>, vector<16xi1> -> vector<16xf32>
      %reduce_sum3A_2109 = vector.extract %reduce_sum3A_2108[15] : f32 from vector<16xf32>
      %broadcast_in_dim3A_2110 = vector.broadcast %reduce_sum3A_2109 : f32 to vector<16xf32>
      %select_n3A_2111 = arith.select %eq3A_510, %broadcast_in_dim3A_2110, %select_n3A_2092 : vector<16xi1>, vector<16xf32>
      %mul3A_2112 = arith.constant 16 : i32
      %mul3A_2113 = arith.muli %scan3A_530, %mul3A_2112 : i32
      %add3A_2114 = arith.constant 15 : i32
      %add3A_2115 = arith.addi %mul3A_2113, %add3A_2114 : i32
      %get3A_2116 = arith.index_cast %add3A_2115 : i32 to index
      %get3A_2117 = arith.constant 0 : index
      %get3A_2118 = tpu.vector_load %arg9[%get3A_2116, %get3A_2117] {strides = array<i32>} : memref<512x32xf32, #tpu.memory_space<vmem>>, vector<16xf32>,
      %get3A_2119 = arith.index_cast %add3A_2115 : i32 to index
      %get3A_2120 = arith.constant 16 : index
      %get3A_2121 = tpu.vector_load %arg9[%get3A_2119, %get3A_2120] {strides = array<i32>} : memref<512x32xf32, #tpu.memory_space<vmem>>, vector<16xf32>,
      %mul3A_2122 = arith.constant 5 : i32
      %mul3A_2123 = arith.muli %add3A_2115, %mul3A_2122 : i32
      %add3A_2124 = arith.constant 0 : i32
      %add3A_2125 = arith.addi %mul3A_2123, %add3A_2124 : i32
      %get3A_2126 = arith.index_cast %add3A_2125 : i32 to index
      %get3A_2127 = arith.constant 0 : index
      %get3A_2128 = tpu.vector_load %arg10[%get3A_2126, %get3A_2127] {strides = array<i32>} : memref<2560x32xf32, #tpu.memory_space<vmem>>, vector<16xf32>,
      %mul3A_2129 = arith.mulf %get3A_2118, %get3A_2128 : vector<16xf32>
      %get3A_2130 = arith.index_cast %add3A_2125 : i32 to index
      %get3A_2131 = arith.constant 16 : index
      %get3A_2132 = tpu.vector_load %arg10[%get3A_2130, %get3A_2131] {strides = array<i32>} : memref<2560x32xf32, #tpu.memory_space<vmem>>, vector<16xf32>,
      %mul3A_2133 = arith.mulf %get3A_2121, %get3A_2132 : vector<16xf32>
      %add3A_2134 = arith.addf %mul3A_2129, %mul3A_2133 : vector<16xf32>
      %reduce_sum3A_2135 = arith.constant true
      %reduce_sum3A_2136 = vector.broadcast %reduce_sum3A_2135 : i1 to vector<16xi1>
      %reduce_sum3A_2137 = tpu.scan <sum>, %add3A_2134 masked %reduce_sum3A_2136 : vector<16xf32>, vector<16xi1> -> vector<16xf32>
      %reduce_sum3A_2138 = vector.extract %reduce_sum3A_2137[15] : f32 from vector<16xf32>
      %broadcast_in_dim3A_2139 = vector.broadcast %reduce_sum3A_2138 : f32 to vector<16xf32>
      %select_n3A_2140 = arith.select %eq3A_513, %broadcast_in_dim3A_2139, %select_n3A_2111 : vector<16xi1>, vector<16xf32>
      %mul3A_2141 = arith.constant 5 : i32
      %mul3A_2142 = arith.muli %add3A_2115, %mul3A_2141 : i32
      %add3A_2143 = arith.constant 1 : i32
      %add3A_2144 = arith.addi %mul3A_2142, %add3A_2143 : i32
      %get3A_2145 = arith.index_cast %add3A_2144 : i32 to index
      %get3A_2146 = arith.constant 0 : index
      %get3A_2147 = tpu.vector_load %arg10[%get3A_2145, %get3A_2146] {strides = array<i32>} : memref<2560x32xf32, #tpu.memory_space<vmem>>, vector<16xf32>,
      %mul3A_2148 = arith.mulf %get3A_2118, %get3A_2147 : vector<16xf32>
      %get3A_2149 = arith.index_cast %add3A_2144 : i32 to index
      %get3A_2150 = arith.constant 16 : index
      %get3A_2151 = tpu.vector_load %arg10[%get3A_2149, %get3A_2150] {strides = array<i32>} : memref<2560x32xf32, #tpu.memory_space<vmem>>, vector<16xf32>,
      %mul3A_2152 = arith.mulf %get3A_2121, %get3A_2151 : vector<16xf32>
      %add3A_2153 = arith.addf %mul3A_2148, %mul3A_2152 : vector<16xf32>
      %reduce_sum3A_2154 = arith.constant true
      %reduce_sum3A_2155 = vector.broadcast %reduce_sum3A_2154 : i1 to vector<16xi1>
      %reduce_sum3A_2156 = tpu.scan <sum>, %add3A_2153 masked %reduce_sum3A_2155 : vector<16xf32>, vector<16xi1> -> vector<16xf32>
      %reduce_sum3A_2157 = vector.extract %reduce_sum3A_2156[15] : f32 from vector<16xf32>
      %broadcast_in_dim3A_2158 = vector.broadcast %reduce_sum3A_2157 : f32 to vector<16xf32>
      %select_n3A_2159 = arith.select %eq3A_516, %broadcast_in_dim3A_2158, %select_n3A_2140 : vector<16xi1>, vector<16xf32>
      %mul3A_2160 = arith.constant 5 : i32
      %mul3A_2161 = arith.muli %add3A_2115, %mul3A_2160 : i32
      %add3A_2162 = arith.constant 2 : i32
      %add3A_2163 = arith.addi %mul3A_2161, %add3A_2162 : i32
      %get3A_2164 = arith.index_cast %add3A_2163 : i32 to index
      %get3A_2165 = arith.constant 0 : index
      %get3A_2166 = tpu.vector_load %arg10[%get3A_2164, %get3A_2165] {strides = array<i32>} : memref<2560x32xf32, #tpu.memory_space<vmem>>, vector<16xf32>,
      %mul3A_2167 = arith.mulf %get3A_2118, %get3A_2166 : vector<16xf32>
      %get3A_2168 = arith.index_cast %add3A_2163 : i32 to index
      %get3A_2169 = arith.constant 16 : index
      %get3A_2170 = tpu.vector_load %arg10[%get3A_2168, %get3A_2169] {strides = array<i32>} : memref<2560x32xf32, #tpu.memory_space<vmem>>, vector<16xf32>,
      %mul3A_2171 = arith.mulf %get3A_2121, %get3A_2170 : vector<16xf32>
      %add3A_2172 = arith.addf %mul3A_2167, %mul3A_2171 : vector<16xf32>
      %reduce_sum3A_2173 = arith.constant true
      %reduce_sum3A_2174 = vector.broadcast %reduce_sum3A_2173 : i1 to vector<16xi1>
      %reduce_sum3A_2175 = tpu.scan <sum>, %add3A_2172 masked %reduce_sum3A_2174 : vector<16xf32>, vector<16xi1> -> vector<16xf32>
      %reduce_sum3A_2176 = vector.extract %reduce_sum3A_2175[15] : f32 from vector<16xf32>
      %broadcast_in_dim3A_2177 = vector.broadcast %reduce_sum3A_2176 : f32 to vector<16xf32>
      %select_n3A_2178 = arith.select %eq3A_519, %broadcast_in_dim3A_2177, %select_n3A_2159 : vector<16xi1>, vector<16xf32>
      %mul3A_2179 = arith.constant 5 : i32
      %mul3A_2180 = arith.muli %add3A_2115, %mul3A_2179 : i32
      %add3A_2181 = arith.constant 3 : i32
      %add3A_2182 = arith.addi %mul3A_2180, %add3A_2181 : i32
      %get3A_2183 = arith.index_cast %add3A_2182 : i32 to index
      %get3A_2184 = arith.constant 0 : index
      %get3A_2185 = tpu.vector_load %arg10[%get3A_2183, %get3A_2184] {strides = array<i32>} : memref<2560x32xf32, #tpu.memory_space<vmem>>, vector<16xf32>,
      %mul3A_2186 = arith.mulf %get3A_2118, %get3A_2185 : vector<16xf32>
      %get3A_2187 = arith.index_cast %add3A_2182 : i32 to index
      %get3A_2188 = arith.constant 16 : index
      %get3A_2189 = tpu.vector_load %arg10[%get3A_2187, %get3A_2188] {strides = array<i32>} : memref<2560x32xf32, #tpu.memory_space<vmem>>, vector<16xf32>,
      %mul3A_2190 = arith.mulf %get3A_2121, %get3A_2189 : vector<16xf32>
      %add3A_2191 = arith.addf %mul3A_2186, %mul3A_2190 : vector<16xf32>
      %reduce_sum3A_2192 = arith.constant true
      %reduce_sum3A_2193 = vector.broadcast %reduce_sum3A_2192 : i1 to vector<16xi1>
      %reduce_sum3A_2194 = tpu.scan <sum>, %add3A_2191 masked %reduce_sum3A_2193 : vector<16xf32>, vector<16xi1> -> vector<16xf32>
      %reduce_sum3A_2195 = vector.extract %reduce_sum3A_2194[15] : f32 from vector<16xf32>
      %broadcast_in_dim3A_2196 = vector.broadcast %reduce_sum3A_2195 : f32 to vector<16xf32>
      %select_n3A_2197 = arith.select %eq3A_522, %broadcast_in_dim3A_2196, %select_n3A_2178 : vector<16xi1>, vector<16xf32>
      %mul3A_2198 = arith.constant 5 : i32
      %mul3A_2199 = arith.muli %add3A_2115, %mul3A_2198 : i32
      %add3A_2200 = arith.constant 4 : i32
      %add3A_2201 = arith.addi %mul3A_2199, %add3A_2200 : i32
      %get3A_2202 = arith.index_cast %add3A_2201 : i32 to index
      %get3A_2203 = arith.constant 0 : index
      %get3A_2204 = tpu.vector_load %arg10[%get3A_2202, %get3A_2203] {strides = array<i32>} : memref<2560x32xf32, #tpu.memory_space<vmem>>, vector<16xf32>,
      %mul3A_2205 = arith.mulf %get3A_2118, %get3A_2204 : vector<16xf32>
      %get3A_2206 = arith.index_cast %add3A_2201 : i32 to index
      %get3A_2207 = arith.constant 16 : index
      %get3A_2208 = tpu.vector_load %arg10[%get3A_2206, %get3A_2207] {strides = array<i32>} : memref<2560x32xf32, #tpu.memory_space<vmem>>, vector<16xf32>,
      %mul3A_2209 = arith.mulf %get3A_2121, %get3A_2208 : vector<16xf32>
      %add3A_2210 = arith.addf %mul3A_2205, %mul3A_2209 : vector<16xf32>
      %reduce_sum3A_2211 = arith.constant true
      %reduce_sum3A_2212 = vector.broadcast %reduce_sum3A_2211 : i1 to vector<16xi1>
      %reduce_sum3A_2213 = tpu.scan <sum>, %add3A_2210 masked %reduce_sum3A_2212 : vector<16xf32>, vector<16xi1> -> vector<16xf32>
      %reduce_sum3A_2214 = vector.extract %reduce_sum3A_2213[15] : f32 from vector<16xf32>
      %broadcast_in_dim3A_2215 = vector.broadcast %reduce_sum3A_2214 : f32 to vector<16xf32>
      %select_n3A_2216 = arith.select %eq3A_525, %broadcast_in_dim3A_2215, %select_n3A_2197 : vector<16xi1>, vector<16xf32>
      %mul3A_2217 = arith.constant 80 : i32
      %mul3A_2218 = arith.muli %scan3A_530, %mul3A_2217 : i32
      %add3A_2219 = arith.constant 0 : i32
      %add3A_2220 = arith.addi %mul3A_2218, %add3A_2219 : i32
      %swap3A = arith.index_cast %add3A_2220 : i32 to index
      %swap3A_2221 = tpu.vector_load %arg11[%swap3A] {strides = array<i32>} : memref<2560xf32, #tpu.memory_space<vmem>>, vector<16xf32>,
      tpu.vector_store %arg11[%swap3A], %select_n3A_880 {strides = array<i32>} : memref<2560xf32, #tpu.memory_space<vmem>>, vector<16xf32>,
      %add3A_2222 = arith.constant 16 : i32
      %add3A_2223 = arith.addi %mul3A_2218, %add3A_2222 : i32
      %swap3A_2224 = arith.index_cast %add3A_2223 : i32 to index
      %swap3A_2225 = tpu.vector_load %arg11[%swap3A_2224] {strides = array<i32>} : memref<2560xf32, #tpu.memory_space<vmem>>, vector<16xf32>,
      tpu.vector_store %arg11[%swap3A_2224], %select_n3A_1214 {strides = array<i32>} : memref<2560xf32, #tpu.memory_space<vmem>>, vector<16xf32>,
      %add3A_2226 = arith.constant 32 : i32
      %add3A_2227 = arith.addi %mul3A_2218, %add3A_2226 : i32
      %swap3A_2228 = arith.index_cast %add3A_2227 : i32 to index
      %swap3A_2229 = tpu.vector_load %arg11[%swap3A_2228] {strides = array<i32>} : memref<2560xf32, #tpu.memory_space<vmem>>, vector<16xf32>,
      tpu.vector_store %arg11[%swap3A_2228], %select_n3A_1548 {strides = array<i32>} : memref<2560xf32, #tpu.memory_space<vmem>>, vector<16xf32>,
      %add3A_2230 = arith.constant 48 : i32
      %add3A_2231 = arith.addi %mul3A_2218, %add3A_2230 : i32
      %swap3A_2232 = arith.index_cast %add3A_2231 : i32 to index
      %swap3A_2233 = tpu.vector_load %arg11[%swap3A_2232] {strides = array<i32>} : memref<2560xf32, #tpu.memory_space<vmem>>, vector<16xf32>,
      tpu.vector_store %arg11[%swap3A_2232], %select_n3A_1882 {strides = array<i32>} : memref<2560xf32, #tpu.memory_space<vmem>>, vector<16xf32>,
      %add3A_2234 = arith.constant 64 : i32
      %add3A_2235 = arith.addi %mul3A_2218, %add3A_2234 : i32
      %swap3A_2236 = arith.index_cast %add3A_2235 : i32 to index
      %swap3A_2237 = tpu.vector_load %arg11[%swap3A_2236] {strides = array<i32>} : memref<2560xf32, #tpu.memory_space<vmem>>, vector<16xf32>,
      tpu.vector_store %arg11[%swap3A_2236], %select_n3A_2216 {strides = array<i32>} : memref<2560xf32, #tpu.memory_space<vmem>>, vector<16xf32>,
    }
    %scan3A_529 = arith.constant 32 : i32
    "tpu.region"() ({
      %run_scoped3A = tpu.sem_alloc : memref<!tpu.dma_semaphore, #tpu.memory_space<semaphore_mem>>
      %dma_start3A_530 = arith.constant 0 : i32
      %dma_start3A_531 = tpu.memref_slice %arg6[%add3A, %dma_start3A_530] : memref<32x2560xf32, #tpu.memory_space<hbm>> -> memref<1x2560xf32, #tpu.memory_space<hbm>>
      %dma_start3A_532 = tpu.memref_squeeze %dma_start3A_531 : memref<1x2560xf32, #tpu.memory_space<hbm>> -> memref<2560xf32, #tpu.memory_space<hbm>>
      %dma_start3A_533 = arith.constant 0 : i32
      %dma_start3A_534 = tpu.memref_slice %arg6[%add3A, %dma_start3A_533] : memref<32x2560xf32, #tpu.memory_space<hbm>> -> memref<1x2560xf32, #tpu.memory_space<hbm>>
      %dma_start3A_535 = tpu.memref_squeeze %dma_start3A_534 : memref<1x2560xf32, #tpu.memory_space<hbm>> -> memref<2560xf32, #tpu.memory_space<hbm>>
      tpu.enqueue_dma source(%arg11 : memref<2560xf32, #tpu.memory_space<vmem>>) target(%dma_start3A_535 : memref<2560xf32, #tpu.memory_space<hbm>>) target_semaphore(%run_scoped3A : memref<!tpu.dma_semaphore, #tpu.memory_space<semaphore_mem>>)
      %dma_wait3A_536 = arith.constant 0 : i32
      %dma_wait3A_537 = tpu.memref_slice %arg6[%add3A, %dma_wait3A_536] : memref<32x2560xf32, #tpu.memory_space<hbm>> -> memref<1x2560xf32, #tpu.memory_space<hbm>>
      %dma_wait3A_538 = tpu.memref_squeeze %dma_wait3A_537 : memref<1x2560xf32, #tpu.memory_space<hbm>> -> memref<2560xf32, #tpu.memory_space<hbm>>
      %dma_wait3A_539 = arith.constant 0 : i32
      %dma_wait3A_540 = tpu.memref_slice %arg6[%add3A, %dma_wait3A_539] : memref<32x2560xf32, #tpu.memory_space<hbm>> -> memref<1x2560xf32, #tpu.memory_space<hbm>>
      %dma_wait3A_541 = tpu.memref_squeeze %dma_wait3A_540 : memref<1x2560xf32, #tpu.memory_space<hbm>> -> memref<2560xf32, #tpu.memory_space<hbm>>
      tpu.wait_dma2 semaphore(%run_scoped3A : memref<!tpu.dma_semaphore, #tpu.memory_space<semaphore_mem>>) src(%arg11 : memref<2560xf32, #tpu.memory_space<vmem>>) dst(%dma_wait3A_541 : memref<2560xf32, #tpu.memory_space<hbm>>)
      tpu.yield
    }) : () -> ()
    return
  }
}

</mosaic_0001>

<sc_bundles>
// kernel: _run.3.cloned.1.call-start
scs
__scs_entry_jumppad:
0x0: {  	(pc) =	sbr.rel $0x88, $3  }
0x1: {  	(tag) =	ssettag $0x0;
	lr =	simm.s32 $0x1  }
0x2: {  	[smem:$0x3F9D] =	sst lr;
	_ =	strace $0xD0000000  }
0x3: {  	_ = 	snop  }
0x4: {  	_ = 	snop  }
0x5: {  	_ = 	snop  }
0x6: {  	_ = 	snop  }
0x7: {  	_ = 	snop  }
__scs_overlays_trampoline_lowered:
0x8: {  	[smem:$0x3FAC] =	sst s0  }
0x9: {  	[smem:$0x3FAD] =	sst s1  }
0xa: {  	[smem:$0x3FAE] =	sst s2  }
0xb: {  	[smem:$0x3FAF] =	sst s3  }
0xc: {  	[smem:$0x3FB0] =	sst s4  }
0xd: {  	[smem:$0x3FB1] =	sst s5  }
0xe: {  	[smem:$0x3FB2] =	sst s6  }
0xf: {  	[smem:$0x3FB3] =	sst s7  }
0x10: {  	[smem:$0x3FB4] =	sst s8  }
0x11: {  	[smem:$0x3FB5] =	sst s9;
	s0 =	simm.s32 @!p0 $0x0  }
0x12: {  	s1 =	sld [smem:$0x3F9B];
	s0 =	simm.s32 @p0 $0x1  }
0x13: {  	[smem:$0x3FB6] =	sst s0;
	s0 =	simm.s32 @!p1 $0x0  }
0x14: {  	s2 =	sld [smem:$0x3F9A];
	s0 =	simm.s32 @p1 $0x1  }
0x15: {  	[smem:$0x3FB7] =	sst s0;
	s0 =	simm.s32 @!p2 $0x0  }
0x16: {  	s3 =	sld [smem:$0x3FDB];
	s0 =	simm.s32 @p2 $0x1  }
0x17: {  	s4 =	simm.s32 $0x1BF5;
	[smem:$0x3FB9] =	sst s0  }
0x18: {  	s0 =	sld [smem:$0x3F9C];
	_ =	swait.ge [sflag:s4], $0x0  }
0x19: {  	s7 =	sld [smem:$0x3F9D]  }
0x1a: {  	s8 =	sadd.s32 $0xFFFFE003, lr  }
0x1b: {  	s9 =	sadd.s32 $0xFFFFFEF7, lr;
	s5 =	simm.s32 $0xFFFFFFFF;
	p2 =	slt.u32 s8, $0xFFFFF086  }
0x1c: {  	p1 =	slt.u32 s9, $0xF7A;
	s5 =	simm.s32 @!p2 $0x0  }
0x1d: {  	s5 =	simm.s32 @p1 $0x1;
	p0 =	seq.s32 s7, s2  }
0x1e: {  	s7 =	smul.u32 @!p0 $0xF7A, s2;
	p2 =	seq.s32 @!p0 s5, $0x0  }
0x1f: {  	s9 =	smul.u32 $0xF7A, s1;
	s8 =	simm.s32 @!p0 $0x1BF5;
	p2 =	por !p2, p0  }
0x20: {  	[sflag:s8] =	ssyncset.s32 @!p0 $0xFFFFF086;
	s6 =	sadd.s32 @!p0 s3, s7;
	s7 =	simm.s32 @!p0 $0x108  }
0x21: {  	s3 =	sadd.s32 s3, s9;
	s6 =	sadd.s32 @!p0 $0x88, s6;
	s7 =	simm.s32 @p2 $0x1082  }
0x22: {  	[simem:s7], [sflag:s8] =	dma.local @!p0 [hbm:s6], $0xF7A  }
0x23: {  	s9 =	sor.u32 $0xD0000000, s2;
	s6 =	simm.s32 $0x108;
	_ =	swait.ge @!p0 [sflag:s8], $0x0  }
0x24: {  	s3 =	sadd.s32 $0x88, s3;
	s6 =	simm.s32 @!p1 $0x1082;
	[sflag:s4] =	ssyncset.s32 $0xFFFFF086  }
0x25: {  	[simem:s6], [sflag:s4] =	dma.local [hbm:s3], $0xF7A  }
0x26: {  	[smem:$0x3F9D] =	sst s1;
	(tag) =	ssettag s2;
	_ =	strace s9  }
0x27: {  	s1 =	sld [smem:$0x3FAD]  }
0x28: {  	s2 =	sld [smem:$0x3FAE]  }
0x29: {  	s4 =	sld [smem:$0x3FB0]  }
0x2a: {  	p0 =	seq.s32 s5, $0x0;
	s5 =	sld [smem:$0x3FB1]  }
0x2b: {  	s6 =	sld [smem:$0x3FB2]  }
0x2c: {  	s7 =	sld [smem:$0x3FB3]  }
0x2d: {  	s3 =	simm.s32 $0x108;
	s8 =	sld [smem:$0x3FB4]  }
0x2e: {  	s3 =	simm.s32 @!p0 $0x1082;
	s9 =	sld [smem:$0x3FB5]  }
0x2f: {  	lr =	sadd.s32 s0, s3;
	s0 =	sld [smem:$0x3FAC]  }
0x30: {  	s3 =	sld [smem:$0x3FAF]  }
0x31: {  	[smem:$0x3FB8] =	sst s10  }
0x32: {  	s10 =	sld [smem:$0x3FB6];
	_ =	sdelay $0x3  }
0x33: {  	p0 =	seq.s32 s10, $0x1;
	s10 =	sld [smem:$0x3FB8];
	_ =	sdelay $0x3  }
0x34: {  	[smem:$0x3FB8] =	sst s10  }
0x35: {  	s10 =	sld [smem:$0x3FB7];
	_ =	sdelay $0x3  }
0x36: {  	p1 =	seq.s32 s10, $0x1;
	s10 =	sld [smem:$0x3FB8];
	_ =	sdelay $0x3  }
0x37: {  	[smem:$0x3FB8] =	sst s10  }
0x38: {  	s10 =	sld [smem:$0x3FB9]  }
0x39: {  	_ = 	snop;
	(pc) =	sbr.ind lr, $3  }
0x3a: {  	_ = 	snop  }
0x3b: {  	_ = 	snop  }
0x3c: {  	p2 =	seq.s32 s10, $0x1;
	s10 =	sld [smem:$0x3FB8]  }
0x3d: {  	_ =	shalt  }
0x3e: {  	_ =	shalt  }
0x3f: {  	_ =	shalt  }
0x40: {  	_ =	shalt  }
0x41: {  	_ =	shalt  }
0x42: {  	_ =	shalt  }
0x43: {  	_ =	shalt  }
0x44: {  	_ =	shalt  }
0x45: {  	_ =	shalt  }
0x46: {  	_ =	shalt  }
0x47: {  	_ =	shalt  }
0x48: {  	_ =	shalt  }
0x49: {  	_ =	shalt  }
0x4a: {  	_ =	shalt  }
0x4b: {  	_ =	shalt  }
0x4c: {  	_ =	shalt  }
0x4d: {  	_ =	shalt  }
0x4e: {  	_ =	shalt  }
0x4f: {  	_ =	shalt  }
0x50: {  	_ =	shalt  }
0x51: {  	_ =	shalt  }
0x52: {  	_ =	shalt  }
0x53: {  	_ =	shalt  }
0x54: {  	_ =	shalt  }
0x55: {  	_ =	shalt  }
0x56: {  	_ =	shalt  }
0x57: {  	_ =	shalt  }
0x58: {  	_ =	shalt  }
0x59: {  	_ =	shalt  }
0x5a: {  	_ =	shalt  }
0x5b: {  	_ =	shalt  }
0x5c: {  	_ =	shalt  }
0x5d: {  	_ =	shalt  }
0x5e: {  	_ =	shalt  }
0x5f: {  	_ =	shalt  }
0x60: {  	_ =	shalt  }
0x61: {  	_ =	shalt  }
0x62: {  	_ =	shalt  }
0x63: {  	_ =	shalt  }
0x64: {  	_ =	shalt  }
0x65: {  	_ =	shalt  }
0x66: {  	_ =	shalt  }
0x67: {  	_ =	shalt  }
0x68: {  	_ =	shalt  }
0x69: {  	_ =	shalt  }
0x6a: {  	_ =	shalt  }
0x6b: {  	_ =	shalt  }
0x6c: {  	_ =	shalt  }
0x6d: {  	_ =	shalt  }
0x6e: {  	_ =	shalt  }
0x6f: {  	_ =	shalt  }
0x70: {  	_ =	shalt  }
0x71: {  	_ =	shalt  }
0x72: {  	_ =	shalt  }
0x73: {  	_ =	shalt  }
0x74: {  	_ =	shalt  }
0x75: {  	_ =	shalt  }
0x76: {  	_ =	shalt  }
0x77: {  	_ =	shalt  }
0x78: {  	_ =	shalt  }
0x79: {  	_ =	shalt  }
0x7a: {  	_ =	shalt  }
0x7b: {  	_ =	shalt  }
0x7c: {  	_ =	shalt  }
0x7d: {  	_ =	shalt  }
0x7e: {  	_ =	shalt  }
0x7f: {  	_ =	shalt  }
0x80: {  	_ =	shalt  }
0x81: {  	_ =	shalt  }
0x82: {  	_ =	shalt  }
0x83: {  	_ =	shalt  }
0x84: {  	_ =	shalt  }
0x85: {  	_ =	shalt  }
0x86: {  	_ =	shalt  }
0x87: {  	_ =	shalt  }
.Lfunc_end0:
.L_simem_size_0:
called_computation_lowered:
.L_overlay_start_0:
0x88: {  	s2 =	sld [smem:$0x3FD9]  }
0x89: {  	s3 =	sld [smem:$0x3FFE];
	_ =	sdelay $0x1  }
0x8a: {  	s1 =	srdreg.scid  }
0x8b: {  	s0 =	sand.u32 $0x1, s1  }
0x8c: {  	s17 =	sshll.u32 s0, $0xA;
	s2 =	sadd.s32 s3, s2  }
0x8d: {  	s2 =	sadd.s32 s2, s17  }
0x8e: {  	[smem:$0x3FC4] =	sst s2  }
0x8f: {  	_ = 	snop  }
0x90: {  	s2 =	sld [smem:$0x3FC9]  }
0x91: {  	s18 =	sld [smem:$0x3FD0];
	(tm) =	ssettm $0x1  }
0x92: {  	s4 =	sld [smem:$0x3FFB];
	_ =	sdelay $0x3  }
0x93: {  	_ =	strace s4  }
0x94: {  	s4 =	sld [smem:$0x3FFC];
	_ =	sdelay $0x3  }
0x95: {  	_ =	strace s4  }
0x96: {  	s4 =	sld [smem:$0x3FFD];
	_ =	sdelay $0x3  }
0x97: {  	_ =	strace s4  }
0x98: {  	_ =	strace $0x8FFFFFFF  }
0x99: {  	s19 =	sld [smem:$0x3FDB];
	_ =	sdelay $0x1  }
0x9a: {  	s5 =	simm.s32 $_scs_section_size  }
0x9b: {  	s6 =	simm.s32 $_size__tile_overlayer_lowered;
	s7 =	simm.s32 $_tile_overlayer_lowered  }
0x9c: {  	s22 =	simm.s32 $0x1BFF;
	s21 =	sshll.u32 s7, $0x1;
	s4 =	sadd.s32 s5, s19  }
0x9d: {  	s8 =	simm.s32 $0x0;
	s20 =	sshll.u32 s6, $0x1;
	s6 =	sadd.s32 s21, s4  }
0x9e: {  	[timem:s8], [sflag:s22] =	dma.local [hbm:s6], s20  }
0x9f: {  	_ =	swait.ge [sflag:s22], s20  }
0xa0: {  	s5 =	ssub.s32 $0x0, s20;
	[sflag:s22] =	ssyncset.done $0x0  }
0xa1: {  	[sflag:s22] =	ssyncadd.s32 s5;
	_ =	sdelay $0x1  }
0xa2: {  	s23 =	simm.s32 $0x1B8B  }
0xa3: {  	_ =	swait.ge [sflag:s23], $0x1  }
0xa4: {  	[sflag:s23] =	ssyncset.done $0x0  }
0xa5: {  	s25 =	simm.s32 $0x1B8E;
	s24 =	sld [smem:$0x3FFE];
	[sflag:s23] =	ssyncadd.s32 $0xFFFFFFFF  }
0xa6: {  	s26 =	simm.s32 $execute0_lowered;
	[smem:$0x3FD2] =	sst s25  }
0xa7: {  	s6 =	sshll.u32 s26, $0x1;
	_ =	strace $0x80000046;
	[dreg:$0x1] =	wrdreg $0xFFFFFFFF  }
0xa8: {  	s28 =	simm.s32 $_size_execute0_lowered;
	s4 =	sadd.s32 s4, s6;
	[dreg:$0x0] =	wrdreg $0x0  }
0xa9: {  	s6 =	sshll.u32 s28, $0x1;
	[dreg:$0x2] =	wrdreg s4  }
0xaa: {  	[dreg:$0x3] =	wrdreg s6  }
0xab: {  	[dreg:$0x4] =	wrdreg $0xC0  }
0xac: {  	_ =	task [dreg:s8], $0x5FFFF  }
0xad: {  	[dreg:$0x1] =	wrdreg $0xFFFFFFFF  }
0xae: {  	[dreg:$0x0] =	wrdreg $0x60  }
0xaf: {  	[dreg:$0x2] =	wrdreg s2  }
0xb0: {  	[dreg:$0x3] =	wrdreg s18  }
0xb1: {  	[dreg:$0x4] =	wrdreg s24  }
0xb2: {  	[dreg:$0x5] =	wrdreg $0x9  }
0xb3: {  	_ =	task.clear_ibuf [dreg:s8], $0x6FFFF;
	_ =	strace $0x90000046  }
0xb4: {  	s29 =	simm.s32 $0x9;
	_ =	strace $0x80000048  }
0xb5: {  	_ =	swait.ge [sflag:s29], $0x1  }
0xb6: {  	[sflag:s29] =	ssyncadd.s32 $0xFFFFFFFF  }
0xb7: {  	_ =	strace $0x90000048  }
0xb8: {  	_ =	sfence  }
0xb9: {  	s30 =	sld [smem:$0x0];
	_ =	sdelay $0x2  }
0xba: {  	s31 =	sshll.u32 s1, $0xD;
	s1 =	sshrl.u32 s1, $0x2  }
0xbb: {  	s3 =	sand.u32 $0x4000, s31;
	s1 =	sadd.s32 s1, s30  }
0xbc: {  	s0 =	sor.u32 s3, s0;
	s1 =	sshll.u32 s1, $0x11  }
0xbd: {  	s0 =	sor.u32 s1, s0  }
0xbe: {  	s0 =	sadd.s32 $0x8F2B, s0  }
0xbf: {  	[sflag:s0] =	ssyncadd.remote.s32 $0x1  }
0xc0: {  	_ =	sfence.sel $0xFFFF  }
0xc1: {  	[dreg:$0x0] =	wrdreg $0xFFFFFFFF;
	(pc) =	sbr.abs _section_cstart, $3  }
0xc2: {  	[dreg:$0x1] =	wrdreg $0xFFFFFFFF  }
0xc3: {  	_ =	task.clear_ibuf [dreg:s8], $0x2FFFF;
	_ =	strace $0x9FFFFFFF  }
0xc4: {  	(tm) =	ssettm $0x7FFFFFFF  }
0xc5: {  	_ =	shalt  }
tec
execute0_lowered:
.L_overlay_start_1:
0x0: {  	(tag) =	ssettag $0x1  }
0x1: {  	s0 =	rddreg [dreg:$0x0]  }
0x2: {  	s1 =	rddreg [dreg:$0x1]  }
0x3: {  	s5 =	rddreg [dreg:$0x2];
	s2 =	simm.s32 $0x0  }
0x4: {  	s3 =	srdreg.scid;
	s6 =	stileid.u32;
	s11 =	simm.s32 $0x80  }
0x5: {  	s22 =	simm.s32 $0x880;
	s23 =	simm.s32 $0x11C00;
	s24 =	simm.s32 $0x900  }
0x6: {  	s25 =	simm.s32 $0x12C00;
	s28 =	simm.s32 $0x13C00;
	s29 =	simm.s32 $0xA00  }
0x7: {  	s30 =	simm.s32 $0x14C00;
	s31 =	simm.s32 $0xA80;
	s12 =	simm.s32 $0x16C00  }
0x8: {  	s13 =	simm.s32 $0xB80;
	s14 =	simm.s32 $0x17C00;
	s15 =	simm.s32 $0x1  }
0x9: {  	s16 =	simm.s32 $0x18C00;
	s17 =	simm.s32 $0x0;
	[smem:$0x7FF] =	sst s2  }
0xa: {  	s4 =	sand.u32 $0x1, s3;
	s26 =	sshll.u32 s6, $0x1;
	s3 =	sadd.s32 $0x1313400, s5  }
0xb: {  	_ =	strace $0x80000047;
	s6 =	sor.u32 s4, s26;
	s8 =	ssub.s32 $0x2, s4  }
0xc: {  	vm0 =	vmmov $0x1;
	vm1 =	vmmov $0x3;
	vm2 =	vmmov $0x7;
	s4 =	sadd.s32 $0xF42A00, s5;
	s7 =	smul.u32 $0x140, s6;
	s9 =	sshrl.u32 s8, $0x1  }
0xd: {  	vm3 =	vmmov $0xf;
	vm4 =	vmmov $0x1f;
	vm5 =	vmmov $0x3f;
	s26 =	simm.s32 $0x980;
	s6 =	sshll.u32 s6, $0x6;
	s8 =	ssub.s32 s8, s9  }
0xe: {  	vm6 =	vmmov $0x7f;
	vm7 =	vmmov $0xff;
	vm8 =	vmmov $0x1ff;
	s9 =	simm.s32 $0x2;
	s10 =	sadd.s32 s7, s5;
	s5 =	sadd.s32 s0, s6  }
0xf: {  	vm9 =	vmmov $0x3ff;
	vm10 =	vmmov $0x7ff;
	vm11 =	vmmov $0xfff;
	s6 =	sadd.s32 s1, s7;
	s8 =	smax.u32 s8, $0x1;
	s0 =	simm.s32 $0x15C00  }
0x10: {  	vm12 =	vmmov $0x1fff;
	vm13 =	vmmov $0x3fff;
	vm14 =	vmmov $0x7fff;
	s1 =	simm.s32 $0xB00;
	s7 =	sadd.s32 $0x600, s10;
	s10 =	simm.s32 $0x200  }
.LBB2_1:
0x11: {  	[tilespmem:s2], [sflag:$0x2] =	stream.linear.gather [hbm4b:s5+s2], $0x200, $0x38;
	[tilespmem:$0x19600] =	vst v63  }
0x12: {  	_ =	swait.ge [sflag:s9], $0x200  }
0x13: {  	[sflag:s9] =	ssyncset.done $0x0  }
0x14: {  	[sflag:s9] =	ssyncadd.s32 $0xFFFFFE00  }
0x15: {  	[tilespmem:s10], [sflag:$0x2] =	stream.linear.gather [hbm4b:s6+s2], $0xA00, $0x38;
	[tilespmem:$0x19600] =	vst v63  }
0x16: {  	_ =	swait.ge [sflag:s9], $0xA00  }
0x17: {  	[sflag:s9] =	ssyncset.done $0x0  }
0x18: {  	s18 =	simm.s32 $0xC00;
	[sflag:s9] =	ssyncadd.s32 $0xFFFFF600  }
0x19: {  	[tilespmem:s18], [sflag:$0x1] =	stream.indirect.gather [hbm4b:s3+s11], $0x20, s2, s11, $0xb8;
	[tilespmem:$0x19600] =	vst v63  }
0x1a: {  	s20 =	simm.s32 $0x1C00  }
0x1b: {  	[tilespmem:s20], [sflag:$0x1] =	stream.indirect.gather [hbm4b:s3+s11], $0x20, s11, s11, $0xb8;
	[tilespmem:$0x19600] =	vst v63  }
0x1c: {  	s21 =	simm.s32 $0x100;
	s19 =	simm.s32 $0x2C00  }
0x1d: {  	[tilespmem:s19], [sflag:$0x1] =	stream.indirect.gather [hbm4b:s3+s11], $0x20, s21, s11, $0xb8;
	[tilespmem:$0x19600] =	vst v63  }
0x1e: {  	s20 =	simm.s32 $0x180;
	s21 =	simm.s32 $0x3C00  }
0x1f: {  	[tilespmem:s21], [sflag:$0x1] =	stream.indirect.gather [hbm4b:s3+s11], $0x20, s20, s11, $0xb8;
	[tilespmem:$0x19600] =	vst v63  }
0x20: {  	s19 =	simm.s32 $0x4C00  }
0x21: {  	[tilespmem:s19], [sflag:$0x1] =	stream.indirect.gather [hbm4b:s4+s11], $0x20, s10, s11, $0xb8;
	[tilespmem:$0x19600] =	vst v63  }
0x22: {  	s20 =	simm.s32 $0x280;
	s21 =	simm.s32 $0x5C00  }
0x23: {  	[tilespmem:s21], [sflag:$0x1] =	stream.indirect.gather [hbm4b:s4+s11], $0x20, s20, s11, $0xb8;
	[tilespmem:$0x19600] =	vst v63  }
0x24: {  	s20 =	simm.s32 $0x300;
	s21 =	simm.s32 $0x6C00  }
0x25: {  	[tilespmem:s21], [sflag:$0x1] =	stream.indirect.gather [hbm4b:s4+s11], $0x20, s20, s11, $0xb8;
	[tilespmem:$0x19600] =	vst v63  }
0x26: {  	s20 =	simm.s32 $0x380;
	s21 =	simm.s32 $0x7C00  }
0x27: {  	[tilespmem:s21], [sflag:$0x1] =	stream.indirect.gather [hbm4b:s4+s11], $0x20, s20, s11, $0xb8;
	[tilespmem:$0x19600] =	vst v63  }
0x28: {  	s20 =	simm.s32 $0x400;
	s21 =	simm.s32 $0x8C00  }
0x29: {  	[tilespmem:s21], [sflag:$0x1] =	stream.indirect.gather [hbm4b:s4+s11], $0x20, s20, s11, $0xb8;
	[tilespmem:$0x19600] =	vst v63  }
0x2a: {  	s20 =	simm.s32 $0x480;
	s21 =	simm.s32 $0x9C00  }
0x2b: {  	[tilespmem:s21], [sflag:$0x1] =	stream.indirect.gather [hbm4b:s4+s11], $0x20, s20, s11, $0xb8;
	[tilespmem:$0x19600] =	vst v63  }
0x2c: {  	s20 =	simm.s32 $0x500;
	s21 =	simm.s32 $0xAC00  }
0x2d: {  	[tilespmem:s21], [sflag:$0x1] =	stream.indirect.gather [hbm4b:s4+s11], $0x20, s20, s11, $0xb8;
	[tilespmem:$0x19600] =	vst v63  }
0x2e: {  	s20 =	simm.s32 $0x580;
	s21 =	simm.s32 $0xBC00  }
0x2f: {  	[tilespmem:s21], [sflag:$0x1] =	stream.indirect.gather [hbm4b:s4+s11], $0x20, s20, s11, $0xb8;
	[tilespmem:$0x19600] =	vst v63  }
0x30: {  	s20 =	simm.s32 $0x600;
	s21 =	simm.s32 $0xCC00  }
0x31: {  	[tilespmem:s21], [sflag:$0x1] =	stream.indirect.gather [hbm4b:s4+s11], $0x20, s20, s11, $0xb8;
	[tilespmem:$0x19600] =	vst v63  }
0x32: {  	s20 =	simm.s32 $0x680;
	s21 =	simm.s32 $0xDC00  }
0x33: {  	[tilespmem:s21], [sflag:$0x1] =	stream.indirect.gather [hbm4b:s4+s11], $0x20, s20, s11, $0xb8;
	[tilespmem:$0x19600] =	vst v63  }
0x34: {  	s20 =	simm.s32 $0x700;
	s21 =	simm.s32 $0xEC00  }
0x35: {  	[tilespmem:s21], [sflag:$0x1] =	stream.indirect.gather [hbm4b:s4+s11], $0x20, s20, s11, $0xb8;
	[tilespmem:$0x19600] =	vst v63  }
0x36: {  	s20 =	simm.s32 $0x780;
	s21 =	simm.s32 $0xFC00  }
0x37: {  	[tilespmem:s21], [sflag:$0x1] =	stream.indirect.gather [hbm4b:s4+s11], $0x20, s20, s11, $0xb8;
	[tilespmem:$0x19600] =	vst v63  }
0x38: {  	s20 =	simm.s32 $0x800;
	s21 =	simm.s32 $0x10C00  }
0x39: {  	[tilespmem:s21], [sflag:$0x1] =	stream.indirect.gather [hbm4b:s4+s11], $0x20, s20, s11, $0xb8;
	[tilespmem:$0x19600] =	vst v63  }
0x3a: {  	_ = 	snop  }
0x3b: {  	[tilespmem:s23], [sflag:$0x1] =	stream.indirect.gather [hbm4b:s4+s11], $0x20, s22, s11, $0xb8;
	[tilespmem:$0x19600] =	vst v63  }
0x3c: {  	_ = 	snop  }
0x3d: {  	[tilespmem:s25], [sflag:$0x1] =	stream.indirect.gather [hbm4b:s4+s11], $0x20, s24, s11, $0xb8;
	[tilespmem:$0x19600] =	vst v63  }
0x3e: {  	_ = 	snop  }
0x3f: {  	[tilespmem:s28], [sflag:$0x1] =	stream.indirect.gather [hbm4b:s4+s11], $0x20, s26, s11, $0xb8;
	[tilespmem:$0x19600] =	vst v63  }
0x40: {  	_ = 	snop  }
0x41: {  	[tilespmem:s30], [sflag:$0x1] =	stream.indirect.gather [hbm4b:s4+s11], $0x20, s29, s11, $0xb8;
	[tilespmem:$0x19600] =	vst v63  }
0x42: {  	_ = 	snop  }
0x43: {  	[tilespmem:s0], [sflag:$0x1] =	stream.indirect.gather [hbm4b:s4+s11], $0x20, s31, s11, $0xb8;
	[tilespmem:$0x19600] =	vst v63  }
0x44: {  	_ = 	snop  }
0x45: {  	[tilespmem:s12], [sflag:$0x1] =	stream.indirect.gather [hbm4b:s4+s11], $0x20, s1, s11, $0xb8;
	[tilespmem:$0x19600] =	vst v63  }
0x46: {  	_ = 	snop  }
0x47: {  	[tilespmem:s14], [sflag:$0x1] =	stream.indirect.gather [hbm4b:s4+s11], $0x20, s13, s11, $0xb8;
	[tilespmem:$0x19600] =	vst v63  }
0x48: {  	_ =	swait.ge [sflag:s15], $0x1000  }
0x49: {  	[sflag:s15] =	ssyncset.done $0x0  }
0x4a: {  	[sflag:s15] =	ssyncadd.s32 $0xFFFFF000  }
0x4b: {  	_ =	swait.ge [sflag:s15], $0x1000  }
0x4c: {  	[sflag:s15] =	ssyncset.done $0x0  }
0x4d: {  	[sflag:s15] =	ssyncadd.s32 $0xFFFFF000  }
0x4e: {  	_ =	swait.ge [sflag:s15], $0x1000  }
0x4f: {  	[sflag:s15] =	ssyncset.done $0x0  }
0x50: {  	[sflag:s15] =	ssyncadd.s32 $0xFFFFF000  }
0x51: {  	_ =	swait.ge [sflag:s15], $0x1000  }
0x52: {  	[sflag:s15] =	ssyncset.done $0x0  }
0x53: {  	[sflag:s15] =	ssyncadd.s32 $0xFFFFF000  }
0x54: {  	_ =	swait.ge [sflag:s15], $0x1000  }
0x55: {  	[sflag:s15] =	ssyncset.done $0x0  }
0x56: {  	[sflag:s15] =	ssyncadd.s32 $0xFFFFF000  }
0x57: {  	_ =	swait.ge [sflag:s15], $0x1000  }
0x58: {  	[sflag:s15] =	ssyncset.done $0x0  }
0x59: {  	[sflag:s15] =	ssyncadd.s32 $0xFFFFF000  }
0x5a: {  	_ =	swait.ge [sflag:s15], $0x1000  }
0x5b: {  	[sflag:s15] =	ssyncset.done $0x0  }
0x5c: {  	[sflag:s15] =	ssyncadd.s32 $0xFFFFF000  }
0x5d: {  	_ =	swait.ge [sflag:s15], $0x1000  }
0x5e: {  	[sflag:s15] =	ssyncset.done $0x0  }
0x5f: {  	[sflag:s15] =	ssyncadd.s32 $0xFFFFF000  }
0x60: {  	_ =	swait.ge [sflag:s15], $0x1000  }
0x61: {  	[sflag:s15] =	ssyncset.done $0x0  }
0x62: {  	[sflag:s15] =	ssyncadd.s32 $0xFFFFF000  }
0x63: {  	_ =	swait.ge [sflag:s15], $0x1000  }
0x64: {  	[sflag:s15] =	ssyncset.done $0x0  }
0x65: {  	[sflag:s15] =	ssyncadd.s32 $0xFFFFF000  }
0x66: {  	_ =	swait.ge [sflag:s15], $0x1000  }
0x67: {  	[sflag:s15] =	ssyncset.done $0x0  }
0x68: {  	[sflag:s15] =	ssyncadd.s32 $0xFFFFF000  }
0x69: {  	_ =	swait.ge [sflag:s15], $0x1000  }
0x6a: {  	[sflag:s15] =	ssyncset.done $0x0  }
0x6b: {  	[sflag:s15] =	ssyncadd.s32 $0xFFFFF000  }
0x6c: {  	_ =	swait.ge [sflag:s15], $0x1000  }
0x6d: {  	[sflag:s15] =	ssyncset.done $0x0  }
0x6e: {  	[sflag:s15] =	ssyncadd.s32 $0xFFFFF000  }
0x6f: {  	_ =	swait.ge [sflag:s15], $0x1000  }
0x70: {  	[sflag:s15] =	ssyncset.done $0x0  }
0x71: {  	[sflag:s15] =	ssyncadd.s32 $0xFFFFF000  }
0x72: {  	_ =	swait.ge [sflag:s15], $0x1000  }
0x73: {  	[sflag:s15] =	ssyncset.done $0x0  }
0x74: {  	[sflag:s15] =	ssyncadd.s32 $0xFFFFF000  }
0x75: {  	_ =	swait.ge [sflag:s15], $0x1000  }
0x76: {  	[sflag:s15] =	ssyncset.done $0x0  }
0x77: {  	[sflag:s15] =	ssyncadd.s32 $0xFFFFF000  }
0x78: {  	_ =	swait.ge [sflag:s15], $0x1000  }
0x79: {  	[sflag:s15] =	ssyncset.done $0x0  }
0x7a: {  	[sflag:s15] =	ssyncadd.s32 $0xFFFFF000  }
0x7b: {  	_ =	swait.ge [sflag:s15], $0x1000  }
0x7c: {  	[sflag:s15] =	ssyncset.done $0x0  }
0x7d: {  	[sflag:s15] =	ssyncadd.s32 $0xFFFFF000  }
0x7e: {  	_ =	swait.ge [sflag:s15], $0x1000  }
0x7f: {  	[sflag:s15] =	ssyncset.done $0x0  }
0x80: {  	[sflag:s15] =	ssyncadd.s32 $0xFFFFF000  }
0x81: {  	_ =	swait.ge [sflag:s15], $0x1000  }
0x82: {  	[sflag:s15] =	ssyncset.done $0x0  }
0x83: {  	[sflag:s15] =	ssyncadd.s32 $0xFFFFF000  }
0x84: {  	_ =	swait.ge [sflag:s15], $0x1000  }
0x85: {  	[sflag:s15] =	ssyncset.done $0x0  }
0x86: {  	[sflag:s15] =	ssyncadd.s32 $0xFFFFF000  }
0x87: {  	_ =	swait.ge [sflag:s15], $0x1000  }
0x88: {  	[sflag:s15] =	ssyncset.done $0x0  }
0x89: {  	[sflag:s15] =	ssyncadd.s32 $0xFFFFF000  }
0x8a: {  	_ =	swait.ge [sflag:s15], $0x1000  }
0x8b: {  	[sflag:s15] =	ssyncset.done $0x0  }
0x8c: {  	[sflag:s15] =	ssyncadd.s32 $0xFFFFF000  }
0x8d: {  	_ =	swait.ge [sflag:s15], $0x1000  }
0x8e: {  	s18 =	simm.s32 $0xD00;
	[sflag:s15] =	ssyncset.done $0x0  }
0x8f: {  	s19 =	simm.s32 $0x5100;
	s20 =	simm.s32 $0x0;
	[sflag:s15] =	ssyncadd.s32 $0xFFFFF000  }
.LBB2_2:
0x90: {  	v4 =	vld [tilespmem:s18+$0xFFFFFF00]  }
0x91: {  	v3 =	vld [tilespmem:s18+$0xFFFFFF10]  }
0x92: {  	v0 =	vld [tilespmem:s19+$0xFFFFFB00]  }
0x93: {  	v14 =	vld [tilespmem:s19+$0xFFFFFB10]  }
0x94: {  	v34 =	vld [tilespmem:s19+$0xFFFFFB20]  }
0x95: {  	v17 =	vld [tilespmem:s19+$0xFFFFFB30]  }
0x96: {  	v18 =	vld [tilespmem:s19+$0xFFFFFB40]  }
0x97: {  	v38 =	vld [tilespmem:s19+$0xFFFFFB50]  }
0x98: {  	v44 =	vld [tilespmem:s19+$0xFFFFFB60]  }
0x99: {  	v45 =	vld [tilespmem:s19+$0xFFFFFB70]  }
0x9a: {  	v48 =	vld [tilespmem:s19+$0xFFFFFB80]  }
0x9b: {  	v49 =	vld [tilespmem:s19+$0xFFFFFB90]  }
0x9c: {  	v5 =	vld [tilespmem:s18+$0xFFFFFF20]  }
0x9d: {  	v15 =	vld [tilespmem:s18+$0xFFFFFF30]  }
0x9e: {  	v50 =	vld [tilespmem:s19+$0xFFFFFBA0]  }
0x9f: {  	v6 =	vld [tilespmem:s19+$0xFFFFFBB0]  }
0xa0: {  	v9 =	vld [tilespmem:s19+$0xFFFFFBC0]  }
0xa1: {  	v10 =	vld [tilespmem:s19+$0xFFFFFBD0]  }
0xa2: {  	v12 =	vld [tilespmem:s19+$0xFFFFFBE0]  }
0xa3: {  	v11 =	vld [tilespmem:s19+$0xFFFFFBF0]  }
0xa4: {  	v13 =	vld [tilespmem:s19+$0xFFFFFC00]  }
0xa5: {  	v24 =	vld [tilespmem:s19+$0xFFFFFC10]  }
0xa6: {  	v21 =	vld [tilespmem:s19+$0xFFFFFC20]  }
0xa7: {  	v25 =	vld [tilespmem:s19+$0xFFFFFC30]  }
0xa8: {  	v22 =	vld [tilespmem:s18+$0xFFFFFF40]  }
0xa9: {  	v23 =	vld [tilespmem:s18+$0xFFFFFF50]  }
0xaa: {  	v27 =	vld [tilespmem:s19+$0xFFFFFC40]  }
0xab: {  	v26 =	vld [tilespmem:s19+$0xFFFFFC50]  }
0xac: {  	v29 =	vld [tilespmem:s19+$0xFFFFFC60]  }
0xad: {  	v30 =	vld [tilespmem:s19+$0xFFFFFC70]  }
0xae: {  	v32 =	vld [tilespmem:s19+$0xFFFFFC80]  }
0xaf: {  	v36 =	vld [tilespmem:s19+$0xFFFFFC90]  }
0xb0: {  	v31 =	vld [tilespmem:s19+$0xFFFFFCA0]  }
0xb1: {  	v42 =	vld [tilespmem:s19+$0xFFFFFCB0]  }
0xb2: {  	v33 =	vld [tilespmem:s19+$0xFFFFFCC0]  }
0xb3: {  	v35 =	vld [tilespmem:s19+$0xFFFFFCD0]  }
0xb4: {  	v28 =	vld [tilespmem:s18+$0xFFFFFF60]  }
0xb5: {  	v20 =	vld [tilespmem:s18+$0xFFFFFF70]  }
0xb6: {  	v39 =	vld [tilespmem:s19+$0xFFFFFCE0]  }
0xb7: {  	v37 =	vld [tilespmem:s19+$0xFFFFFCF0]  }
0xb8: {  	v43 =	vld [tilespmem:s19+$0xFFFFFD00]  }
0xb9: {  	v63 =	vld [tilespmem:s19+$0xFFFFFD10]  }
0xba: {  	v46 =	vld [tilespmem:s19+$0xFFFFFD20]  }
0xbb: {  	v60 =	vld [tilespmem:s19+$0xFFFFFD30]  }
0xbc: {  	v62 =	vld [tilespmem:s19+$0xFFFFFD40]  }
0xbd: {  	v51 =	vld [tilespmem:s19+$0xFFFFFD50]  }
0xbe: {  	v61 =	vld [tilespmem:s19+$0xFFFFFD60]  }
0xbf: {  	v47 =	vld [tilespmem:s19+$0xFFFFFD70]  }
0xc0: {  	v40 =	vld [tilespmem:s18+$0xFFFFFF80]  }
0xc1: {  	v41 =	vld [tilespmem:s18+$0xFFFFFF90]  }
0xc2: {  	v52 =	vld [tilespmem:s19+$0xFFFFFD80]  }
0xc3: {  	v59 =	vld [tilespmem:s19+$0xFFFFFD90]  }
0xc4: {  	v57 =	vld [tilespmem:s19+$0xFFFFFDA0]  }
0xc5: {  	v58 =	vld [tilespmem:s19+$0xFFFFFDB0]  }
0xc6: {  	v53 =	vld [tilespmem:s19+$0xFFFFFDC0]  }
0xc7: {  	v56 =	vld [tilespmem:s19+$0xFFFFFDD0]  }
0xc8: {  	v54 =	vld [tilespmem:s19+$0xFFFFFDE0]  }
0xc9: {  	v55 =	vld [tilespmem:s19+$0xFFFFFDF0]  }
0xca: {  	v19 =	vld [tilespmem:s19+$0xFFFFFE10]  }
0xcb: {  	v7 =	vld [tilespmem:s19+$0xFFFFFE20]  }
0xcc: {  	v8 =	vld [tilespmem:s19+$0xFFFFFE30]  }
0xcd: {  	v1 =	vld [tilespmem:s19+$0xFFFFFE00]  }
0xce: {  	v16 =	vld [tilespmem:s18+$0xFFFFFFA0]  }
0xcf: {  	[tilespmem:$0x1FED0] =	vst v19;
	v19 =	vld [tilespmem:s18+$0xFFFFFFB0]  }
0xd0: {  	[tilespmem:$0x1FEE0] =	vst v7;
	v7 =	vld [tilespmem:s19+$0xFFFFFE40]  }
0xd1: {  	[tilespmem:$0x1FEF0] =	vst v8;
	v8 =	vld [tilespmem:s19+$0xFFFFFE50];
	v0 =	vmul.f32 v0, v4;
	v14 =	vmul.f32 v14, v3  }
0xd2: {  	[tilespmem:$0x1FEC0] =	vst v1;
	v1 =	vmul.f32 v34, v4;
	v34 =	vld [tilespmem:s19+$0xFFFFFEC0]  }
0xd3: {  	v17 =	vmul.f32 v17, v3;
	v2 =	vadd.f32 v14, v0;
	v14 =	vld [tilespmem:s19+$0xFFFFFED0]  }
0xd4: {  	v0 =	vmul.f32 v38, v3;
	v38 =	vld [tilespmem:s19+$0xFFFFFEE0]  }
0xd5: {  	v18 =	vmul.f32 v18, v4;
	v1 =	vadd.f32 v17, v1;
	v17 =	vmul.f32 v44, v4;
	v44 =	vld [tilespmem:s19+$0xFFFFFEF0]  }
0xd6: {  	v45 =	vmul.f32 v45, v3;
	v3 =	vmul.f32 v49, v3;
	v49 =	vld [tilespmem:s19+$0xFFFFFF20]  }
0xd7: {  	v48 =	vmul.f32 v48, v4;
	v4 =	vmul.f32 v50, v5;
	v50 =	vld [tilespmem:s19+$0xFFFFFF30]  }
0xd8: {  	(xrf2) =	vadd.scan.msk.f32 $0xffff, v2;
	v2 =	vmul.f32 v13, v5;
	v13 =	vld [tilespmem:s19+$0xFFFFFF90]  }
0xd9: {  	[tilespmem:$0x1FF00] =	vst v7;
	v7 =	vld [tilespmem:s19+$0xFFFFFE60]  }
0xda: {  	v6 =	vmul.f32 v6, v15;
	[tilespmem:$0x1FF10] =	vst v8;
	v8 =	vld [tilespmem:s19+$0xFFFFFE70]  }
0xdb: {  	v0 =	vadd.f32 v0, v18;
	(xrf2) =	vadd.scan.msk.f32 $0xffff, v1;
	v1 =	vadd.f32 v45, v17;
	v45 =	vld [tilespmem:s19+$0xFFFFFF00]  }
0xdc: {  	v18 =	vmul.f32 v10, v15;
	v17 =	vmul.f32 v9, v5;
	v9 =	vadd.f32 v6, v4;
	v6 =	vld [tilespmem:s19+$0xFFFFFF60]  }
0xdd: {  	v10 =	vmul.f32 v12, v5;
	v5 =	vmul.f32 v21, v5;
	v21 =	vld [tilespmem:s19+$0xFFFFFFA0]  }
0xde: {  	v11 =	vmul.f32 v11, v15;
	(xrf2) =	vadd.scan.msk.f32 $0xffff, v0;
	v0 =	vadd.f32 v3, v48;
	v48 =	vld [tilespmem:s19+$0xFFFFFF10]  }
0xdf: {  	v3 =	vld [tilespmem:s18+$0xFFFFFFE0];
	(xrf2) =	vadd.scan.msk.f32 $0xffff, v1  }
0xe0: {  	v4 =	vadd.f32 v11, v10;
	v11 =	vld [tilespmem:s19+$0xFFFFFF80];
	(xrf2) =	vadd.scan.msk.f32 $0xffff, v0  }
0xe1: {  	v10 =	vld [tilespmem:s19+$0xFFFFFF70]  }
0xe2: {  	v12 =	vadd.f32 v18, v17;
	v17 =	vld [tilespmem:s19+$0xFFFFFF40]  }
0xe3: {  	(xrf2) =	vadd.scan.msk.f32 $0xffff, v9;
	[tilespmem:$0x1FF30] =	vst v8;
	v8 =	vld [tilespmem:s19+$0xFFFFFE90]  }
0xe4: {  	[tilespmem:$0x1FF20] =	vst v7;
	v7 =	vld [tilespmem:s19+$0xFFFFFE80];
	(xrf2) =	vadd.scan.msk.f32 $0xffff, v12  }
0xe5: {  	(xrf2) =	vadd.scan.msk.f32 $0xffff, v4;
	[tilespmem:$0x1FFA0] =	vst v11;
	v11 =	vmul.f32 v25, v15;
	v25 =	vld [tilespmem:s19+$0xFFFFFFB0]  }
0xe6: {  	v18 =	vld [tilespmem:s19+$0xFFFFFF50];
	[tilespmem:$0x1FF80] =	vst v6;
	v9, _, _ =	vpop (xrf2)  }
0xe7: {  	v1 =	vld [tilespmem:s18+$0xFFFFFFF0];
	[tilespmem:$0x1FF90] =	vst v10;
	v4, _, _ =	vpop (xrf2)  }
0xe8: {  	[tilespmem:$0x1FF50] =	vst v8;
	v8 =	vld [tilespmem:s19+$0xFFFFFEB0];
	v0 =	vbroadcast v9, $0xF;
	v9 =	vmul.f32 v24, v15;
	v12, _, _ =	vpop (xrf2)  }
0xe9: {  	[tilespmem:$0x1FF40] =	vst v7;
	v7 =	vld [tilespmem:s19+$0xFFFFFEA0];
	v4 =	vbroadcast v4, $0xF;
	v10, _, _ =	vpop (xrf2)  }
0xea: {  	[tilespmem:$0x1FFD0] =	vst v25;
	v25 =	vld [tilespmem:s19+$0xFFFFFFC0];
	v6 =	vbroadcast v12, $0xF;
	v2 =	vadd.f32 v9, v2;
	v24, _, _ =	vpop (xrf2)  }
0xeb: {  	[tilespmem:$0x1FFB0] =	vst v13;
	v5 =	vadd.f32 v11, v5;
	v0 =	vsel vm0, v0, v4;
	v13 =	vbroadcast v24, $0xF;
	v24 =	vld [tilespmem:s19+$0xFFFFFFD0]  }
0xec: {  	[tilespmem:$0x1FFC0] =	vst v21;
	v0 =	vsel vm1, v0, v6;
	(xrf2) =	vadd.scan.msk.f32 $0xffff, v2;
	v6 =	vld [tilespmem:s18+$0x0]  }
0xed: {  	v4 =	vbroadcast v10, $0xF;
	v21, _, _ =	vpop (xrf2);
	[tilespmem:$0x1FF70] =	vst v8;
	v8 =	vld [tilespmem:s18+$0xFFFFFFC0];
	(xrf2) =	vadd.scan.msk.f32 $0xffff, v5;
	v5 =	vmul.f32 v29, v22  }
0xee: {  	[tilespmem:$0x1FF60] =	vst v7;
	v7 =	vld [tilespmem:s18+$0xFFFFFFD0];
	v15, _, _ =	vpop (xrf2);
	v29 =	vmul.f32 v30, v23;
	v30 =	vmul.f32 v31, v22  }
0xef: {  	v4 =	vsel vm2, v0, v4;
	v0 =	vld [tilespmem:s19+$0xFFFFFFE0];
	v31 =	vmul.f32 v33, v22;
	[tilespmem:$0x1FFE0] =	vst v25;
	v25 =	vbroadcast v21, $0xF;
	v21, _, _ =	vpop (xrf2)  }
0xf0: {  	v33 =	vmul.f32 v42, v23;
	v9 =	vbroadcast v21, $0xF;
	v21 =	vld [tilespmem:s19+$0x0]  }
0xf1: {  	v5 =	vadd.f32 v29, v5;
	v29 =	vld [tilespmem:s19+$0x70]  }
0xf2: {  	v4 =	vsel vm3, v4, v13;
	v42 =	vadd.f32 v33, v30;
	v30 =	vld [tilespmem:s19+$0x80]  }
0xf3: {  	v2 =	vsel vm4, v4, v25;
	v25 =	vmul.f32 v27, v22;
	v4 =	vld [tilespmem:s18+$0x10]  }
0xf4: {  	v27 =	vmul.f32 v26, v23;
	v26 =	vld [tilespmem:s19+$0x40];
	[tilespmem:$0x1FFF0] =	vst v24;
	v24 =	vbroadcast v15, $0xF  }
0xf5: {  	v15 =	vld [tilespmem:s19+$0xFFFFFFF0]  }
0xf6: {  	v10 =	vadd.f32 v27, v25;
	v25 =	vld [tilespmem:s19+$0x30];
	v2 =	vsel vm5, v2, v24  }
0xf7: {  	v27 =	vld [tilespmem:s19+$0x50];
	v2 =	vsel vm6, v2, v9;
	v9 =	vmul.f32 v32, v22  }
0xf8: {  	v24 =	vld [tilespmem:s18+$0x30];
	v32 =	vmul.f32 v36, v23;
	v36 =	vmul.f32 v35, v23  }
0xf9: {  	v22 =	vld [tilespmem:s19+$0x10];
	(xrf2) =	vadd.scan.msk.f32 $0xffff, v10;
	v10 =	vmul.f32 v39, v28;
	v39 =	vmul.f32 v37, v20  }
0xfa: {  	v12 =	vmul.f32 v43, v28;
	v23 =	vld [tilespmem:s19+$0x20];
	v35 =	vmul.f32 v46, v28;
	v33 =	vadd.f32 v36, v31  }
0xfb: {  	v36 =	vmul.f32 v62, v28;
	v37 =	vadd.f32 v39, v10;
	v39 =	vmul.f32 v61, v28;
	v28 =	vld [tilespmem:s19+$0x60]  }
0xfc: {  	v61 =	vmul.f32 v47, v20;
	v31 =	vld [tilespmem:s19+$0x90];
	v47 =	vmul.f32 v53, v40  }
0xfd: {  	v43, _, _ =	vpop (xrf2);
	v53 =	vmul.f32 v54, v40;
	v54 =	vmul.f32 v55, v41;
	v55 =	vld [tilespmem:$0x1FEC0]  }
0xfe: {  	v9 =	vadd.f32 v32, v9;
	v11 =	vbroadcast v43, $0xF;
	v43 =	vmul.f32 v58, v41;
	v58 =	vld [tilespmem:$0x1FEE0]  }
0xff: {  	(xrf2) =	vadd.scan.msk.f32 $0xffff, v5;
	v62, _, _ =	vpop (xrf2);
	v39 =	vadd.f32 v61, v39;
	v61 =	vld [tilespmem:$0x1FF00]  }
0x100: {  	v63 =	vmul.f32 v63, v20;
	(xrf2) =	vadd.scan.msk.f32 $0xffff, v9;
	v32 =	vbroadcast v62, $0xF;
	v62 =	vld [tilespmem:$0x1FF10]  }
0x101: {  	(xrf2) =	vadd.scan.msk.f32 $0xffff, v42;
	v42 =	vmul.f32 v60, v20;
	v60 =	vmul.f32 v51, v20;
	v20 =	vld [tilespmem:s18+$0x20];
	v2 =	vsel vm7, v2, v11  }
0x102: {  	v46 =	vadd.f32 v63, v12;
	v51 =	vmul.f32 v56, v41;
	v56 =	vld [tilespmem:$0x1FED0];
	v2 =	vsel vm8, v2, v32  }
0x103: {  	v32 =	vld [tilespmem:s19+$0x1C0];
	v63 =	vadd.f32 v42, v35;
	v35 =	vadd.f32 v60, v36;
	v36 =	vmul.f32 v52, v40  }
0x104: {  	(xrf2) =	vadd.scan.msk.f32 $0xffff, v33;
	v42 =	vmul.f32 v57, v40;
	v33 =	vmul.f32 v55, v40;
	v40 =	vld [tilespmem:s19+$0xB0]  }
0x105: {  	(xrf2) =	vadd.scan.msk.f32 $0xffff, v37;
	v37 =	vmul.f32 v59, v41;
	v59 =	vld [tilespmem:$0x1FEF0]  }
0x106: {  	(xrf2) =	vadd.scan.msk.f32 $0xffff, v46;
	v10 =	vmul.f32 v58, v16;
	v58 =	vld [tilespmem:$0x1FF20]  }
0x107: {  	(xrf2) =	vadd.scan.msk.f32 $0xffff, v63;
	v52 =	vadd.f32 v43, v42;
	v42 =	vld [tilespmem:s19+$0xE0]  }
0x108: {  	v46 =	vadd.f32 v37, v36;
	v43 =	vld [tilespmem:$0x1FF60];
	(xrf2) =	vadd.scan.msk.f32 $0xffff, v35  }
0x109: {  	v37 =	vld [tilespmem:s19+$0x100];
	(xrf2) =	vadd.scan.msk.f32 $0xffff, v39  }
0x10a: {  	v12 =	vadd.f32 v51, v47;
	v35 =	vld [tilespmem:s19+$0xA0];
	v9, _, _ =	vpop (xrf2);
	v36 =	vmul.f32 v56, v41;
	(xrf2) =	vadd.scan.msk.f32 $0xffff, v46  }
0x10b: {  	v57 =	vadd.f32 v54, v53;
	v41 =	vld [tilespmem:s19+$0xC0];
	v47, _, _ =	vpop (xrf2);
	(xrf2) =	vadd.scan.msk.f32 $0xffff, v52  }
0x10c: {  	v13 =	vmul.f32 v59, v19;
	v60 =	vadd.f32 v36, v33;
	v59 =	vld [tilespmem:$0x1FF30];
	v51, _, _ =	vpop (xrf2);
	(xrf2) =	vadd.scan.msk.f32 $0xffff, v12  }
0x10d: {  	v33 =	vmul.f32 v61, v16;
	v61 =	vld [tilespmem:$0x1FF50];
	v53, _, _ =	vpop (xrf2);
	(xrf2) =	vadd.scan.msk.f32 $0xffff, v57  }
0x10e: {  	v54, _, _ =	vpop (xrf2);
	(xrf2) =	vadd.scan.msk.f32 $0xffff, v60;
	v60 =	vld [tilespmem:$0x1FF40]  }
0x10f: {  	v52 =	vld [tilespmem:$0x1FF70]  }
0x110: {  	v39 =	vld [tilespmem:s19+$0x110];
	v36 =	vmul.f32 v62, v19  }
0x111: {  	v46 =	vld [tilespmem:s19+$0xD0];
	v63 =	vadd.f32 v13, v10;
	v10 =	vmul.f32 v58, v16;
	v13 =	vmul.f32 v59, v19  }
0x112: {  	v14 =	vmul.f32 v14, v7;
	v12 =	vadd.f32 v36, v33;
	v36 =	vld [tilespmem:s19+$0xF0];
	v57 =	vmul.f32 v34, v8  }
0x113: {  	v56, _, _ =	vpop (xrf2);
	(xrf2) =	vadd.scan.msk.f32 $0xffff, v63;
	v63 =	vadd.f32 v13, v10;
	v10 =	vmul.f32 v43, v16;
	v43 =	vld [tilespmem:s19+$0x120];
	v33 =	vmul.f32 v60, v16  }
0x114: {  	v62 =	vmul.f32 v61, v19;
	v13 =	vmul.f32 v52, v19;
	v19 =	vld [tilespmem:s18+$0x50]  }
0x115: {  	v9 =	vbroadcast v9, $0xF;
	v60 =	vmul.f32 v44, v7;
	v44 =	vld [tilespmem:s19+$0x130]  }
0x116: {  	v59 =	vmul.f32 v38, v8;
	v61 =	vadd.f32 v14, v57;
	v52, _, _ =	vpop (xrf2);
	(xrf2) =	vadd.scan.msk.f32 $0xffff, v12;
	v16 =	vld [tilespmem:s18+$0x40];
	v55 =	vadd.f32 v62, v33  }
0x117: {  	v57 =	vmul.f32 v49, v8;
	v58 =	vadd.f32 v13, v10;
	v62 =	vmul.f32 v45, v8;
	v45 =	vld [tilespmem:s19+$0x140];
	v33, _, _ =	vpop (xrf2);
	(xrf2) =	vadd.scan.msk.f32 $0xffff, v63  }
0x118: {  	v2 =	vsel vm9, v2, v9;
	v8 =	vmul.f32 v17, v8;
	v17 =	vld [tilespmem:s18+$0x60];
	v63 =	vmul.f32 v48, v7;
	v34, _, _ =	vpop (xrf2);
	(xrf2) =	vadd.scan.msk.f32 $0xffff, v55  }
0x119: {  	v55 =	vadd.f32 v60, v59;
	v60 =	vbroadcast v47, $0xF;
	v47 =	vld [tilespmem:s19+$0x160];
	v48, _, _ =	vpop (xrf2);
	(xrf2) =	vadd.scan.msk.f32 $0xffff, v58;
	v58 =	vmul.f32 v50, v7  }
0x11a: {  	v59 =	vadd.f32 v63, v62;
	v50 =	vbroadcast v52, $0xF;
	v52 =	vld [tilespmem:s19+$0x150];
	v62 =	vbroadcast v53, $0xF;
	v11, _, _ =	vpop (xrf2);
	(xrf2) =	vadd.scan.msk.f32 $0xffff, v61  }
0x11b: {  	v53 =	vld [tilespmem:s19+$0x190];
	v7 =	vmul.f32 v18, v7;
	v61, _, _ =	vpop (xrf2);
	(xrf2) =	vadd.scan.msk.f32 $0xffff, v55;
	v49 =	vadd.f32 v58, v57;
	v57 =	vbroadcast v33, $0xF  }
0x11c: {  	v18 =	vld [tilespmem:s18+$0x70];
	v2 =	vsel vm10, v2, v60;
	v58 =	vbroadcast v51, $0xF;
	v13, _, _ =	vpop (xrf2);
	(xrf2) =	vadd.scan.msk.f32 $0xffff, v59;
	v59 =	vbroadcast v34, $0xF  }
0x11d: {  	v63 =	vbroadcast v48, $0xF;
	v11 =	vbroadcast v11, $0xF;
	v51 =	vld [tilespmem:s19+$0x180];
	v9 =	vsel vm0, v50, v57  }
0x11e: {  	v55 =	vld [tilespmem:s19+$0x1B0];
	v7 =	vadd.f32 v7, v8;
	v60, _, _ =	vpop (xrf2);
	v2 =	vsel vm11, v2, v58;
	v9 =	vsel vm1, v9, v59  }
0x11f: {  	v33 =	vld [tilespmem:s19+$0x1D0];
	(xrf2) =	vadd.scan.msk.f32 $0xffff, v49;
	v49 =	vbroadcast v61, $0xF;
	v61 =	vbroadcast v54, $0xF;
	v38, _, _ =	vpop (xrf2);
	v48 =	vsel vm2, v9, v63  }
0x120: {  	v50 =	vld [tilespmem:s19+$0x170];
	v2 =	vsel vm12, v2, v62;
	v62 =	vbroadcast v13, $0xF;
	v12, _, _ =	vpop (xrf2);
	v5 =	vsel vm3, v48, v11  }
0x121: {  	v58 =	vbroadcast v60, $0xF;
	(xrf2) =	vadd.scan.msk.f32 $0xffff, v7;
	v7 =	vld [tilespmem:s19+$0x210];
	v59 =	vsel vm13, v2, v61;
	v57, _, _ =	vpop (xrf2);
	v5 =	vsel vm4, v5, v49  }
0x122: {  	v56 =	vsel vm14, v59, v56;
	v59 =	vld [tilespmem:$0x1FF90];
	v63, _, _ =	vpop (xrf2);
	v5 =	vsel vm5, v5, v62  }
0x123: {  	v34 =	vbroadcast v38, $0xF;
	v38, _, _ =	vpop (xrf2);
	v60 =	vsel vm6, v5, v58;
	v58 =	vld [tilespmem:$0x1FF80]  }
0x124: {  	v61 =	vbroadcast v12, $0xF;
	v12 =	vbroadcast v38, $0xF;
	v38 =	vld [tilespmem:s19+$0x1F0]  }
0x125: {  	v10 =	vbroadcast v57, $0xF;
	v9 =	vsel vm7, v60, v34;
	v34 =	vld [tilespmem:s19+$0x1E0]  }
0x126: {  	v62 =	vbroadcast v63, $0xF;
	v48, _, _ =	vpop (xrf2);
	v5 =	vsel vm8, v9, v61;
	v61 =	vld [tilespmem:$0x1FFA0]  }
0x127: {  	v49, _, _ =	vpop (xrf2);
	v60 =	vmul.f32 v59, v1;
	v59 =	vld [tilespmem:$0x1FFD0];
	v5 =	vsel vm9, v5, v10  }
0x128: {  	v2, _, _ =	vpop (xrf2);
	v5 =	vsel vm10, v5, v62;
	v62 =	vld [tilespmem:$0x1FFB0]  }
0x129: {  	v63, _, _ =	vpop (xrf2);
	v8 =	vmul.f32 v58, v3;
	v57 =	vsel vm11, v5, v12;
	v5 =	vld [tilespmem:s19+$0x200]  }
0x12a: {  	v0 =	vmul.f32 v0, v3;
	v13, _, _ =	vpop (xrf2);
	v58 =	vld [tilespmem:$0x1FFC0]  }
0x12b: {  	v9 =	vbroadcast v63, $0xF;
	v14 =	vbroadcast v13, $0xF;
	v10 =	vadd.f32 v60, v8;
	v60 =	vld [tilespmem:$0x1FFE0]  }
0x12c: {  	v25 =	vmul.f32 v25, v4;
	v47 =	vmul.f32 v47, v16;
	v8 =	vld [tilespmem:s19+$0x220]  }
0x12d: {  	v7 =	vmul.f32 v7, v18;
	v38 =	vmul.f32 v38, v18;
	v14 =	vsel vm0, v9, v14;
	v9 =	vld [tilespmem:s19+$0x230]  }
0x12e: {  	v34 =	vmul.f32 v34, v17;
	v63 =	vmul.f32 v62, v1;
	v62 =	vld [tilespmem:$0x1FFF0]  }
0x12f: {  	v54 =	vld [tilespmem:s19+$0x1A0];
	v11 =	vmul.f32 v61, v3;
	v13 =	vmul.f32 v59, v1  }
0x130: {  	v59 =	vmul.f32 v27, v4;
	(xrf2) =	vadd.scan.msk.f32 $0xffff, v10;
	v10 =	vld [tilespmem:s19+$0x240];
	v12 =	vmul.f32 v58, v3  }
0x131: {  	v27 =	vld [tilespmem:s19+$0x2E0];
	v5 =	vmul.f32 v5, v17;
	v11 =	vadd.f32 v63, v11;
	v61 =	vmul.f32 v60, v3  }
0x132: {  	v3 =	vadd.f32 v13, v12;
	v60 =	vmul.f32 v21, v6;
	v12 =	vld [tilespmem:s19+$0x260];
	v8 =	vmul.f32 v8, v17  }
0x133: {  	v13 =	vld [tilespmem:s19+$0x270];
	v9 =	vmul.f32 v9, v18;
	v63 =	vmul.f32 v62, v1  }
0x134: {  	v34 =	vadd.f32 v38, v34;
	v21 =	vld [tilespmem:s19+$0x290];
	(xrf2) =	vadd.scan.msk.f32 $0xffff, v11;
	v1 =	vmul.f32 v15, v1;
	v62 =	vmul.f32 v22, v4  }
0x135: {  	v11 =	vld [tilespmem:s19+$0x250];
	(xrf2) =	vadd.scan.msk.f32 $0xffff, v3;
	v3 =	vmul.f32 v26, v6;
	v10 =	vmul.f32 v10, v17;
	v8 =	vadd.f32 v9, v8  }
0x136: {  	v15 =	vld [tilespmem:s19+$0x280];
	v61 =	vadd.f32 v63, v61;
	v63 =	vmul.f32 v23, v6;
	v58 =	vadd.f32 v62, v60  }
0x137: {  	v22 =	vld [tilespmem:s19+$0x2A0];
	v60 =	vmul.f32 v28, v6;
	v28 =	vmul.f32 v30, v6;
	v3 =	vadd.f32 v59, v3  }
0x138: {  	v9 =	vld [tilespmem:s19+$0x450];
	v59 =	vmul.f32 v46, v24;
	(xrf2) =	vadd.scan.msk.f32 $0xffff, v61;
	v61 =	vadd.f32 v25, v63;
	v63 =	vmul.f32 v29, v4  }
0x139: {  	v0 =	vadd.f32 v1, v0;
	v6 =	vld [tilespmem:s18+$0x80];
	v62, _, _ =	vpop (xrf2);
	v29 =	vmul.f32 v31, v4;
	v31 =	vmul.f32 v35, v20  }
0x13a: {  	v5 =	vadd.f32 v7, v5;
	v23 =	vld [tilespmem:s19+$0x2B0];
	v35 =	vmul.f32 v40, v24;
	v1 =	vbroadcast v62, $0xF  }
0x13b: {  	v4 =	vld [tilespmem:s18+$0x90];
	(xrf2) =	vadd.scan.msk.f32 $0xffff, v0;
	v62 =	vmul.f32 v36, v24;
	v36 =	vmul.f32 v39, v24;
	v30 =	vadd.f32 v63, v60  }
0x13c: {  	v25 =	vld [tilespmem:s19+$0x2D0];
	(xrf2) =	vadd.scan.msk.f32 $0xffff, v58;
	v58 =	vmul.f32 v41, v20;
	v60 =	vadd.f32 v35, v31;
	v35 =	vmul.f32 v37, v20;
	v37, _, _ =	vpop (xrf2)  }
0x13d: {  	v40 =	vadd.f32 v29, v28;
	(xrf2) =	vadd.scan.msk.f32 $0xffff, v61;
	v61 =	vmul.f32 v42, v20;
	v29 =	vbroadcast v37, $0xF;
	v37 =	vld [tilespmem:s19+$0x300]  }
0x13e: {  	v20 =	vmul.f32 v43, v20;
	v43 =	vmul.f32 v45, v16;
	v1 =	vsel vm1, v14, v1;
	v14 =	vld [tilespmem:s18+$0xA0];
	(xrf2) =	vadd.scan.msk.f32 $0xffff, v3  }
0x13f: {  	v63 =	vadd.f32 v59, v58;
	v42 =	vadd.f32 v36, v35;
	v35 =	vld [tilespmem:s19+$0x2F0];
	v59 =	vmul.f32 v51, v16;
	(xrf2) =	vadd.scan.msk.f32 $0xffff, v30  }
0x140: {  	v39 =	vadd.f32 v62, v61;
	v41, _, _ =	vpop (xrf2);
	v21 =	vmul.f32 v21, v4;
	(xrf2) =	vadd.scan.msk.f32 $0xffff, v40;
	v40 =	vmul.f32 v44, v24;
	v24 =	vld [tilespmem:s19+$0x2C0]  }
0x141: {  	v1 =	vsel vm2, v1, v29;
	v44 =	vmul.f32 v52, v19;
	v28 =	vbroadcast v41, $0xF;
	v41 =	vld [tilespmem:s19+$0x390]  }
0x142: {  	v52 =	vmul.f32 v50, v19;
	(xrf2) =	vadd.scan.msk.f32 $0xffff, v60;
	v60 =	vmul.f32 v53, v19;
	v45 =	vadd.f32 v40, v20;
	v40 =	vld [tilespmem:s19+$0x310]  }
0x143: {  	(xrf2) =	vadd.scan.msk.f32 $0xffff, v63;
	v46 =	vadd.f32 v44, v43;
	v63 =	vmul.f32 v54, v16;
	v44 =	vmul.f32 v55, v19;
	v43 =	vld [tilespmem:s19+$0x350]  }
0x144: {  	v31, _, _ =	vpop (xrf2);
	v62 =	vadd.f32 v52, v47;
	v52 =	vbroadcast v48, $0xF;
	v16 =	vmul.f32 v32, v16;
	v32 =	vld [tilespmem:s19+$0x380];
	(xrf2) =	vadd.scan.msk.f32 $0xffff, v39  }
0x145: {  	v1 =	vsel vm3, v1, v28;
	v55 =	vbroadcast v49, $0xF;
	v19 =	vmul.f32 v33, v19;
	v33 =	vld [tilespmem:s19+$0x3C0];
	v20, _, _ =	vpop (xrf2);
	(xrf2) =	vadd.scan.msk.f32 $0xffff, v42  }
0x146: {  	v0 =	vadd.f32 v60, v59;
	v39 =	vld [tilespmem:s19+$0x370];
	v51 =	vadd.f32 v44, v63;
	v58, _, _ =	vpop (xrf2);
	(xrf2) =	vadd.scan.msk.f32 $0xffff, v45;
	v45 =	vbroadcast v31, $0xF  }
0x147: {  	v42 =	vld [tilespmem:s19+$0x330];
	v60 =	vsel vm12, v57, v52;
	v16 =	vadd.f32 v19, v16;
	v47 =	vbroadcast v20, $0xF;
	v61, _, _ =	vpop (xrf2)  }
0x148: {  	v19 =	vld [tilespmem:s19+$0x3A0];
	v3 =	vsel vm13, v60, v55;
	(xrf2) =	vadd.scan.msk.f32 $0xffff, v46;
	v53 =	vbroadcast v58, $0xF;
	v46, _, _ =	vpop (xrf2);
	v1 =	vsel vm4, v1, v45  }
0x149: {  	v44 =	vld [tilespmem:s19+$0x3B0];
	v60 =	vmul.f32 v12, v17;
	v58 =	vbroadcast v61, $0xF;
	v50, _, _ =	vpop (xrf2);
	v1 =	vsel vm5, v1, v47  }
0x14a: {  	v20 =	vld [tilespmem:s18+$0xB0];
	(xrf2) =	vadd.scan.msk.f32 $0xffff, v62;
	v32 =	vmul.f32 v32, v14;
	v61 =	vbroadcast v46, $0xF;
	v54, _, _ =	vpop (xrf2);
	v1 =	vsel vm6, v1, v53  }
0x14b: {  	(xrf2) =	vadd.scan.msk.f32 $0xffff, v0;
	v0 =	vld [tilespmem:s19+$0x320];
	v63 =	vbroadcast v50, $0xF;
	v59, _, _ =	vpop (xrf2);
	v28 =	vsel vm7, v1, v58;
	v47 =	vbroadcast v54, $0xF  }
0x14c: {  	v31 =	vld [tilespmem:s19+$0x340];
	v1 =	vsel vm14, v3, v2;
	v62, _, _ =	vpop (xrf2);
	v48 =	vbroadcast v59, $0xF;
	v59 =	vmul.f32 v11, v18  }
0x14d: {  	v12 =	vld [tilespmem:s19+$0x3F0];
	(xrf2) =	vadd.scan.msk.f32 $0xffff, v51;
	v46 =	vsel vm8, v28, v61;
	v61 =	vmul.f32 v13, v18;
	v29 =	vbroadcast v62, $0xF  }
0x14e: {  	v17 =	vld [tilespmem:s19+$0x410];
	v45, _, _ =	vpop (xrf2);
	v3 =	vsel vm9, v46, v63;
	v62 =	vmul.f32 v15, v6;
	v46 =	vmul.f32 v24, v6  }
0x14f: {  	v28 =	vld [tilespmem:s19+$0x360];
	v2, _, _ =	vpop (xrf2);
	v3 =	vsel vm10, v3, v47;
	v51 =	vbroadcast v45, $0xF;
	(xrf2) =	vadd.scan.msk.f32 $0xffff, v16;
	v63 =	vadd.f32 v59, v10  }
0x150: {  	v18 =	vld [tilespmem:s19+$0x420];
	v38 =	vadd.f32 v61, v60;
	v45 =	vmul.f32 v23, v4;
	v0 =	vmul.f32 v0, v14;
	v49, _, _ =	vpop (xrf2)  }
0x151: {  	v11 =	vld [tilespmem:s18+$0xE0];
	v59 =	vmul.f32 v31, v14;
	v60 =	vmul.f32 v43, v20;
	v3 =	vsel vm11, v3, v48;
	v50, _, _ =	vpop (xrf2)  }
0x152: {  	v15 =	vld [tilespmem:s19+$0x400];
	v47 =	vadd.f32 v21, v62;
	v48 =	vmul.f32 v25, v4;
	v52 =	vbroadcast v49, $0xF;
	v53, _, _ =	vpop (xrf2);
	(xrf2) =	vadd.scan.msk.f32 $0xffff, v34  }
0x153: {  	v16 =	vld [tilespmem:s18+$0xC0];
	v3 =	vsel vm12, v3, v29;
	v49 =	vmul.f32 v27, v6;
	v26 =	vbroadcast v50, $0xF  }
0x154: {  	v23 =	vld [tilespmem:s18+$0xF0];
	v3 =	vsel vm13, v3, v51;
	v34 =	vmul.f32 v22, v6;
	v6 =	vmul.f32 v37, v6;
	v54, _, _ =	vpop (xrf2)  }
0x155: {  	v61 =	vld [tilespmem:s19+$0x460];
	v36 =	vbroadcast v53, $0xF;
	(xrf2) =	vadd.scan.msk.f32 $0xffff, v5;
	v53 =	vadd.f32 v48, v46;
	v29 =	vbroadcast v54, $0xF  }
0x156: {  	v31 =	vld [tilespmem:s19+$0x470];
	v26 =	vsel vm0, v52, v26;
	v55, _, _ =	vpop (xrf2);
	(xrf2) =	vadd.scan.msk.f32 $0xffff, v8;
	v52 =	vmul.f32 v35, v4;
	v4 =	vmul.f32 v40, v4  }
0x157: {  	v21 =	vld [tilespmem:s19+$0x430];
	v50 =	vadd.f32 v45, v34;
	v34 =	vmul.f32 v41, v20;
	v40 =	vmul.f32 v44, v20;
	v57, _, _ =	vpop (xrf2);
	(xrf2) =	vadd.scan.msk.f32 $0xffff, v63  }
0x158: {  	v26 =	vsel vm1, v26, v36;
	v30 =	vbroadcast v55, $0xF;
	v36 =	vld [tilespmem:s18+$0xD0];
	v58 =	vbroadcast v57, $0xF;
	(xrf2) =	vadd.scan.msk.f32 $0xffff, v38  }
0x159: {  	v43 =	vmul.f32 v33, v16;
	v15 =	vmul.f32 v15, v16;
	v26 =	vsel vm2, v26, v29;
	v29 =	vld [tilespmem:s19+$0x3E0];
	v51, _, _ =	vpop (xrf2);
	(xrf2) =	vadd.scan.msk.f32 $0xffff, v47  }
0x15a: {  	v55 =	vadd.f32 v52, v49;
	v57 =	vmul.f32 v42, v20;
	v26 =	vsel vm3, v26, v30;
	v30 =	vld [tilespmem:s19+$0x3D0];
	(xrf2) =	vadd.scan.msk.f32 $0xffff, v50  }
0x15b: {  	v22 =	vld [tilespmem:s19+$0x440];
	v8 =	vmul.f32 v61, v11;
	v63 =	vmul.f32 v28, v14;
	v4 =	vadd.f32 v4, v6;
	(xrf2) =	vadd.scan.msk.f32 $0xffff, v53  }
0x15c: {  	v48 =	vld [tilespmem:s19+$0x4B0];
	v28 =	vmul.f32 v39, v20;
	v26 =	vsel vm4, v26, v58;
	v0 =	vadd.f32 v57, v0;
	v58, _, _ =	vpop (xrf2);
	(xrf2) =	vadd.scan.msk.f32 $0xffff, v55  }
0x15d: {  	v62 =	vadd.f32 v60, v59;
	v35 =	vld [tilespmem:s19+$0x480];
	v39 =	vmul.f32 v19, v14;
	v54 =	vbroadcast v51, $0xF;
	(xrf2) =	vadd.scan.msk.f32 $0xffff, v4  }
0x15e: {  	v41 =	vld [tilespmem:s19+$0x490];
	v38 =	vadd.f32 v28, v63;
	v12 =	vmul.f32 v12, v36;
	v47 =	vmul.f32 v29, v16;
	(xrf2) =	vadd.scan.msk.f32 $0xffff, v0  }
0x15f: {  	v45 =	vld [tilespmem:s19+$0x4A0];
	v44 =	vmul.f32 v30, v36;
	v5 =	vbroadcast v58, $0xF;
	v37, _, _ =	vpop (xrf2);
	v0 =	vadd.f32 v34, v32;
	(xrf2) =	vadd.scan.msk.f32 $0xffff, v62  }
0x160: {  	v61 =	vld [tilespmem:s19+$0x4F0];
	v6 =	vadd.f32 v40, v39;
	v17 =	vmul.f32 v17, v36;
	v7 =	vsel vm5, v26, v54;
	v42, _, _ =	vpop (xrf2);
	(xrf2) =	vadd.scan.msk.f32 $0xffff, v38  }
0x161: {  	v50 =	vld [tilespmem:s19+$0x4C0];
	v10 =	vadd.f32 v12, v47;
	v5 =	vsel vm6, v7, v5;
	v46, _, _ =	vpop (xrf2);
	v7 =	vadd.f32 v44, v43;
	(xrf2) =	vadd.scan.msk.f32 $0xffff, v0  }
0x162: {  	v52 =	vmul.f32 v18, v16;
	v53 =	vmul.f32 v21, v36;
	v54 =	vld [tilespmem:s19+$0x4D0];
	v49, _, _ =	vpop (xrf2);
	(xrf2) =	vadd.scan.msk.f32 $0xffff, v6  }
0x163: {  	v59 =	vld [tilespmem:s19+$0x4E0];
	v57 =	vmul.f32 v22, v16;
	v9 =	vmul.f32 v9, v36;
	v55 =	vadd.f32 v17, v15;
	v51, _, _ =	vpop (xrf2);
	(xrf2) =	vadd.scan.msk.f32 $0xffff, v7  }
0x164: {  	v13 =	vmul.f32 v31, v23;
	v24 =	vmul.f32 v48, v23;
	v12 =	vadd.f32 v53, v52;
	v58, _, _ =	vpop (xrf2);
	(xrf2) =	vadd.scan.msk.f32 $0xffff, v10  }
0x165: {  	v60 =	vmul.f32 v35, v11;
	v14 =	vmul.f32 v41, v23;
	v9 =	vadd.f32 v9, v57;
	v10, _, _ =	vpop (xrf2);
	(xrf2) =	vadd.scan.msk.f32 $0xffff, v55  }
0x166: {  	v8 =	vadd.f32 v13, v8;
	v63 =	vmul.f32 v45, v11;
	v36 =	vmul.f32 v61, v23;
	v7, _, _ =	vpop (xrf2);
	(xrf2) =	vadd.scan.msk.f32 $0xffff, v12  }
0x167: {  	v26 =	vadd.f32 v14, v60;
	v28 =	vmul.f32 v50, v11;
	v29 =	vmul.f32 v54, v23;
	v62, _, _ =	vpop (xrf2);
	(xrf2) =	vadd.scan.msk.f32 $0xffff, v9  }
0x168: {  	v13 =	vadd.f32 v24, v63;
	v34 =	vbroadcast v37, $0xF;
	v11 =	vmul.f32 v59, v11;
	v27, _, _ =	vpop (xrf2);
	(xrf2) =	vadd.scan.msk.f32 $0xffff, v8  }
0x169: {  	v33 =	vadd.f32 v29, v28;
	v30 =	vbroadcast v62, $0xF;
	v31 =	vbroadcast v27, $0xF;
	v32, _, _ =	vpop (xrf2);
	(xrf2) =	vadd.scan.msk.f32 $0xffff, v26  }
0x16a: {  	v39 =	vbroadcast v42, $0xF;
	v14 =	vbroadcast v32, $0xF;
	v35, _, _ =	vpop (xrf2);
	(xrf2) =	vadd.scan.msk.f32 $0xffff, v13  }
0x16b: {  	v5 =	vsel vm7, v5, v34;
	v8 =	vsel vm0, v30, v31;
	v12 =	vbroadcast v35, $0xF;
	v37, _, _ =	vpop (xrf2);
	(xrf2) =	vadd.scan.msk.f32 $0xffff, v33  }
0x16c: {  	v11 =	vadd.f32 v36, v11;
	v8 =	vsel vm1, v8, v14;
	v38, _, _ =	vpop (xrf2);
	v14 =	vbroadcast v37, $0xF  }
0x16d: {  	v4 =	vbroadcast v46, $0xF;
	v40, _, _ =	vpop (xrf2);
	v8 =	vsel vm2, v8, v12;
	v9 =	vbroadcast v38, $0xF  }
0x16e: {  	v5 =	vsel vm8, v5, v39;
	v8 =	vsel vm3, v8, v14;
	v41 =	vbroadcast v40, $0xF;
	v42, _, _ =	vpop (xrf2);
	(xrf2) =	vadd.scan.msk.f32 $0xffff, v11  }
0x16f: {  	v0 =	vbroadcast v49, $0xF;
	v43, _, _ =	vpop (xrf2);
	v44 =	vsel vm4, v8, v9;
	v45 =	vbroadcast v42, $0xF  }
0x170: {  	v4 =	vsel vm9, v5, v4;
	v46, _, _ =	vpop (xrf2);
	v5 =	vsel vm5, v44, v41;
	v11 =	vbroadcast v43, $0xF  }
0x171: {  	v0 =	vsel vm10, v4, v0;
	v47, _, _ =	vpop (xrf2);
	v5 =	vsel vm6, v5, v45;
	v48 =	vbroadcast v46, $0xF  }
0x172: {  	v6 =	vbroadcast v51, $0xF;
	v49, _, _ =	vpop (xrf2);
	v50 =	vsel vm7, v5, v11;
	v51 =	vbroadcast v47, $0xF  }
0x173: {  	v55 =	vbroadcast v58, $0xF;
	v52, _, _ =	vpop (xrf2);
	v4 =	vsel vm8, v50, v48;
	v53 =	vbroadcast v49, $0xF  }
0x174: {  	v0 =	vsel vm11, v0, v6;
	v54, _, _ =	vpop (xrf2);
	v4 =	vsel vm9, v4, v51;
	v57 =	vbroadcast v52, $0xF  }
0x175: {  	s21 =	sshra.s32 s20, $0x2;
	p0 =	sne.s32 s20, $0x26C0;
	v59 =	vbroadcast v10, $0xF;
	v58, _, _ =	vpop (xrf2);
	v4 =	vsel vm10, v4, v53;
	v8 =	vbroadcast v54, $0xF  }
.Ltmp0:
0x176: {  	[tilespmem:s21+$0x18C00] =	vst v56;
	v0 =	vsel vm12, v0, v55;
	v4 =	vsel vm11, v4, v57;
	v60 =	vbroadcast v58, $0xF;
	(pc) =	sbr.rel @p0 .LBB2_2-.Ltmp0, $4  }
0x177: {  	v2 =	vsel vm14, v3, v2;
	[tilespmem:s21+$0x18C10] =	vst v1;
	v0 =	vsel vm13, v0, v59;
	v61 =	vsel vm12, v4, v8  }
0x178: {  	[tilespmem:s21+$0x18C20] =	vst v2;
	v0 =	vsel vm14, v0, v7;
	v62 =	vsel vm13, v61, v60;
	v63, _, _ =	vpop (xrf2)  }
0x179: {  	[tilespmem:s21+$0x18C30] =	vst v0;
	v1 =	vsel vm14, v62, v63  }
0x17a: {  	s20 =	sadd.s32 $0x140, s20;
	s18 =	sadd.s32 $0x200, s18;
	s19 =	sadd.s32 $0xA00, s19;
	[tilespmem:s21+$0x18C40] =	vst v1  }
0x17b: {  	s17 =	sadd.s32 $0x1, s17  }
0x17c: {  	p0 =	sne.s32 s17, s8  }
.Ltmp1:
0x17d: {  	_ = 	snop;
	(pc) =	sbr.rel @p0 .LBB2_1-.Ltmp1, $4  }
0x17e: {  	[hbm4b:s7+s2] =	stream.linear.scatter [tilespmem:s16], [sflag:$0x2], $0xA00, $0x38;
	[tilespmem:$0x19600] =	vst v63  }
0x17f: {  	_ =	swait.ge [sflag:s9], $0xA00  }
0x180: {  	[sflag:s9] =	ssyncset.done $0x0  }
0x181: {  	[sflag:s9] =	ssyncadd.s32 $0xFFFFF600  }
0x182: {  	_ =	sfence.sel $0x180000  }
0x183: {  	[bflag:$0x0] =	sbarrier.arrive $0xFFFF  }
0x184: {  	_ =	strace $0x90000047  }
0x185: {  	s0 =	stileid.u32;
	[bflag:$0x2] =	sbarrier.arrive $0xFFFF  }
0x186: {  	p0 =	sne.s32 s0, $0x0;
	s0 =	rddreg [dreg:$0x3]  }
0x187: {  	s0 =	sadd.s32 @!p0 $0x100000, s0  }
0x188: {  	[sflag:s0] =	ssyncadd.tile.s32 @!p0 $0x1;
	_ =	shalt  }
.Lfunc_end2:
_tile_overlayer_lowered:
.L_overlay_start_2:
0x189: {  	(tag) =	ssettag $0x2  }
0x18a: {  	s0 =	rddreg [dreg:$0x0];
	s2 =	stileid.u32  }
0x18b: {  	s1 =	rddreg [dreg:$0x1];
	p0 =	sne.s32 s2, $0x0  }
0x18c: {  	s3 =	rddreg [dreg:$0x2];
	[bflag:$0x3] =	sbarrier.arrive $0xFFFF;
	s2 =	simm.s32 @!p0 $0x1C02  }
0x18d: {  	[timem:s3], [sflag:s2] =	dma.local @!p0 [hbm:s0], s1  }
0x18e: {  	s0 =	simm.s32 @!p0 $0x2  }
0x18f: {  	_ =	swait.ge @!p0 [sflag:s0], s1  }
0x190: {  	s1 =	ssub.s32 @!p0 $0x0, s1;
	[sflag:s0] =	ssyncset.done @!p0 $0x0  }
0x191: {  	[sflag:s0] =	ssyncadd.s32 @!p0 s1  }
0x192: {  	[bflag:$0x3] =	sbarrier.arrive $0xFFFF  }
0x193: {  	_ =	shalt  }

</sc_bundles>
